<compile_context>
chip_gen: v7x
topology: tpu7x:2x2x1
jax: 0.10.2.dev20260603
libtpu: 0.0.44.dev20260713+nightly
codegen_flags: <defaults>
</compile_context>

<pallas_src>
import jax
import jax.numpy as jnp
from jax import lax
from jax.experimental import pallas as pl
from jax.experimental.pallas import tpu as pltpu, tpu_sc as plsc

N = 10000
E = 320000
D = 128
N_PAD = 10240
NC, NS = 2, 16
NW = NC * NS
RPT = N_PAD // NS
L = 16

KD = 80
CHD = 125

KE = 80
CHE = 128
EPTE = KE * CHE
PADE = EPTE - E // NW
NBUF = 4


def _sc_mesh():
    return plsc.VectorSubcoreMesh(core_axis_name="c", subcore_axis_name="s")


def _splat(vec, lane):
    idx = jnp.full((L, 1), lane, jnp.int32)
    dnums = lax.GatherDimensionNumbers(
        offset_dims=(), collapsed_slice_dims=(0,), start_index_map=(0,))
    return lax.gather(vec, idx, dnums, (1,),
                      mode=lax.GatherScatterMode.PROMISE_IN_BOUNDS)


def _rsqrt_nr(d):
    i = lax.bitcast_convert_type(d, jnp.int32)
    i = jnp.int32(0x5F3759DF) - lax.shift_right_logical(i, 1)
    r = lax.bitcast_convert_type(i, jnp.float32)
    for _ in range(3):
        r = r * (1.5 - 0.5 * d * r * r)
    return r


def _deg_body(ni2_hbm, no2_hbm, ew_hbm, din_out, dout_out,
              ni_v, no_v, ew_v, z_v, dsem, osem, din_sh, dout_sh):
    cid = lax.axis_index("c")
    sid = lax.axis_index("s")
    wid = cid * NS + sid
    ept = E // NW

    pltpu.sync_copy(ni2_hbm.at[wid], ni_v)
    pltpu.sync_copy(no2_hbm.at[wid], no_v)
    pltpu.sync_copy(ew_hbm.at[pl.ds(wid * ept, ept)], ew_v)

    def _z(i, carry):
        z_v[pl.ds(i * L, L)] = jnp.zeros((L,), jnp.float32)
        return carry
    lax.fori_loop(0, RPT // L, _z, 0)
    pltpu.sync_copy(z_v, din_sh.at[pl.ds(sid * RPT, RPT)])
    pltpu.sync_copy(z_v, dout_sh.at[pl.ds(sid * RPT, RPT)])
    plsc.subcore_barrier()

    GRP = 25
    def _grp_sc(g, carry):
        for j in range(GRP):
            c = g * GRP + j
            src = ew_v.at[pl.ds(c * KD, KD)]
            pltpu.async_copy(src, din_sh.at[ni_v.at[c]], dsem, add=True)
            pltpu.async_copy(src, dout_sh.at[no_v.at[c]], osem, add=True)
        for j in range(GRP):
            c = g * GRP + j
            src = ew_v.at[pl.ds(c * KD, KD)]
            pltpu.make_async_copy(src, din_sh.at[ni_v.at[c]], dsem).wait()
            pltpu.make_async_copy(src, dout_sh.at[no_v.at[c]], osem).wait()
        return carry
    lax.fori_loop(0, CHD // GRP, _grp_sc, 0)
    plsc.subcore_barrier()

    pltpu.sync_copy(din_sh.at[pl.ds(sid * RPT, RPT)], z_v)
    pltpu.sync_copy(z_v, din_out.at[pl.ds(cid * N_PAD + sid * RPT, RPT)])
    pltpu.sync_copy(dout_sh.at[pl.ds(sid * RPT, RPT)], z_v)
    pltpu.sync_copy(z_v, dout_out.at[pl.ds(cid * N_PAD + sid * RPT, RPT)])


@jax.jit
def _sc_degrees(ni2, no2, ew):
    return pl.kernel(
        _deg_body,
        out_type=[jax.ShapeDtypeStruct((NC * N_PAD,), jnp.float32),
                  jax.ShapeDtypeStruct((NC * N_PAD,), jnp.float32)],
        mesh=_sc_mesh(),
        scratch_types=[
            pltpu.VMEM((CHD, KD), jnp.int32),
            pltpu.VMEM((CHD, KD), jnp.int32),
            pltpu.VMEM((E // NW,), jnp.float32),
            pltpu.VMEM((RPT,), jnp.float32),
            pltpu.SemaphoreType.DMA,
            pltpu.SemaphoreType.DMA,
            pltpu.VMEM_SHARED((N_PAD,), jnp.float32),
            pltpu.VMEM_SHARED((N_PAD,), jnp.float32),
        ],
    )(ni2, no2, ew)


def _edge_body(ni_hbm, no_hbm, ew_hbm, xi_hbm, din_hbm, acc_out,
               nir, nor, ewr, rinr, rb0, rb1, bufs,
               isems, gsems, rsems, ssems, acc_sh, rin_sh):
    cid = lax.axis_index("c")
    sid = lax.axis_index("s")
    wid = cid * NS + sid
    base = wid * EPTE

    pltpu.sync_copy(din_hbm.at[pl.ds(sid * RPT, RPT)], rb0)
    pltpu.sync_copy(din_hbm.at[pl.ds(N_PAD + sid * RPT, RPT)], rb1)

    def _rin(i, carry):
        sl = pl.ds(i * L, L)
        d = rb0[sl] + rb1[sl] + 1.0
        rb0[sl] = _rsqrt_nr(d)
        return carry
    lax.fori_loop(0, RPT // L, _rin, 0)
    pltpu.sync_copy(rb0, rin_sh.at[pl.ds(sid * RPT, RPT)])

    def _zr(r, carry):
        for q in range(D // L):
            bufs[0, r, pl.ds(q * L, L)] = jnp.zeros((L,), jnp.float32)
        return carry
    lax.fori_loop(0, KE, _zr, 0)
    for kk in range(RPT // KE):
        pltpu.sync_copy(bufs.at[0], acc_sh.at[pl.ds(sid * RPT + kk * KE, KE)])
    plsc.subcore_barrier()

    NR = 2 * NBUF

    def _idx_start(t, r):
        sl = pl.ds(base + t * KE, KE)
        pltpu.async_copy(ni_hbm.at[sl], nir.at[r], isems.at[r])
        pltpu.async_copy(no_hbm.at[sl], nor.at[r], isems.at[r])
        pltpu.async_copy(ew_hbm.at[sl], ewr.at[r], isems.at[r])

    def _idx_wait(t, r):
        sl = pl.ds(base + t * KE, KE)
        pltpu.make_async_copy(ni_hbm.at[sl], nir.at[r], isems.at[r]).wait()
        pltpu.make_async_copy(no_hbm.at[sl], nor.at[r], isems.at[r]).wait()
        pltpu.make_async_copy(ew_hbm.at[sl], ewr.at[r], isems.at[r]).wait()

    def _gather_start(r, b):
        pltpu.async_copy(xi_hbm.at[nir.at[r]], bufs.at[b], gsems.at[b])
        pltpu.async_copy(rin_sh.at[nir.at[r]], rinr.at[r], rsems.at[r])

    def _gather_wait(r, b):
        pltpu.make_async_copy(xi_hbm.at[nir.at[r]], bufs.at[b],
                              gsems.at[b]).wait()
        pltpu.make_async_copy(rin_sh.at[nir.at[r]], rinr.at[r],
                              rsems.at[r]).wait()

    def _scatter_start(r, b):
        pltpu.async_copy(bufs.at[b], acc_sh.at[nor.at[r]], ssems.at[b],
                         add=True)

    def _scatter_wait(r, b):
        pltpu.make_async_copy(bufs.at[b], acc_sh.at[nor.at[r]],
                              ssems.at[b]).wait()

    def _scale(r, b):
        def _grp(g, gcarry):
            ewg = ewr[r, pl.ds(g * L, L)] * rinr[r, pl.ds(g * L, L)]
            for lane in range(L):
                w = _splat(ewg, lane)
                j = g * L + lane
                for q in range(D // L):
                    sl = pl.ds(q * L, L)
                    bufs[b, j, sl] = bufs[b, j, sl] * w
            return gcarry
        lax.fori_loop(0, KE // L, _grp, 0)

    for t0 in range(3):
        _idx_start(t0, t0)
    for t0 in range(2):
        _idx_wait(t0, t0)
        _gather_start(t0, t0)

    def _slot(g, carry):
        for b8 in range(NR):
            t = g * NR + b8
            b = b8 % NBUF
            rw = (b8 + NR - 2) % NR
            bw = (b8 + NBUF - 2) % NBUF
            r3 = (b8 + 3) % NR
            r2 = (b8 + 2) % NR
            b2 = (b8 + 2) % NBUF

            @pl.when(t >= 2)
            def _():
                _scatter_wait(rw, bw)

            @pl.when(t + 3 < CHE)
            def _():
                _idx_start(t + 3, r3)

            @pl.when(t + 2 < CHE)
            def _():
                _idx_wait(t + 2, r2)
                _gather_start(r2, b2)

            _gather_wait(b8, b)
            _scale(b8, b)
            _scatter_start(b8, b)
        return carry
    lax.fori_loop(0, CHE // NR, _slot, 0)
    _scatter_wait((CHE - 2) % NR, (CHE - 2) % NBUF)
    _scatter_wait((CHE - 1) % NR, (CHE - 1) % NBUF)
    plsc.subcore_barrier()

    for kk in range(RPT // KE):
        sl = pl.ds(sid * RPT + kk * KE, KE)
        pltpu.sync_copy(acc_sh.at[sl], bufs.at[0])
        pltpu.sync_copy(bufs.at[0], acc_out.at[cid, sl])


@jax.jit
def _sc_edge_pass(ni, no, ew, xi, din_f):
    return pl.kernel(
        _edge_body,
        out_type=jax.ShapeDtypeStruct((NC, N_PAD, D), jnp.float32),
        mesh=_sc_mesh(),
        scratch_types=[
            pltpu.VMEM((2 * NBUF, KE), jnp.int32),
            pltpu.VMEM((2 * NBUF, KE), jnp.int32),
            pltpu.VMEM((2 * NBUF, KE), jnp.float32),
            pltpu.VMEM((2 * NBUF, KE), jnp.float32),
            pltpu.VMEM((RPT,), jnp.float32),
            pltpu.VMEM((RPT,), jnp.float32),
            pltpu.VMEM((NBUF, KE, D), jnp.float32),
            pltpu.SemaphoreType.DMA((2 * NBUF,)),
            pltpu.SemaphoreType.DMA((NBUF,)),
            pltpu.SemaphoreType.DMA((2 * NBUF,)),
            pltpu.SemaphoreType.DMA((NBUF,)),
            pltpu.VMEM_SHARED((N_PAD, D), jnp.float32),
            pltpu.VMEM_SHARED((N_PAD,), jnp.float32),
        ],
    )(ni, no, ew, xi, din_f)


def _out_body(accp_ref, x_ref, dinp_ref, doutp_ref, w_ref, b_ref, o_ref):
    rin = lax.rsqrt(dinp_ref[0, :] + dinp_ref[1, :] + 1.0)
    rout = lax.rsqrt(doutp_ref[0, :] + doutp_ref[1, :] + 1.0)
    u = (accp_ref[0] + accp_ref[1] + rin[:, None] * x_ref[...])
    u = u * rout[:, None]
    acc = lax.dot_general(u, w_ref[...], (((1,), (1,)), ((), ())),
                          preferred_element_type=jnp.float32)
    o_ref[...] = jnp.maximum(acc + b_ref[...], 0.0)


@jax.jit
def _tc_combine(acc_p, x_in, din_p, dout_p, W, b2):
    blk = 1024
    return pl.pallas_call(
        _out_body,
        grid=(N_PAD // blk,),
        in_specs=[
            pl.BlockSpec((NC, blk, D), lambda i: (0, i, 0)),
            pl.BlockSpec((blk, D), lambda i: (i, 0)),
            pl.BlockSpec((NC, blk), lambda i: (0, i)),
            pl.BlockSpec((NC, blk), lambda i: (0, i)),
            pl.BlockSpec((D, D), lambda i: (0, 0)),
            pl.BlockSpec((1, D), lambda i: (0, 0)),
        ],
        out_specs=pl.BlockSpec((blk, D), lambda i: (i, 0)),
        out_shape=jax.ShapeDtypeStruct((N_PAD, D), jnp.float32),
    )(acc_p, x_in, din_p, dout_p, W, b2)


def kernel(x, edge_index, edge_weight, W, b):
    ni = edge_index[:, 0]
    no = edge_index[:, 1]
    ept = E // NW

    ni2 = ni.reshape(NW, CHD, KD)
    no2 = no.reshape(NW, CHD, KD)

    pad_src = (jnp.arange(PADE, dtype=jnp.int32) * 41) % N
    pad_dst = (jnp.arange(PADE, dtype=jnp.int32) * 41) % N_PAD
    ni_p = jnp.concatenate(
        [ni.reshape(NW, ept),
         jnp.broadcast_to(pad_src, (NW, PADE))], axis=1).reshape(-1)
    no_p = jnp.concatenate(
        [no.reshape(NW, ept),
         jnp.broadcast_to(pad_dst, (NW, PADE))], axis=1).reshape(-1)
    ew_p = jnp.concatenate(
        [edge_weight.reshape(NW, ept),
         jnp.zeros((NW, PADE), jnp.float32)], axis=1).reshape(-1)

    b2 = b.reshape(1, D)

    din_f, dout_f = _sc_degrees(ni2, no2, edge_weight)
    din_p = din_f.reshape(NC, N_PAD)
    dout_p = dout_f.reshape(NC, N_PAD)
    acc_p = _sc_edge_pass(ni_p, no_p, ew_p, x, din_f)
    out = _tc_combine(acc_p, x, din_p, dout_p, W, b2)
    return out[:N]

# --- scband reference (transcript-rebuilt; emitter-appended) ---
"""Pipeline reference for scband-graph-conv-77919296684699 (READ-ONLY COPY).

The authoritative reference and input builder live on the scoring server;
editing this copy changes nothing except your own understanding.
"""

import jax, jax.numpy as jnp
import numpy as np

N = 10000
E = 320000
D = 128

def setup_inputs(seed: int = 0) -> dict:
    key = jax.random.key(seed)
    k1, k2, k3, k4, k5 = jax.random.split(key, 5)
    x = jax.random.normal(k1, (N, D), dtype=jnp.float32)
    edge_index = jax.random.randint(k2, (E, 2), 0, N, dtype=jnp.int32)
    edge_weight = jax.random.uniform(k3, (E,), dtype=jnp.float32)
    W = jax.random.normal(k4, (D, D), dtype=jnp.float32) * 0.05
    b = jax.random.normal(k5, (D,), dtype=jnp.float32) * 0.05
    return {"x": x, "edge_index": edge_index, "edge_weight": edge_weight, "W": W, "b": b}

def reference(x, edge_index, edge_weight, W, b):
    node_in = edge_index[:, 0]
    node_out = edge_index[:, 1]
    # degree_in/degree_out as weighted degrees (torchdrug convention: scatter_add of edge weights)
    degree_in = jnp.zeros((N,), dtype=jnp.float32).at[node_in].add(edge_weight) + 1.0
    degree_out = jnp.zeros((N,), dtype=jnp.float32).at[node_out].add(edge_weight) + 1.0
    loops = jnp.arange(N, dtype=edge_index.dtype)
    ni = jnp.concatenate([node_in, loops])
    no = jnp.concatenate([node_out, loops])
    ew = jnp.concatenate([edge_weight, jnp.ones((N,), dtype=jnp.float32)])
    # symmetric normalization: w_e / (sqrt(d_in[src] * d_out[dst]) + eps)
    w = ew / (jnp.sqrt(degree_in[ni] * degree_out[no]) + 1e-10)
    # sparse.mm(adjacency.t(), input) == gather from src, scatter-add to dst
    msg = w[:, None] * jnp.take(x, ni, axis=0)
    update = jax.ops.segment_sum(msg, no, num_segments=N)
    # combine: linear + relu (no batch_norm, no edge features)
    out = jax.nn.relu(update @ W.T + b)
    return out

if __name__ == "__main__":
    import jax
    _d = setup_inputs()
    print(jax.jit(kernel)(*tuple(_d.values())))

</pallas_src>

<mosaic_0001>
#map = affine_map<(d0, d1) -> (0, 0, 0)>
#map1 = affine_map<(d0, d1) -> (0)>
module attributes {stable_mosaic.version = 14 : i64} {
  func.func @_deg_body(%arg0: i32, %arg1: i32, %arg2: memref<32x125x80xi32, #tpu.memory_space<hbm>>, %arg3: memref<32x125x80xi32, #tpu.memory_space<hbm>>, %arg4: memref<320000xf32, #tpu.memory_space<hbm>>, %arg5: memref<20480xf32, #tpu.memory_space<hbm>>, %arg6: memref<20480xf32, #tpu.memory_space<hbm>>, %arg7: memref<125x80xi32, #tpu.memory_space<vmem>>, %arg8: memref<125x80xi32, #tpu.memory_space<vmem>>, %arg9: memref<10000xf32, #tpu.memory_space<vmem>>, %arg10: memref<640xf32, #tpu.memory_space<vmem>>, %arg11: memref<!tpu.dma_semaphore, #tpu.memory_space<semaphore_mem>>, %arg12: memref<!tpu.dma_semaphore, #tpu.memory_space<semaphore_mem>>, %arg13: memref<10240xf32, #tpu.memory_space<vmem_shared>>, %arg14: memref<10240xf32, #tpu.memory_space<vmem_shared>>) attributes {dimension_semantics = [#tpu.dimension_semantics<core_parallel>, #tpu.dimension_semantics<subcore_parallel>], iteration_bounds = array<i64: 2, 16>, scalar_prefetch = 0 : i64, scratch_operands = 8 : i64, tpu.core_type = #tpu.core_type<sc_vector_subcore>, window_params = [{transform_indices = #map}, {transform_indices = #map}, {transform_indices = #map1}, {transform_indices = #map1}, {transform_indices = #map1}]} {
    %mul3A = arith.constant 16 : i32
    %mul3A_0 = arith.muli %arg0, %mul3A : i32
    %add3A = arith.addi %mul3A_0, %arg1 : i32
    "tpu.region"() ({
      %run_scoped3A = tpu.sem_alloc : memref<!tpu.dma_semaphore, #tpu.memory_space<semaphore_mem>>
      %dma_start3A = arith.constant 0 : i32
      %dma_start3A_33 = arith.constant 0 : i32
      %dma_start3A_34 = tpu.memref_slice %arg2[%add3A, %dma_start3A, %dma_start3A_33] : memref<32x125x80xi32, #tpu.memory_space<hbm>> -> memref<1x125x80xi32, #tpu.memory_space<hbm>>
      %dma_start3A_35 = tpu.memref_squeeze %dma_start3A_34 : memref<1x125x80xi32, #tpu.memory_space<hbm>> -> memref<125x80xi32, #tpu.memory_space<hbm>>
      %dma_start3A_36 = arith.constant 0 : i32
      %dma_start3A_37 = arith.constant 0 : i32
      %dma_start3A_38 = tpu.memref_slice %arg2[%add3A, %dma_start3A_36, %dma_start3A_37] : memref<32x125x80xi32, #tpu.memory_space<hbm>> -> memref<1x125x80xi32, #tpu.memory_space<hbm>>
      %dma_start3A_39 = tpu.memref_squeeze %dma_start3A_38 : memref<1x125x80xi32, #tpu.memory_space<hbm>> -> memref<125x80xi32, #tpu.memory_space<hbm>>
      tpu.enqueue_dma source(%dma_start3A_39 : memref<125x80xi32, #tpu.memory_space<hbm>>) target(%arg7 : memref<125x80xi32, #tpu.memory_space<vmem>>) target_semaphore(%run_scoped3A : memref<!tpu.dma_semaphore, #tpu.memory_space<semaphore_mem>>)
      %dma_wait3A = arith.constant 0 : i32
      %dma_wait3A_40 = arith.constant 0 : i32
      %dma_wait3A_41 = tpu.memref_slice %arg2[%add3A, %dma_wait3A, %dma_wait3A_40] : memref<32x125x80xi32, #tpu.memory_space<hbm>> -> memref<1x125x80xi32, #tpu.memory_space<hbm>>
      %dma_wait3A_42 = tpu.memref_squeeze %dma_wait3A_41 : memref<1x125x80xi32, #tpu.memory_space<hbm>> -> memref<125x80xi32, #tpu.memory_space<hbm>>
      %dma_wait3A_43 = arith.constant 0 : i32
      %dma_wait3A_44 = arith.constant 0 : i32
      %dma_wait3A_45 = tpu.memref_slice %arg2[%add3A, %dma_wait3A_43, %dma_wait3A_44] : memref<32x125x80xi32, #tpu.memory_space<hbm>> -> memref<1x125x80xi32, #tpu.memory_space<hbm>>
      %dma_wait3A_46 = tpu.memref_squeeze %dma_wait3A_45 : memref<1x125x80xi32, #tpu.memory_space<hbm>> -> memref<125x80xi32, #tpu.memory_space<hbm>>
      tpu.wait_dma2 semaphore(%run_scoped3A : memref<!tpu.dma_semaphore, #tpu.memory_space<semaphore_mem>>) src(%dma_wait3A_46 : memref<125x80xi32, #tpu.memory_space<hbm>>) dst(%arg7 : memref<125x80xi32, #tpu.memory_space<vmem>>)
      tpu.yield
    }) : () -> ()
    "tpu.region"() ({
      %run_scoped3A = tpu.sem_alloc : memref<!tpu.dma_semaphore, #tpu.memory_space<semaphore_mem>>
      %dma_start3A = arith.constant 0 : i32
      %dma_start3A_33 = arith.constant 0 : i32
      %dma_start3A_34 = tpu.memref_slice %arg3[%add3A, %dma_start3A, %dma_start3A_33] : memref<32x125x80xi32, #tpu.memory_space<hbm>> -> memref<1x125x80xi32, #tpu.memory_space<hbm>>
      %dma_start3A_35 = tpu.memref_squeeze %dma_start3A_34 : memref<1x125x80xi32, #tpu.memory_space<hbm>> -> memref<125x80xi32, #tpu.memory_space<hbm>>
      %dma_start3A_36 = arith.constant 0 : i32
      %dma_start3A_37 = arith.constant 0 : i32
      %dma_start3A_38 = tpu.memref_slice %arg3[%add3A, %dma_start3A_36, %dma_start3A_37] : memref<32x125x80xi32, #tpu.memory_space<hbm>> -> memref<1x125x80xi32, #tpu.memory_space<hbm>>
      %dma_start3A_39 = tpu.memref_squeeze %dma_start3A_38 : memref<1x125x80xi32, #tpu.memory_space<hbm>> -> memref<125x80xi32, #tpu.memory_space<hbm>>
      tpu.enqueue_dma source(%dma_start3A_39 : memref<125x80xi32, #tpu.memory_space<hbm>>) target(%arg8 : memref<125x80xi32, #tpu.memory_space<vmem>>) target_semaphore(%run_scoped3A : memref<!tpu.dma_semaphore, #tpu.memory_space<semaphore_mem>>)
      %dma_wait3A = arith.constant 0 : i32
      %dma_wait3A_40 = arith.constant 0 : i32
      %dma_wait3A_41 = tpu.memref_slice %arg3[%add3A, %dma_wait3A, %dma_wait3A_40] : memref<32x125x80xi32, #tpu.memory_space<hbm>> -> memref<1x125x80xi32, #tpu.memory_space<hbm>>
      %dma_wait3A_42 = tpu.memref_squeeze %dma_wait3A_41 : memref<1x125x80xi32, #tpu.memory_space<hbm>> -> memref<125x80xi32, #tpu.memory_space<hbm>>
      %dma_wait3A_43 = arith.constant 0 : i32
      %dma_wait3A_44 = arith.constant 0 : i32
      %dma_wait3A_45 = tpu.memref_slice %arg3[%add3A, %dma_wait3A_43, %dma_wait3A_44] : memref<32x125x80xi32, #tpu.memory_space<hbm>> -> memref<1x125x80xi32, #tpu.memory_space<hbm>>
      %dma_wait3A_46 = tpu.memref_squeeze %dma_wait3A_45 : memref<1x125x80xi32, #tpu.memory_space<hbm>> -> memref<125x80xi32, #tpu.memory_space<hbm>>
      tpu.wait_dma2 semaphore(%run_scoped3A : memref<!tpu.dma_semaphore, #tpu.memory_space<semaphore_mem>>) src(%dma_wait3A_46 : memref<125x80xi32, #tpu.memory_space<hbm>>) dst(%arg8 : memref<125x80xi32, #tpu.memory_space<vmem>>)
      tpu.yield
    }) : () -> ()
    %mul3A_1 = arith.constant 10000 : i32
    %mul3A_2 = arith.muli %add3A, %mul3A_1 : i32
    "tpu.region"() ({
      %run_scoped3A = tpu.sem_alloc : memref<!tpu.dma_semaphore, #tpu.memory_space<semaphore_mem>>
      %dma_start3A = tpu.memref_slice %arg4[%mul3A_2] : memref<320000xf32, #tpu.memory_space<hbm>> -> memref<10000xf32, #tpu.memory_space<hbm>>
      %dma_start3A_33 = tpu.memref_slice %arg4[%mul3A_2] : memref<320000xf32, #tpu.memory_space<hbm>> -> memref<10000xf32, #tpu.memory_space<hbm>>
      tpu.enqueue_dma source(%dma_start3A_33 : memref<10000xf32, #tpu.memory_space<hbm>>) target(%arg9 : memref<10000xf32, #tpu.memory_space<vmem>>) target_semaphore(%run_scoped3A : memref<!tpu.dma_semaphore, #tpu.memory_space<semaphore_mem>>)
      %dma_wait3A = tpu.memref_slice %arg4[%mul3A_2] : memref<320000xf32, #tpu.memory_space<hbm>> -> memref<10000xf32, #tpu.memory_space<hbm>>
      %dma_wait3A_34 = tpu.memref_slice %arg4[%mul3A_2] : memref<320000xf32, #tpu.memory_space<hbm>> -> memref<10000xf32, #tpu.memory_space<hbm>>
      tpu.wait_dma2 semaphore(%run_scoped3A : memref<!tpu.dma_semaphore, #tpu.memory_space<semaphore_mem>>) src(%dma_wait3A_34 : memref<10000xf32, #tpu.memory_space<hbm>>) dst(%arg9 : memref<10000xf32, #tpu.memory_space<vmem>>)
      tpu.yield
    }) : () -> ()
    %scan3A = arith.constant 0 : i32
    %scan3A_3 = arith.constant 0 : i32
    %scan3A_4 = arith.constant 40 : i32
    %scan3A_5 = arith.addi %scan3A_3, %scan3A_4 : i32
    %scan3A_6 = arith.constant 1 : i32
    scf.for %scan3A_33 = %scan3A_3 to %scan3A_5 step %scan3A_6  : i32 {
      %broadcast_in_dim3A = arith.constant 0.000000e+00 : f32
      %broadcast_in_dim3A_34 = vector.broadcast %broadcast_in_dim3A : f32 to vector<16xf32>
      %mul3A_35 = arith.constant 16 : i32
      %mul3A_36 = arith.muli %scan3A_33, %mul3A_35 : i32
      %swap3A = arith.index_cast %mul3A_36 : i32 to index
      %swap3A_37 = tpu.vector_load %arg10[%swap3A] {strides = array<i32>} : memref<640xf32, #tpu.memory_space<vmem>>, vector<16xf32>,
      %swap3A_38 = vector.shape_cast %swap3A_37 : vector<16xf32> to vector<16xf32>
      %swap3A_39 = vector.shape_cast %broadcast_in_dim3A_34 : vector<16xf32> to vector<16xf32>
      tpu.vector_store %arg10[%swap3A], %swap3A_39 {strides = array<i32>} : memref<640xf32, #tpu.memory_space<vmem>>, vector<16xf32>,
    }
    %scan3A_7 = arith.constant 40 : i32
    %mul3A_8 = arith.constant 640 : i32
    %mul3A_9 = arith.muli %arg1, %mul3A_8 : i32
    "tpu.region"() ({
      %run_scoped3A = tpu.sem_alloc : memref<!tpu.dma_semaphore, #tpu.memory_space<semaphore_mem>>
      %dma_start3A = tpu.memref_slice %arg13[%mul3A_9] : memref<10240xf32, #tpu.memory_space<vmem_shared>> -> memref<640xf32, #tpu.memory_space<vmem_shared>>
      %dma_start3A_33 = tpu.memref_slice %arg13[%mul3A_9] : memref<10240xf32, #tpu.memory_space<vmem_shared>> -> memref<640xf32, #tpu.memory_space<vmem_shared>>
      tpu.enqueue_dma source(%arg10 : memref<640xf32, #tpu.memory_space<vmem>>) target(%dma_start3A_33 : memref<640xf32, #tpu.memory_space<vmem_shared>>) target_semaphore(%run_scoped3A : memref<!tpu.dma_semaphore, #tpu.memory_space<semaphore_mem>>)
      %dma_wait3A = tpu.memref_slice %arg13[%mul3A_9] : memref<10240xf32, #tpu.memory_space<vmem_shared>> -> memref<640xf32, #tpu.memory_space<vmem_shared>>
      %dma_wait3A_34 = tpu.memref_slice %arg13[%mul3A_9] : memref<10240xf32, #tpu.memory_space<vmem_shared>> -> memref<640xf32, #tpu.memory_space<vmem_shared>>
      tpu.wait_dma2 semaphore(%run_scoped3A : memref<!tpu.dma_semaphore, #tpu.memory_space<semaphore_mem>>) src(%arg10 : memref<640xf32, #tpu.memory_space<vmem>>) dst(%dma_wait3A_34 : memref<640xf32, #tpu.memory_space<vmem_shared>>)
      tpu.yield
    }) : () -> ()
    %mul3A_10 = arith.constant 640 : i32
    %mul3A_11 = arith.muli %arg1, %mul3A_10 : i32
    "tpu.region"() ({
      %run_scoped3A = tpu.sem_alloc : memref<!tpu.dma_semaphore, #tpu.memory_space<semaphore_mem>>
      %dma_start3A = tpu.memref_slice %arg14[%mul3A_11] : memref<10240xf32, #tpu.memory_space<vmem_shared>> -> memref<640xf32, #tpu.memory_space<vmem_shared>>
      %dma_start3A_33 = tpu.memref_slice %arg14[%mul3A_11] : memref<10240xf32, #tpu.memory_space<vmem_shared>> -> memref<640xf32, #tpu.memory_space<vmem_shared>>
      tpu.enqueue_dma source(%arg10 : memref<640xf32, #tpu.memory_space<vmem>>) target(%dma_start3A_33 : memref<640xf32, #tpu.memory_space<vmem_shared>>) target_semaphore(%run_scoped3A : memref<!tpu.dma_semaphore, #tpu.memory_space<semaphore_mem>>)
      %dma_wait3A = tpu.memref_slice %arg14[%mul3A_11] : memref<10240xf32, #tpu.memory_space<vmem_shared>> -> memref<640xf32, #tpu.memory_space<vmem_shared>>
      %dma_wait3A_34 = tpu.memref_slice %arg14[%mul3A_11] : memref<10240xf32, #tpu.memory_space<vmem_shared>> -> memref<640xf32, #tpu.memory_space<vmem_shared>>
      tpu.wait_dma2 semaphore(%run_scoped3A : memref<!tpu.dma_semaphore, #tpu.memory_space<semaphore_mem>>) src(%arg10 : memref<640xf32, #tpu.memory_space<vmem>>) dst(%dma_wait3A_34 : memref<640xf32, #tpu.memory_space<vmem_shared>>)
      tpu.yield
    }) : () -> ()
    %barrier3A = arith.constant 0 : index
    tpu.barrier barrier_id(%barrier3A)
    %scan3A_12 = arith.constant 0 : i32
    %scan3A_13 = arith.constant 0 : i32
    %scan3A_14 = arith.constant 5 : i32
    %scan3A_15 = arith.addi %scan3A_13, %scan3A_14 : i32
    %scan3A_16 = arith.constant 1 : i32
    scf.for %scan3A_33 = %scan3A_13 to %scan3A_15 step %scan3A_16  : i32 {
      %mul3A_34 = arith.constant 25 : i32
      %mul3A_35 = arith.muli %scan3A_33, %mul3A_34 : i32
      %add3A_36 = arith.constant 0 : i32
      %add3A_37 = arith.addi %mul3A_35, %add3A_36 : i32
      %mul3A_38 = arith.constant 80 : i32
      %mul3A_39 = arith.muli %add3A_37, %mul3A_38 : i32
      %dma_start3A = tpu.memref_slice %arg9[%mul3A_39] : memref<10000xf32, #tpu.memory_space<vmem>> -> memref<80xf32, #tpu.memory_space<vmem>>
      %dma_start3A_40 = arith.constant 0 : i32
      %dma_start3A_41 = tpu.memref_slice %arg7[%add3A_37, %dma_start3A_40] : memref<125x80xi32, #tpu.memory_space<vmem>> -> memref<1x80xi32, #tpu.memory_space<vmem>>
      %dma_start3A_42 = tpu.memref_squeeze %dma_start3A_41 : memref<1x80xi32, #tpu.memory_space<vmem>> -> memref<80xi32, #tpu.memory_space<vmem>>
      %dma_start3A_43 = arith.constant 0 : i32
      %dma_start3A_44 = tpu.memref_slice %arg13[%dma_start3A_43] : memref<10240xf32, #tpu.memory_space<vmem_shared>> -> memref<10240xf32, #tpu.memory_space<vmem_shared>>
      tpu.enqueue_indirect_dma source(%dma_start3A : memref<80xf32, #tpu.memory_space<vmem>>) target(%dma_start3A_44 : memref<10240xf32, #tpu.memory_space<vmem_shared>>) offsets(%dma_start3A_42 : memref<80xi32, #tpu.memory_space<vmem>>) semaphore(%arg11 : memref<!tpu.dma_semaphore, #tpu.memory_space<semaphore_mem>>) {add = true}
      %dma_start3A_45 = tpu.memref_slice %arg9[%mul3A_39] : memref<10000xf32, #tpu.memory_space<vmem>> -> memref<80xf32, #tpu.memory_space<vmem>>
      %dma_start3A_46 = arith.constant 0 : i32
      %dma_start3A_47 = tpu.memref_slice %arg8[%add3A_37, %dma_start3A_46] : memref<125x80xi32, #tpu.memory_space<vmem>> -> memref<1x80xi32, #tpu.memory_space<vmem>>
      %dma_start3A_48 = tpu.memref_squeeze %dma_start3A_47 : memref<1x80xi32, #tpu.memory_space<vmem>> -> memref<80xi32, #tpu.memory_space<vmem>>
      %dma_start3A_49 = arith.constant 0 : i32
      %dma_start3A_50 = tpu.memref_slice %arg14[%dma_start3A_49] : memref<10240xf32, #tpu.memory_space<vmem_shared>> -> memref<10240xf32, #tpu.memory_space<vmem_shared>>
      tpu.enqueue_indirect_dma source(%dma_start3A_45 : memref<80xf32, #tpu.memory_space<vmem>>) target(%dma_start3A_50 : memref<10240xf32, #tpu.memory_space<vmem_shared>>) offsets(%dma_start3A_48 : memref<80xi32, #tpu.memory_space<vmem>>) semaphore(%arg12 : memref<!tpu.dma_semaphore, #tpu.memory_space<semaphore_mem>>) {add = true}
      %mul3A_51 = arith.constant 25 : i32
      %mul3A_52 = arith.muli %scan3A_33, %mul3A_51 : i32
      %add3A_53 = arith.constant 1 : i32
      %add3A_54 = arith.addi %mul3A_52, %add3A_53 : i32
      %mul3A_55 = arith.constant 80 : i32
      %mul3A_56 = arith.muli %add3A_54, %mul3A_55 : i32
      %dma_start3A_57 = tpu.memref_slice %arg9[%mul3A_56] : memref<10000xf32, #tpu.memory_space<vmem>> -> memref<80xf32, #tpu.memory_space<vmem>>
      %dma_start3A_58 = arith.constant 0 : i32
      %dma_start3A_59 = tpu.memref_slice %arg7[%add3A_54, %dma_start3A_58] : memref<125x80xi32, #tpu.memory_space<vmem>> -> memref<1x80xi32, #tpu.memory_space<vmem>>
      %dma_start3A_60 = tpu.memref_squeeze %dma_start3A_59 : memref<1x80xi32, #tpu.memory_space<vmem>> -> memref<80xi32, #tpu.memory_space<vmem>>
      %dma_start3A_61 = arith.constant 0 : i32
      %dma_start3A_62 = tpu.memref_slice %arg13[%dma_start3A_61] : memref<10240xf32, #tpu.memory_space<vmem_shared>> -> memref<10240xf32, #tpu.memory_space<vmem_shared>>
      tpu.enqueue_indirect_dma source(%dma_start3A_57 : memref<80xf32, #tpu.memory_space<vmem>>) target(%dma_start3A_62 : memref<10240xf32, #tpu.memory_space<vmem_shared>>) offsets(%dma_start3A_60 : memref<80xi32, #tpu.memory_space<vmem>>) semaphore(%arg11 : memref<!tpu.dma_semaphore, #tpu.memory_space<semaphore_mem>>) {add = true}
      %dma_start3A_63 = tpu.memref_slice %arg9[%mul3A_56] : memref<10000xf32, #tpu.memory_space<vmem>> -> memref<80xf32, #tpu.memory_space<vmem>>
      %dma_start3A_64 = arith.constant 0 : i32
      %dma_start3A_65 = tpu.memref_slice %arg8[%add3A_54, %dma_start3A_64] : memref<125x80xi32, #tpu.memory_space<vmem>> -> memref<1x80xi32, #tpu.memory_space<vmem>>
      %dma_start3A_66 = tpu.memref_squeeze %dma_start3A_65 : memref<1x80xi32, #tpu.memory_space<vmem>> -> memref<80xi32, #tpu.memory_space<vmem>>
      %dma_start3A_67 = arith.constant 0 : i32
      %dma_start3A_68 = tpu.memref_slice %arg14[%dma_start3A_67] : memref<10240xf32, #tpu.memory_space<vmem_shared>> -> memref<10240xf32, #tpu.memory_space<vmem_shared>>
      tpu.enqueue_indirect_dma source(%dma_start3A_63 : memref<80xf32, #tpu.memory_space<vmem>>) target(%dma_start3A_68 : memref<10240xf32, #tpu.memory_space<vmem_shared>>) offsets(%dma_start3A_66 : memref<80xi32, #tpu.memory_space<vmem>>) semaphore(%arg12 : memref<!tpu.dma_semaphore, #tpu.memory_space<semaphore_mem>>) {add = true}
      %mul3A_69 = arith.constant 25 : i32
      %mul3A_70 = arith.muli %scan3A_33, %mul3A_69 : i32
      %add3A_71 = arith.constant 2 : i32
      %add3A_72 = arith.addi %mul3A_70, %add3A_71 : i32
      %mul3A_73 = arith.constant 80 : i32
      %mul3A_74 = arith.muli %add3A_72, %mul3A_73 : i32
      %dma_start3A_75 = tpu.memref_slice %arg9[%mul3A_74] : memref<10000xf32, #tpu.memory_space<vmem>> -> memref<80xf32, #tpu.memory_space<vmem>>
      %dma_start3A_76 = arith.constant 0 : i32
      %dma_start3A_77 = tpu.memref_slice %arg7[%add3A_72, %dma_start3A_76] : memref<125x80xi32, #tpu.memory_space<vmem>> -> memref<1x80xi32, #tpu.memory_space<vmem>>
      %dma_start3A_78 = tpu.memref_squeeze %dma_start3A_77 : memref<1x80xi32, #tpu.memory_space<vmem>> -> memref<80xi32, #tpu.memory_space<vmem>>
      %dma_start3A_79 = arith.constant 0 : i32
      %dma_start3A_80 = tpu.memref_slice %arg13[%dma_start3A_79] : memref<10240xf32, #tpu.memory_space<vmem_shared>> -> memref<10240xf32, #tpu.memory_space<vmem_shared>>
      tpu.enqueue_indirect_dma source(%dma_start3A_75 : memref<80xf32, #tpu.memory_space<vmem>>) target(%dma_start3A_80 : memref<10240xf32, #tpu.memory_space<vmem_shared>>) offsets(%dma_start3A_78 : memref<80xi32, #tpu.memory_space<vmem>>) semaphore(%arg11 : memref<!tpu.dma_semaphore, #tpu.memory_space<semaphore_mem>>) {add = true}
      %dma_start3A_81 = tpu.memref_slice %arg9[%mul3A_74] : memref<10000xf32, #tpu.memory_space<vmem>> -> memref<80xf32, #tpu.memory_space<vmem>>
      %dma_start3A_82 = arith.constant 0 : i32
      %dma_start3A_83 = tpu.memref_slice %arg8[%add3A_72, %dma_start3A_82] : memref<125x80xi32, #tpu.memory_space<vmem>> -> memref<1x80xi32, #tpu.memory_space<vmem>>
      %dma_start3A_84 = tpu.memref_squeeze %dma_start3A_83 : memref<1x80xi32, #tpu.memory_space<vmem>> -> memref<80xi32, #tpu.memory_space<vmem>>
      %dma_start3A_85 = arith.constant 0 : i32
      %dma_start3A_86 = tpu.memref_slice %arg14[%dma_start3A_85] : memref<10240xf32, #tpu.memory_space<vmem_shared>> -> memref<10240xf32, #tpu.memory_space<vmem_shared>>
      tpu.enqueue_indirect_dma source(%dma_start3A_81 : memref<80xf32, #tpu.memory_space<vmem>>) target(%dma_start3A_86 : memref<10240xf32, #tpu.memory_space<vmem_shared>>) offsets(%dma_start3A_84 : memref<80xi32, #tpu.memory_space<vmem>>) semaphore(%arg12 : memref<!tpu.dma_semaphore, #tpu.memory_space<semaphore_mem>>) {add = true}
      %mul3A_87 = arith.constant 25 : i32
      %mul3A_88 = arith.muli %scan3A_33, %mul3A_87 : i32
      %add3A_89 = arith.constant 3 : i32
      %add3A_90 = arith.addi %mul3A_88, %add3A_89 : i32
      %mul3A_91 = arith.constant 80 : i32
      %mul3A_92 = arith.muli %add3A_90, %mul3A_91 : i32
      %dma_start3A_93 = tpu.memref_slice %arg9[%mul3A_92] : memref<10000xf32, #tpu.memory_space<vmem>> -> memref<80xf32, #tpu.memory_space<vmem>>
      %dma_start3A_94 = arith.constant 0 : i32
      %dma_start3A_95 = tpu.memref_slice %arg7[%add3A_90, %dma_start3A_94] : memref<125x80xi32, #tpu.memory_space<vmem>> -> memref<1x80xi32, #tpu.memory_space<vmem>>
      %dma_start3A_96 = tpu.memref_squeeze %dma_start3A_95 : memref<1x80xi32, #tpu.memory_space<vmem>> -> memref<80xi32, #tpu.memory_space<vmem>>
      %dma_start3A_97 = arith.constant 0 : i32
      %dma_start3A_98 = tpu.memref_slice %arg13[%dma_start3A_97] : memref<10240xf32, #tpu.memory_space<vmem_shared>> -> memref<10240xf32, #tpu.memory_space<vmem_shared>>
      tpu.enqueue_indirect_dma source(%dma_start3A_93 : memref<80xf32, #tpu.memory_space<vmem>>) target(%dma_start3A_98 : memref<10240xf32, #tpu.memory_space<vmem_shared>>) offsets(%dma_start3A_96 : memref<80xi32, #tpu.memory_space<vmem>>) semaphore(%arg11 : memref<!tpu.dma_semaphore, #tpu.memory_space<semaphore_mem>>) {add = true}
      %dma_start3A_99 = tpu.memref_slice %arg9[%mul3A_92] : memref<10000xf32, #tpu.memory_space<vmem>> -> memref<80xf32, #tpu.memory_space<vmem>>
      %dma_start3A_100 = arith.constant 0 : i32
      %dma_start3A_101 = tpu.memref_slice %arg8[%add3A_90, %dma_start3A_100] : memref<125x80xi32, #tpu.memory_space<vmem>> -> memref<1x80xi32, #tpu.memory_space<vmem>>
      %dma_start3A_102 = tpu.memref_squeeze %dma_start3A_101 : memref<1x80xi32, #tpu.memory_space<vmem>> -> memref<80xi32, #tpu.memory_space<vmem>>
      %dma_start3A_103 = arith.constant 0 : i32
      %dma_start3A_104 = tpu.memref_slice %arg14[%dma_start3A_103] : memref<10240xf32, #tpu.memory_space<vmem_shared>> -> memref<10240xf32, #tpu.memory_space<vmem_shared>>
      tpu.enqueue_indirect_dma source(%dma_start3A_99 : memref<80xf32, #tpu.memory_space<vmem>>) target(%dma_start3A_104 : memref<10240xf32, #tpu.memory_space<vmem_shared>>) offsets(%dma_start3A_102 : memref<80xi32, #tpu.memory_space<vmem>>) semaphore(%arg12 : memref<!tpu.dma_semaphore, #tpu.memory_space<semaphore_mem>>) {add = true}
      %mul3A_105 = arith.constant 25 : i32
      %mul3A_106 = arith.muli %scan3A_33, %mul3A_105 : i32
      %add3A_107 = arith.constant 4 : i32
      %add3A_108 = arith.addi %mul3A_106, %add3A_107 : i32
      %mul3A_109 = arith.constant 80 : i32
      %mul3A_110 = arith.muli %add3A_108, %mul3A_109 : i32
      %dma_start3A_111 = tpu.memref_slice %arg9[%mul3A_110] : memref<10000xf32, #tpu.memory_space<vmem>> -> memref<80xf32, #tpu.memory_space<vmem>>
      %dma_start3A_112 = arith.constant 0 : i32
      %dma_start3A_113 = tpu.memref_slice %arg7[%add3A_108, %dma_start3A_112] : memref<125x80xi32, #tpu.memory_space<vmem>> -> memref<1x80xi32, #tpu.memory_space<vmem>>
      %dma_start3A_114 = tpu.memref_squeeze %dma_start3A_113 : memref<1x80xi32, #tpu.memory_space<vmem>> -> memref<80xi32, #tpu.memory_space<vmem>>
      %dma_start3A_115 = arith.constant 0 : i32
      %dma_start3A_116 = tpu.memref_slice %arg13[%dma_start3A_115] : memref<10240xf32, #tpu.memory_space<vmem_shared>> -> memref<10240xf32, #tpu.memory_space<vmem_shared>>
      tpu.enqueue_indirect_dma source(%dma_start3A_111 : memref<80xf32, #tpu.memory_space<vmem>>) target(%dma_start3A_116 : memref<10240xf32, #tpu.memory_space<vmem_shared>>) offsets(%dma_start3A_114 : memref<80xi32, #tpu.memory_space<vmem>>) semaphore(%arg11 : memref<!tpu.dma_semaphore, #tpu.memory_space<semaphore_mem>>) {add = true}
      %dma_start3A_117 = tpu.memref_slice %arg9[%mul3A_110] : memref<10000xf32, #tpu.memory_space<vmem>> -> memref<80xf32, #tpu.memory_space<vmem>>
      %dma_start3A_118 = arith.constant 0 : i32
      %dma_start3A_119 = tpu.memref_slice %arg8[%add3A_108, %dma_start3A_118] : memref<125x80xi32, #tpu.memory_space<vmem>> -> memref<1x80xi32, #tpu.memory_space<vmem>>
      %dma_start3A_120 = tpu.memref_squeeze %dma_start3A_119 : memref<1x80xi32, #tpu.memory_space<vmem>> -> memref<80xi32, #tpu.memory_space<vmem>>
      %dma_start3A_121 = arith.constant 0 : i32
      %dma_start3A_122 = tpu.memref_slice %arg14[%dma_start3A_121] : memref<10240xf32, #tpu.memory_space<vmem_shared>> -> memref<10240xf32, #tpu.memory_space<vmem_shared>>
      tpu.enqueue_indirect_dma source(%dma_start3A_117 : memref<80xf32, #tpu.memory_space<vmem>>) target(%dma_start3A_122 : memref<10240xf32, #tpu.memory_space<vmem_shared>>) offsets(%dma_start3A_120 : memref<80xi32, #tpu.memory_space<vmem>>) semaphore(%arg12 : memref<!tpu.dma_semaphore, #tpu.memory_space<semaphore_mem>>) {add = true}
      %mul3A_123 = arith.constant 25 : i32
      %mul3A_124 = arith.muli %scan3A_33, %mul3A_123 : i32
      %add3A_125 = arith.constant 5 : i32
      %add3A_126 = arith.addi %mul3A_124, %add3A_125 : i32
      %mul3A_127 = arith.constant 80 : i32
      %mul3A_128 = arith.muli %add3A_126, %mul3A_127 : i32
      %dma_start3A_129 = tpu.memref_slice %arg9[%mul3A_128] : memref<10000xf32, #tpu.memory_space<vmem>> -> memref<80xf32, #tpu.memory_space<vmem>>
      %dma_start3A_130 = arith.constant 0 : i32
      %dma_start3A_131 = tpu.memref_slice %arg7[%add3A_126, %dma_start3A_130] : memref<125x80xi32, #tpu.memory_space<vmem>> -> memref<1x80xi32, #tpu.memory_space<vmem>>
      %dma_start3A_132 = tpu.memref_squeeze %dma_start3A_131 : memref<1x80xi32, #tpu.memory_space<vmem>> -> memref<80xi32, #tpu.memory_space<vmem>>
      %dma_start3A_133 = arith.constant 0 : i32
      %dma_start3A_134 = tpu.memref_slice %arg13[%dma_start3A_133] : memref<10240xf32, #tpu.memory_space<vmem_shared>> -> memref<10240xf32, #tpu.memory_space<vmem_shared>>
      tpu.enqueue_indirect_dma source(%dma_start3A_129 : memref<80xf32, #tpu.memory_space<vmem>>) target(%dma_start3A_134 : memref<10240xf32, #tpu.memory_space<vmem_shared>>) offsets(%dma_start3A_132 : memref<80xi32, #tpu.memory_space<vmem>>) semaphore(%arg11 : memref<!tpu.dma_semaphore, #tpu.memory_space<semaphore_mem>>) {add = true}
      %dma_start3A_135 = tpu.memref_slice %arg9[%mul3A_128] : memref<10000xf32, #tpu.memory_space<vmem>> -> memref<80xf32, #tpu.memory_space<vmem>>
      %dma_start3A_136 = arith.constant 0 : i32
      %dma_start3A_137 = tpu.memref_slice %arg8[%add3A_126, %dma_start3A_136] : memref<125x80xi32, #tpu.memory_space<vmem>> -> memref<1x80xi32, #tpu.memory_space<vmem>>
      %dma_start3A_138 = tpu.memref_squeeze %dma_start3A_137 : memref<1x80xi32, #tpu.memory_space<vmem>> -> memref<80xi32, #tpu.memory_space<vmem>>
      %dma_start3A_139 = arith.constant 0 : i32
      %dma_start3A_140 = tpu.memref_slice %arg14[%dma_start3A_139] : memref<10240xf32, #tpu.memory_space<vmem_shared>> -> memref<10240xf32, #tpu.memory_space<vmem_shared>>
      tpu.enqueue_indirect_dma source(%dma_start3A_135 : memref<80xf32, #tpu.memory_space<vmem>>) target(%dma_start3A_140 : memref<10240xf32, #tpu.memory_space<vmem_shared>>) offsets(%dma_start3A_138 : memref<80xi32, #tpu.memory_space<vmem>>) semaphore(%arg12 : memref<!tpu.dma_semaphore, #tpu.memory_space<semaphore_mem>>) {add = true}
      %mul3A_141 = arith.constant 25 : i32
      %mul3A_142 = arith.muli %scan3A_33, %mul3A_141 : i32
      %add3A_143 = arith.constant 6 : i32
      %add3A_144 = arith.addi %mul3A_142, %add3A_143 : i32
      %mul3A_145 = arith.constant 80 : i32
      %mul3A_146 = arith.muli %add3A_144, %mul3A_145 : i32
      %dma_start3A_147 = tpu.memref_slice %arg9[%mul3A_146] : memref<10000xf32, #tpu.memory_space<vmem>> -> memref<80xf32, #tpu.memory_space<vmem>>
      %dma_start3A_148 = arith.constant 0 : i32
      %dma_start3A_149 = tpu.memref_slice %arg7[%add3A_144, %dma_start3A_148] : memref<125x80xi32, #tpu.memory_space<vmem>> -> memref<1x80xi32, #tpu.memory_space<vmem>>
      %dma_start3A_150 = tpu.memref_squeeze %dma_start3A_149 : memref<1x80xi32, #tpu.memory_space<vmem>> -> memref<80xi32, #tpu.memory_space<vmem>>
      %dma_start3A_151 = arith.constant 0 : i32
      %dma_start3A_152 = tpu.memref_slice %arg13[%dma_start3A_151] : memref<10240xf32, #tpu.memory_space<vmem_shared>> -> memref<10240xf32, #tpu.memory_space<vmem_shared>>
      tpu.enqueue_indirect_dma source(%dma_start3A_147 : memref<80xf32, #tpu.memory_space<vmem>>) target(%dma_start3A_152 : memref<10240xf32, #tpu.memory_space<vmem_shared>>) offsets(%dma_start3A_150 : memref<80xi32, #tpu.memory_space<vmem>>) semaphore(%arg11 : memref<!tpu.dma_semaphore, #tpu.memory_space<semaphore_mem>>) {add = true}
      %dma_start3A_153 = tpu.memref_slice %arg9[%mul3A_146] : memref<10000xf32, #tpu.memory_space<vmem>> -> memref<80xf32, #tpu.memory_space<vmem>>
      %dma_start3A_154 = arith.constant 0 : i32
      %dma_start3A_155 = tpu.memref_slice %arg8[%add3A_144, %dma_start3A_154] : memref<125x80xi32, #tpu.memory_space<vmem>> -> memref<1x80xi32, #tpu.memory_space<vmem>>
      %dma_start3A_156 = tpu.memref_squeeze %dma_start3A_155 : memref<1x80xi32, #tpu.memory_space<vmem>> -> memref<80xi32, #tpu.memory_space<vmem>>
      %dma_start3A_157 = arith.constant 0 : i32
      %dma_start3A_158 = tpu.memref_slice %arg14[%dma_start3A_157] : memref<10240xf32, #tpu.memory_space<vmem_shared>> -> memref<10240xf32, #tpu.memory_space<vmem_shared>>
      tpu.enqueue_indirect_dma source(%dma_start3A_153 : memref<80xf32, #tpu.memory_space<vmem>>) target(%dma_start3A_158 : memref<10240xf32, #tpu.memory_space<vmem_shared>>) offsets(%dma_start3A_156 : memref<80xi32, #tpu.memory_space<vmem>>) semaphore(%arg12 : memref<!tpu.dma_semaphore, #tpu.memory_space<semaphore_mem>>) {add = true}
      %mul3A_159 = arith.constant 25 : i32
      %mul3A_160 = arith.muli %scan3A_33, %mul3A_159 : i32
      %add3A_161 = arith.constant 7 : i32
      %add3A_162 = arith.addi %mul3A_160, %add3A_161 : i32
      %mul3A_163 = arith.constant 80 : i32
      %mul3A_164 = arith.muli %add3A_162, %mul3A_163 : i32
      %dma_start3A_165 = tpu.memref_slice %arg9[%mul3A_164] : memref<10000xf32, #tpu.memory_space<vmem>> -> memref<80xf32, #tpu.memory_space<vmem>>
      %dma_start3A_166 = arith.constant 0 : i32
      %dma_start3A_167 = tpu.memref_slice %arg7[%add3A_162, %dma_start3A_166] : memref<125x80xi32, #tpu.memory_space<vmem>> -> memref<1x80xi32, #tpu.memory_space<vmem>>
      %dma_start3A_168 = tpu.memref_squeeze %dma_start3A_167 : memref<1x80xi32, #tpu.memory_space<vmem>> -> memref<80xi32, #tpu.memory_space<vmem>>
      %dma_start3A_169 = arith.constant 0 : i32
      %dma_start3A_170 = tpu.memref_slice %arg13[%dma_start3A_169] : memref<10240xf32, #tpu.memory_space<vmem_shared>> -> memref<10240xf32, #tpu.memory_space<vmem_shared>>
      tpu.enqueue_indirect_dma source(%dma_start3A_165 : memref<80xf32, #tpu.memory_space<vmem>>) target(%dma_start3A_170 : memref<10240xf32, #tpu.memory_space<vmem_shared>>) offsets(%dma_start3A_168 : memref<80xi32, #tpu.memory_space<vmem>>) semaphore(%arg11 : memref<!tpu.dma_semaphore, #tpu.memory_space<semaphore_mem>>) {add = true}
      %dma_start3A_171 = tpu.memref_slice %arg9[%mul3A_164] : memref<10000xf32, #tpu.memory_space<vmem>> -> memref<80xf32, #tpu.memory_space<vmem>>
      %dma_start3A_172 = arith.constant 0 : i32
      %dma_start3A_173 = tpu.memref_slice %arg8[%add3A_162, %dma_start3A_172] : memref<125x80xi32, #tpu.memory_space<vmem>> -> memref<1x80xi32, #tpu.memory_space<vmem>>
      %dma_start3A_174 = tpu.memref_squeeze %dma_start3A_173 : memref<1x80xi32, #tpu.memory_space<vmem>> -> memref<80xi32, #tpu.memory_space<vmem>>
      %dma_start3A_175 = arith.constant 0 : i32
      %dma_start3A_176 = tpu.memref_slice %arg14[%dma_start3A_175] : memref<10240xf32, #tpu.memory_space<vmem_shared>> -> memref<10240xf32, #tpu.memory_space<vmem_shared>>
      tpu.enqueue_indirect_dma source(%dma_start3A_171 : memref<80xf32, #tpu.memory_space<vmem>>) target(%dma_start3A_176 : memref<10240xf32, #tpu.memory_space<vmem_shared>>) offsets(%dma_start3A_174 : memref<80xi32, #tpu.memory_space<vmem>>) semaphore(%arg12 : memref<!tpu.dma_semaphore, #tpu.memory_space<semaphore_mem>>) {add = true}
      %mul3A_177 = arith.constant 25 : i32
      %mul3A_178 = arith.muli %scan3A_33, %mul3A_177 : i32
      %add3A_179 = arith.constant 8 : i32
      %add3A_180 = arith.addi %mul3A_178, %add3A_179 : i32
      %mul3A_181 = arith.constant 80 : i32
      %mul3A_182 = arith.muli %add3A_180, %mul3A_181 : i32
      %dma_start3A_183 = tpu.memref_slice %arg9[%mul3A_182] : memref<10000xf32, #tpu.memory_space<vmem>> -> memref<80xf32, #tpu.memory_space<vmem>>
      %dma_start3A_184 = arith.constant 0 : i32
      %dma_start3A_185 = tpu.memref_slice %arg7[%add3A_180, %dma_start3A_184] : memref<125x80xi32, #tpu.memory_space<vmem>> -> memref<1x80xi32, #tpu.memory_space<vmem>>
      %dma_start3A_186 = tpu.memref_squeeze %dma_start3A_185 : memref<1x80xi32, #tpu.memory_space<vmem>> -> memref<80xi32, #tpu.memory_space<vmem>>
      %dma_start3A_187 = arith.constant 0 : i32
      %dma_start3A_188 = tpu.memref_slice %arg13[%dma_start3A_187] : memref<10240xf32, #tpu.memory_space<vmem_shared>> -> memref<10240xf32, #tpu.memory_space<vmem_shared>>
      tpu.enqueue_indirect_dma source(%dma_start3A_183 : memref<80xf32, #tpu.memory_space<vmem>>) target(%dma_start3A_188 : memref<10240xf32, #tpu.memory_space<vmem_shared>>) offsets(%dma_start3A_186 : memref<80xi32, #tpu.memory_space<vmem>>) semaphore(%arg11 : memref<!tpu.dma_semaphore, #tpu.memory_space<semaphore_mem>>) {add = true}
      %dma_start3A_189 = tpu.memref_slice %arg9[%mul3A_182] : memref<10000xf32, #tpu.memory_space<vmem>> -> memref<80xf32, #tpu.memory_space<vmem>>
      %dma_start3A_190 = arith.constant 0 : i32
      %dma_start3A_191 = tpu.memref_slice %arg8[%add3A_180, %dma_start3A_190] : memref<125x80xi32, #tpu.memory_space<vmem>> -> memref<1x80xi32, #tpu.memory_space<vmem>>
      %dma_start3A_192 = tpu.memref_squeeze %dma_start3A_191 : memref<1x80xi32, #tpu.memory_space<vmem>> -> memref<80xi32, #tpu.memory_space<vmem>>
      %dma_start3A_193 = arith.constant 0 : i32
      %dma_start3A_194 = tpu.memref_slice %arg14[%dma_start3A_193] : memref<10240xf32, #tpu.memory_space<vmem_shared>> -> memref<10240xf32, #tpu.memory_space<vmem_shared>>
      tpu.enqueue_indirect_dma source(%dma_start3A_189 : memref<80xf32, #tpu.memory_space<vmem>>) target(%dma_start3A_194 : memref<10240xf32, #tpu.memory_space<vmem_shared>>) offsets(%dma_start3A_192 : memref<80xi32, #tpu.memory_space<vmem>>) semaphore(%arg12 : memref<!tpu.dma_semaphore, #tpu.memory_space<semaphore_mem>>) {add = true}
      %mul3A_195 = arith.constant 25 : i32
      %mul3A_196 = arith.muli %scan3A_33, %mul3A_195 : i32
      %add3A_197 = arith.constant 9 : i32
      %add3A_198 = arith.addi %mul3A_196, %add3A_197 : i32
      %mul3A_199 = arith.constant 80 : i32
      %mul3A_200 = arith.muli %add3A_198, %mul3A_199 : i32
      %dma_start3A_201 = tpu.memref_slice %arg9[%mul3A_200] : memref<10000xf32, #tpu.memory_space<vmem>> -> memref<80xf32, #tpu.memory_space<vmem>>
      %dma_start3A_202 = arith.constant 0 : i32
      %dma_start3A_203 = tpu.memref_slice %arg7[%add3A_198, %dma_start3A_202] : memref<125x80xi32, #tpu.memory_space<vmem>> -> memref<1x80xi32, #tpu.memory_space<vmem>>
      %dma_start3A_204 = tpu.memref_squeeze %dma_start3A_203 : memref<1x80xi32, #tpu.memory_space<vmem>> -> memref<80xi32, #tpu.memory_space<vmem>>
      %dma_start3A_205 = arith.constant 0 : i32
      %dma_start3A_206 = tpu.memref_slice %arg13[%dma_start3A_205] : memref<10240xf32, #tpu.memory_space<vmem_shared>> -> memref<10240xf32, #tpu.memory_space<vmem_shared>>
      tpu.enqueue_indirect_dma source(%dma_start3A_201 : memref<80xf32, #tpu.memory_space<vmem>>) target(%dma_start3A_206 : memref<10240xf32, #tpu.memory_space<vmem_shared>>) offsets(%dma_start3A_204 : memref<80xi32, #tpu.memory_space<vmem>>) semaphore(%arg11 : memref<!tpu.dma_semaphore, #tpu.memory_space<semaphore_mem>>) {add = true}
      %dma_start3A_207 = tpu.memref_slice %arg9[%mul3A_200] : memref<10000xf32, #tpu.memory_space<vmem>> -> memref<80xf32, #tpu.memory_space<vmem>>
      %dma_start3A_208 = arith.constant 0 : i32
      %dma_start3A_209 = tpu.memref_slice %arg8[%add3A_198, %dma_start3A_208] : memref<125x80xi32, #tpu.memory_space<vmem>> -> memref<1x80xi32, #tpu.memory_space<vmem>>
      %dma_start3A_210 = tpu.memref_squeeze %dma_start3A_209 : memref<1x80xi32, #tpu.memory_space<vmem>> -> memref<80xi32, #tpu.memory_space<vmem>>
      %dma_start3A_211 = arith.constant 0 : i32
      %dma_start3A_212 = tpu.memref_slice %arg14[%dma_start3A_211] : memref<10240xf32, #tpu.memory_space<vmem_shared>> -> memref<10240xf32, #tpu.memory_space<vmem_shared>>
      tpu.enqueue_indirect_dma source(%dma_start3A_207 : memref<80xf32, #tpu.memory_space<vmem>>) target(%dma_start3A_212 : memref<10240xf32, #tpu.memory_space<vmem_shared>>) offsets(%dma_start3A_210 : memref<80xi32, #tpu.memory_space<vmem>>) semaphore(%arg12 : memref<!tpu.dma_semaphore, #tpu.memory_space<semaphore_mem>>) {add = true}
      %mul3A_213 = arith.constant 25 : i32
      %mul3A_214 = arith.muli %scan3A_33, %mul3A_213 : i32
      %add3A_215 = arith.constant 10 : i32
      %add3A_216 = arith.addi %mul3A_214, %add3A_215 : i32
      %mul3A_217 = arith.constant 80 : i32
      %mul3A_218 = arith.muli %add3A_216, %mul3A_217 : i32
      %dma_start3A_219 = tpu.memref_slice %arg9[%mul3A_218] : memref<10000xf32, #tpu.memory_space<vmem>> -> memref<80xf32, #tpu.memory_space<vmem>>
      %dma_start3A_220 = arith.constant 0 : i32
      %dma_start3A_221 = tpu.memref_slice %arg7[%add3A_216, %dma_start3A_220] : memref<125x80xi32, #tpu.memory_space<vmem>> -> memref<1x80xi32, #tpu.memory_space<vmem>>
      %dma_start3A_222 = tpu.memref_squeeze %dma_start3A_221 : memref<1x80xi32, #tpu.memory_space<vmem>> -> memref<80xi32, #tpu.memory_space<vmem>>
      %dma_start3A_223 = arith.constant 0 : i32
      %dma_start3A_224 = tpu.memref_slice %arg13[%dma_start3A_223] : memref<10240xf32, #tpu.memory_space<vmem_shared>> -> memref<10240xf32, #tpu.memory_space<vmem_shared>>
      tpu.enqueue_indirect_dma source(%dma_start3A_219 : memref<80xf32, #tpu.memory_space<vmem>>) target(%dma_start3A_224 : memref<10240xf32, #tpu.memory_space<vmem_shared>>) offsets(%dma_start3A_222 : memref<80xi32, #tpu.memory_space<vmem>>) semaphore(%arg11 : memref<!tpu.dma_semaphore, #tpu.memory_space<semaphore_mem>>) {add = true}
      %dma_start3A_225 = tpu.memref_slice %arg9[%mul3A_218] : memref<10000xf32, #tpu.memory_space<vmem>> -> memref<80xf32, #tpu.memory_space<vmem>>
      %dma_start3A_226 = arith.constant 0 : i32
      %dma_start3A_227 = tpu.memref_slice %arg8[%add3A_216, %dma_start3A_226] : memref<125x80xi32, #tpu.memory_space<vmem>> -> memref<1x80xi32, #tpu.memory_space<vmem>>
      %dma_start3A_228 = tpu.memref_squeeze %dma_start3A_227 : memref<1x80xi32, #tpu.memory_space<vmem>> -> memref<80xi32, #tpu.memory_space<vmem>>
      %dma_start3A_229 = arith.constant 0 : i32
      %dma_start3A_230 = tpu.memref_slice %arg14[%dma_start3A_229] : memref<10240xf32, #tpu.memory_space<vmem_shared>> -> memref<10240xf32, #tpu.memory_space<vmem_shared>>
      tpu.enqueue_indirect_dma source(%dma_start3A_225 : memref<80xf32, #tpu.memory_space<vmem>>) target(%dma_start3A_230 : memref<10240xf32, #tpu.memory_space<vmem_shared>>) offsets(%dma_start3A_228 : memref<80xi32, #tpu.memory_space<vmem>>) semaphore(%arg12 : memref<!tpu.dma_semaphore, #tpu.memory_space<semaphore_mem>>) {add = true}
      %mul3A_231 = arith.constant 25 : i32
      %mul3A_232 = arith.muli %scan3A_33, %mul3A_231 : i32
      %add3A_233 = arith.constant 11 : i32
      %add3A_234 = arith.addi %mul3A_232, %add3A_233 : i32
      %mul3A_235 = arith.constant 80 : i32
      %mul3A_236 = arith.muli %add3A_234, %mul3A_235 : i32
      %dma_start3A_237 = tpu.memref_slice %arg9[%mul3A_236] : memref<10000xf32, #tpu.memory_space<vmem>> -> memref<80xf32, #tpu.memory_space<vmem>>
      %dma_start3A_238 = arith.constant 0 : i32
      %dma_start3A_239 = tpu.memref_slice %arg7[%add3A_234, %dma_start3A_238] : memref<125x80xi32, #tpu.memory_space<vmem>> -> memref<1x80xi32, #tpu.memory_space<vmem>>
      %dma_start3A_240 = tpu.memref_squeeze %dma_start3A_239 : memref<1x80xi32, #tpu.memory_space<vmem>> -> memref<80xi32, #tpu.memory_space<vmem>>
      %dma_start3A_241 = arith.constant 0 : i32
      %dma_start3A_242 = tpu.memref_slice %arg13[%dma_start3A_241] : memref<10240xf32, #tpu.memory_space<vmem_shared>> -> memref<10240xf32, #tpu.memory_space<vmem_shared>>
      tpu.enqueue_indirect_dma source(%dma_start3A_237 : memref<80xf32, #tpu.memory_space<vmem>>) target(%dma_start3A_242 : memref<10240xf32, #tpu.memory_space<vmem_shared>>) offsets(%dma_start3A_240 : memref<80xi32, #tpu.memory_space<vmem>>) semaphore(%arg11 : memref<!tpu.dma_semaphore, #tpu.memory_space<semaphore_mem>>) {add = true}
      %dma_start3A_243 = tpu.memref_slice %arg9[%mul3A_236] : memref<10000xf32, #tpu.memory_space<vmem>> -> memref<80xf32, #tpu.memory_space<vmem>>
      %dma_start3A_244 = arith.constant 0 : i32
      %dma_start3A_245 = tpu.memref_slice %arg8[%add3A_234, %dma_start3A_244] : memref<125x80xi32, #tpu.memory_space<vmem>> -> memref<1x80xi32, #tpu.memory_space<vmem>>
      %dma_start3A_246 = tpu.memref_squeeze %dma_start3A_245 : memref<1x80xi32, #tpu.memory_space<vmem>> -> memref<80xi32, #tpu.memory_space<vmem>>
      %dma_start3A_247 = arith.constant 0 : i32
      %dma_start3A_248 = tpu.memref_slice %arg14[%dma_start3A_247] : memref<10240xf32, #tpu.memory_space<vmem_shared>> -> memref<10240xf32, #tpu.memory_space<vmem_shared>>
      tpu.enqueue_indirect_dma source(%dma_start3A_243 : memref<80xf32, #tpu.memory_space<vmem>>) target(%dma_start3A_248 : memref<10240xf32, #tpu.memory_space<vmem_shared>>) offsets(%dma_start3A_246 : memref<80xi32, #tpu.memory_space<vmem>>) semaphore(%arg12 : memref<!tpu.dma_semaphore, #tpu.memory_space<semaphore_mem>>) {add = true}
      %mul3A_249 = arith.constant 25 : i32
      %mul3A_250 = arith.muli %scan3A_33, %mul3A_249 : i32
      %add3A_251 = arith.constant 12 : i32
      %add3A_252 = arith.addi %mul3A_250, %add3A_251 : i32
      %mul3A_253 = arith.constant 80 : i32
      %mul3A_254 = arith.muli %add3A_252, %mul3A_253 : i32
      %dma_start3A_255 = tpu.memref_slice %arg9[%mul3A_254] : memref<10000xf32, #tpu.memory_space<vmem>> -> memref<80xf32, #tpu.memory_space<vmem>>
      %dma_start3A_256 = arith.constant 0 : i32
      %dma_start3A_257 = tpu.memref_slice %arg7[%add3A_252, %dma_start3A_256] : memref<125x80xi32, #tpu.memory_space<vmem>> -> memref<1x80xi32, #tpu.memory_space<vmem>>
      %dma_start3A_258 = tpu.memref_squeeze %dma_start3A_257 : memref<1x80xi32, #tpu.memory_space<vmem>> -> memref<80xi32, #tpu.memory_space<vmem>>
      %dma_start3A_259 = arith.constant 0 : i32
      %dma_start3A_260 = tpu.memref_slice %arg13[%dma_start3A_259] : memref<10240xf32, #tpu.memory_space<vmem_shared>> -> memref<10240xf32, #tpu.memory_space<vmem_shared>>
      tpu.enqueue_indirect_dma source(%dma_start3A_255 : memref<80xf32, #tpu.memory_space<vmem>>) target(%dma_start3A_260 : memref<10240xf32, #tpu.memory_space<vmem_shared>>) offsets(%dma_start3A_258 : memref<80xi32, #tpu.memory_space<vmem>>) semaphore(%arg11 : memref<!tpu.dma_semaphore, #tpu.memory_space<semaphore_mem>>) {add = true}
      %dma_start3A_261 = tpu.memref_slice %arg9[%mul3A_254] : memref<10000xf32, #tpu.memory_space<vmem>> -> memref<80xf32, #tpu.memory_space<vmem>>
      %dma_start3A_262 = arith.constant 0 : i32
      %dma_start3A_263 = tpu.memref_slice %arg8[%add3A_252, %dma_start3A_262] : memref<125x80xi32, #tpu.memory_space<vmem>> -> memref<1x80xi32, #tpu.memory_space<vmem>>
      %dma_start3A_264 = tpu.memref_squeeze %dma_start3A_263 : memref<1x80xi32, #tpu.memory_space<vmem>> -> memref<80xi32, #tpu.memory_space<vmem>>
      %dma_start3A_265 = arith.constant 0 : i32
      %dma_start3A_266 = tpu.memref_slice %arg14[%dma_start3A_265] : memref<10240xf32, #tpu.memory_space<vmem_shared>> -> memref<10240xf32, #tpu.memory_space<vmem_shared>>
      tpu.enqueue_indirect_dma source(%dma_start3A_261 : memref<80xf32, #tpu.memory_space<vmem>>) target(%dma_start3A_266 : memref<10240xf32, #tpu.memory_space<vmem_shared>>) offsets(%dma_start3A_264 : memref<80xi32, #tpu.memory_space<vmem>>) semaphore(%arg12 : memref<!tpu.dma_semaphore, #tpu.memory_space<semaphore_mem>>) {add = true}
      %mul3A_267 = arith.constant 25 : i32
      %mul3A_268 = arith.muli %scan3A_33, %mul3A_267 : i32
      %add3A_269 = arith.constant 13 : i32
      %add3A_270 = arith.addi %mul3A_268, %add3A_269 : i32
      %mul3A_271 = arith.constant 80 : i32
      %mul3A_272 = arith.muli %add3A_270, %mul3A_271 : i32
      %dma_start3A_273 = tpu.memref_slice %arg9[%mul3A_272] : memref<10000xf32, #tpu.memory_space<vmem>> -> memref<80xf32, #tpu.memory_space<vmem>>
      %dma_start3A_274 = arith.constant 0 : i32
      %dma_start3A_275 = tpu.memref_slice %arg7[%add3A_270, %dma_start3A_274] : memref<125x80xi32, #tpu.memory_space<vmem>> -> memref<1x80xi32, #tpu.memory_space<vmem>>
      %dma_start3A_276 = tpu.memref_squeeze %dma_start3A_275 : memref<1x80xi32, #tpu.memory_space<vmem>> -> memref<80xi32, #tpu.memory_space<vmem>>
      %dma_start3A_277 = arith.constant 0 : i32
      %dma_start3A_278 = tpu.memref_slice %arg13[%dma_start3A_277] : memref<10240xf32, #tpu.memory_space<vmem_shared>> -> memref<10240xf32, #tpu.memory_space<vmem_shared>>
      tpu.enqueue_indirect_dma source(%dma_start3A_273 : memref<80xf32, #tpu.memory_space<vmem>>) target(%dma_start3A_278 : memref<10240xf32, #tpu.memory_space<vmem_shared>>) offsets(%dma_start3A_276 : memref<80xi32, #tpu.memory_space<vmem>>) semaphore(%arg11 : memref<!tpu.dma_semaphore, #tpu.memory_space<semaphore_mem>>) {add = true}
      %dma_start3A_279 = tpu.memref_slice %arg9[%mul3A_272] : memref<10000xf32, #tpu.memory_space<vmem>> -> memref<80xf32, #tpu.memory_space<vmem>>
      %dma_start3A_280 = arith.constant 0 : i32
      %dma_start3A_281 = tpu.memref_slice %arg8[%add3A_270, %dma_start3A_280] : memref<125x80xi32, #tpu.memory_space<vmem>> -> memref<1x80xi32, #tpu.memory_space<vmem>>
      %dma_start3A_282 = tpu.memref_squeeze %dma_start3A_281 : memref<1x80xi32, #tpu.memory_space<vmem>> -> memref<80xi32, #tpu.memory_space<vmem>>
      %dma_start3A_283 = arith.constant 0 : i32
      %dma_start3A_284 = tpu.memref_slice %arg14[%dma_start3A_283] : memref<10240xf32, #tpu.memory_space<vmem_shared>> -> memref<10240xf32, #tpu.memory_space<vmem_shared>>
      tpu.enqueue_indirect_dma source(%dma_start3A_279 : memref<80xf32, #tpu.memory_space<vmem>>) target(%dma_start3A_284 : memref<10240xf32, #tpu.memory_space<vmem_shared>>) offsets(%dma_start3A_282 : memref<80xi32, #tpu.memory_space<vmem>>) semaphore(%arg12 : memref<!tpu.dma_semaphore, #tpu.memory_space<semaphore_mem>>) {add = true}
      %mul3A_285 = arith.constant 25 : i32
      %mul3A_286 = arith.muli %scan3A_33, %mul3A_285 : i32
      %add3A_287 = arith.constant 14 : i32
      %add3A_288 = arith.addi %mul3A_286, %add3A_287 : i32
      %mul3A_289 = arith.constant 80 : i32
      %mul3A_290 = arith.muli %add3A_288, %mul3A_289 : i32
      %dma_start3A_291 = tpu.memref_slice %arg9[%mul3A_290] : memref<10000xf32, #tpu.memory_space<vmem>> -> memref<80xf32, #tpu.memory_space<vmem>>
      %dma_start3A_292 = arith.constant 0 : i32
      %dma_start3A_293 = tpu.memref_slice %arg7[%add3A_288, %dma_start3A_292] : memref<125x80xi32, #tpu.memory_space<vmem>> -> memref<1x80xi32, #tpu.memory_space<vmem>>
      %dma_start3A_294 = tpu.memref_squeeze %dma_start3A_293 : memref<1x80xi32, #tpu.memory_space<vmem>> -> memref<80xi32, #tpu.memory_space<vmem>>
      %dma_start3A_295 = arith.constant 0 : i32
      %dma_start3A_296 = tpu.memref_slice %arg13[%dma_start3A_295] : memref<10240xf32, #tpu.memory_space<vmem_shared>> -> memref<10240xf32, #tpu.memory_space<vmem_shared>>
      tpu.enqueue_indirect_dma source(%dma_start3A_291 : memref<80xf32, #tpu.memory_space<vmem>>) target(%dma_start3A_296 : memref<10240xf32, #tpu.memory_space<vmem_shared>>) offsets(%dma_start3A_294 : memref<80xi32, #tpu.memory_space<vmem>>) semaphore(%arg11 : memref<!tpu.dma_semaphore, #tpu.memory_space<semaphore_mem>>) {add = true}
      %dma_start3A_297 = tpu.memref_slice %arg9[%mul3A_290] : memref<10000xf32, #tpu.memory_space<vmem>> -> memref<80xf32, #tpu.memory_space<vmem>>
      %dma_start3A_298 = arith.constant 0 : i32
      %dma_start3A_299 = tpu.memref_slice %arg8[%add3A_288, %dma_start3A_298] : memref<125x80xi32, #tpu.memory_space<vmem>> -> memref<1x80xi32, #tpu.memory_space<vmem>>
      %dma_start3A_300 = tpu.memref_squeeze %dma_start3A_299 : memref<1x80xi32, #tpu.memory_space<vmem>> -> memref<80xi32, #tpu.memory_space<vmem>>
      %dma_start3A_301 = arith.constant 0 : i32
      %dma_start3A_302 = tpu.memref_slice %arg14[%dma_start3A_301] : memref<10240xf32, #tpu.memory_space<vmem_shared>> -> memref<10240xf32, #tpu.memory_space<vmem_shared>>
      tpu.enqueue_indirect_dma source(%dma_start3A_297 : memref<80xf32, #tpu.memory_space<vmem>>) target(%dma_start3A_302 : memref<10240xf32, #tpu.memory_space<vmem_shared>>) offsets(%dma_start3A_300 : memref<80xi32, #tpu.memory_space<vmem>>) semaphore(%arg12 : memref<!tpu.dma_semaphore, #tpu.memory_space<semaphore_mem>>) {add = true}
      %mul3A_303 = arith.constant 25 : i32
      %mul3A_304 = arith.muli %scan3A_33, %mul3A_303 : i32
      %add3A_305 = arith.constant 15 : i32
      %add3A_306 = arith.addi %mul3A_304, %add3A_305 : i32
      %mul3A_307 = arith.constant 80 : i32
      %mul3A_308 = arith.muli %add3A_306, %mul3A_307 : i32
      %dma_start3A_309 = tpu.memref_slice %arg9[%mul3A_308] : memref<10000xf32, #tpu.memory_space<vmem>> -> memref<80xf32, #tpu.memory_space<vmem>>
      %dma_start3A_310 = arith.constant 0 : i32
      %dma_start3A_311 = tpu.memref_slice %arg7[%add3A_306, %dma_start3A_310] : memref<125x80xi32, #tpu.memory_space<vmem>> -> memref<1x80xi32, #tpu.memory_space<vmem>>
      %dma_start3A_312 = tpu.memref_squeeze %dma_start3A_311 : memref<1x80xi32, #tpu.memory_space<vmem>> -> memref<80xi32, #tpu.memory_space<vmem>>
      %dma_start3A_313 = arith.constant 0 : i32
      %dma_start3A_314 = tpu.memref_slice %arg13[%dma_start3A_313] : memref<10240xf32, #tpu.memory_space<vmem_shared>> -> memref<10240xf32, #tpu.memory_space<vmem_shared>>
      tpu.enqueue_indirect_dma source(%dma_start3A_309 : memref<80xf32, #tpu.memory_space<vmem>>) target(%dma_start3A_314 : memref<10240xf32, #tpu.memory_space<vmem_shared>>) offsets(%dma_start3A_312 : memref<80xi32, #tpu.memory_space<vmem>>) semaphore(%arg11 : memref<!tpu.dma_semaphore, #tpu.memory_space<semaphore_mem>>) {add = true}
      %dma_start3A_315 = tpu.memref_slice %arg9[%mul3A_308] : memref<10000xf32, #tpu.memory_space<vmem>> -> memref<80xf32, #tpu.memory_space<vmem>>
      %dma_start3A_316 = arith.constant 0 : i32
      %dma_start3A_317 = tpu.memref_slice %arg8[%add3A_306, %dma_start3A_316] : memref<125x80xi32, #tpu.memory_space<vmem>> -> memref<1x80xi32, #tpu.memory_space<vmem>>
      %dma_start3A_318 = tpu.memref_squeeze %dma_start3A_317 : memref<1x80xi32, #tpu.memory_space<vmem>> -> memref<80xi32, #tpu.memory_space<vmem>>
      %dma_start3A_319 = arith.constant 0 : i32
      %dma_start3A_320 = tpu.memref_slice %arg14[%dma_start3A_319] : memref<10240xf32, #tpu.memory_space<vmem_shared>> -> memref<10240xf32, #tpu.memory_space<vmem_shared>>
      tpu.enqueue_indirect_dma source(%dma_start3A_315 : memref<80xf32, #tpu.memory_space<vmem>>) target(%dma_start3A_320 : memref<10240xf32, #tpu.memory_space<vmem_shared>>) offsets(%dma_start3A_318 : memref<80xi32, #tpu.memory_space<vmem>>) semaphore(%arg12 : memref<!tpu.dma_semaphore, #tpu.memory_space<semaphore_mem>>) {add = true}
      %mul3A_321 = arith.constant 25 : i32
      %mul3A_322 = arith.muli %scan3A_33, %mul3A_321 : i32
      %add3A_323 = arith.constant 16 : i32
      %add3A_324 = arith.addi %mul3A_322, %add3A_323 : i32
      %mul3A_325 = arith.constant 80 : i32
      %mul3A_326 = arith.muli %add3A_324, %mul3A_325 : i32
      %dma_start3A_327 = tpu.memref_slice %arg9[%mul3A_326] : memref<10000xf32, #tpu.memory_space<vmem>> -> memref<80xf32, #tpu.memory_space<vmem>>
      %dma_start3A_328 = arith.constant 0 : i32
      %dma_start3A_329 = tpu.memref_slice %arg7[%add3A_324, %dma_start3A_328] : memref<125x80xi32, #tpu.memory_space<vmem>> -> memref<1x80xi32, #tpu.memory_space<vmem>>
      %dma_start3A_330 = tpu.memref_squeeze %dma_start3A_329 : memref<1x80xi32, #tpu.memory_space<vmem>> -> memref<80xi32, #tpu.memory_space<vmem>>
      %dma_start3A_331 = arith.constant 0 : i32
      %dma_start3A_332 = tpu.memref_slice %arg13[%dma_start3A_331] : memref<10240xf32, #tpu.memory_space<vmem_shared>> -> memref<10240xf32, #tpu.memory_space<vmem_shared>>
      tpu.enqueue_indirect_dma source(%dma_start3A_327 : memref<80xf32, #tpu.memory_space<vmem>>) target(%dma_start3A_332 : memref<10240xf32, #tpu.memory_space<vmem_shared>>) offsets(%dma_start3A_330 : memref<80xi32, #tpu.memory_space<vmem>>) semaphore(%arg11 : memref<!tpu.dma_semaphore, #tpu.memory_space<semaphore_mem>>) {add = true}
      %dma_start3A_333 = tpu.memref_slice %arg9[%mul3A_326] : memref<10000xf32, #tpu.memory_space<vmem>> -> memref<80xf32, #tpu.memory_space<vmem>>
      %dma_start3A_334 = arith.constant 0 : i32
      %dma_start3A_335 = tpu.memref_slice %arg8[%add3A_324, %dma_start3A_334] : memref<125x80xi32, #tpu.memory_space<vmem>> -> memref<1x80xi32, #tpu.memory_space<vmem>>
      %dma_start3A_336 = tpu.memref_squeeze %dma_start3A_335 : memref<1x80xi32, #tpu.memory_space<vmem>> -> memref<80xi32, #tpu.memory_space<vmem>>
      %dma_start3A_337 = arith.constant 0 : i32
      %dma_start3A_338 = tpu.memref_slice %arg14[%dma_start3A_337] : memref<10240xf32, #tpu.memory_space<vmem_shared>> -> memref<10240xf32, #tpu.memory_space<vmem_shared>>
      tpu.enqueue_indirect_dma source(%dma_start3A_333 : memref<80xf32, #tpu.memory_space<vmem>>) target(%dma_start3A_338 : memref<10240xf32, #tpu.memory_space<vmem_shared>>) offsets(%dma_start3A_336 : memref<80xi32, #tpu.memory_space<vmem>>) semaphore(%arg12 : memref<!tpu.dma_semaphore, #tpu.memory_space<semaphore_mem>>) {add = true}
      %mul3A_339 = arith.constant 25 : i32
      %mul3A_340 = arith.muli %scan3A_33, %mul3A_339 : i32
      %add3A_341 = arith.constant 17 : i32
      %add3A_342 = arith.addi %mul3A_340, %add3A_341 : i32
      %mul3A_343 = arith.constant 80 : i32
      %mul3A_344 = arith.muli %add3A_342, %mul3A_343 : i32
      %dma_start3A_345 = tpu.memref_slice %arg9[%mul3A_344] : memref<10000xf32, #tpu.memory_space<vmem>> -> memref<80xf32, #tpu.memory_space<vmem>>
      %dma_start3A_346 = arith.constant 0 : i32
      %dma_start3A_347 = tpu.memref_slice %arg7[%add3A_342, %dma_start3A_346] : memref<125x80xi32, #tpu.memory_space<vmem>> -> memref<1x80xi32, #tpu.memory_space<vmem>>
      %dma_start3A_348 = tpu.memref_squeeze %dma_start3A_347 : memref<1x80xi32, #tpu.memory_space<vmem>> -> memref<80xi32, #tpu.memory_space<vmem>>
      %dma_start3A_349 = arith.constant 0 : i32
      %dma_start3A_350 = tpu.memref_slice %arg13[%dma_start3A_349] : memref<10240xf32, #tpu.memory_space<vmem_shared>> -> memref<10240xf32, #tpu.memory_space<vmem_shared>>
      tpu.enqueue_indirect_dma source(%dma_start3A_345 : memref<80xf32, #tpu.memory_space<vmem>>) target(%dma_start3A_350 : memref<10240xf32, #tpu.memory_space<vmem_shared>>) offsets(%dma_start3A_348 : memref<80xi32, #tpu.memory_space<vmem>>) semaphore(%arg11 : memref<!tpu.dma_semaphore, #tpu.memory_space<semaphore_mem>>) {add = true}
      %dma_start3A_351 = tpu.memref_slice %arg9[%mul3A_344] : memref<10000xf32, #tpu.memory_space<vmem>> -> memref<80xf32, #tpu.memory_space<vmem>>
      %dma_start3A_352 = arith.constant 0 : i32
      %dma_start3A_353 = tpu.memref_slice %arg8[%add3A_342, %dma_start3A_352] : memref<125x80xi32, #tpu.memory_space<vmem>> -> memref<1x80xi32, #tpu.memory_space<vmem>>
      %dma_start3A_354 = tpu.memref_squeeze %dma_start3A_353 : memref<1x80xi32, #tpu.memory_space<vmem>> -> memref<80xi32, #tpu.memory_space<vmem>>
      %dma_start3A_355 = arith.constant 0 : i32
      %dma_start3A_356 = tpu.memref_slice %arg14[%dma_start3A_355] : memref<10240xf32, #tpu.memory_space<vmem_shared>> -> memref<10240xf32, #tpu.memory_space<vmem_shared>>
      tpu.enqueue_indirect_dma source(%dma_start3A_351 : memref<80xf32, #tpu.memory_space<vmem>>) target(%dma_start3A_356 : memref<10240xf32, #tpu.memory_space<vmem_shared>>) offsets(%dma_start3A_354 : memref<80xi32, #tpu.memory_space<vmem>>) semaphore(%arg12 : memref<!tpu.dma_semaphore, #tpu.memory_space<semaphore_mem>>) {add = true}
      %mul3A_357 = arith.constant 25 : i32
      %mul3A_358 = arith.muli %scan3A_33, %mul3A_357 : i32
      %add3A_359 = arith.constant 18 : i32
      %add3A_360 = arith.addi %mul3A_358, %add3A_359 : i32
      %mul3A_361 = arith.constant 80 : i32
      %mul3A_362 = arith.muli %add3A_360, %mul3A_361 : i32
      %dma_start3A_363 = tpu.memref_slice %arg9[%mul3A_362] : memref<10000xf32, #tpu.memory_space<vmem>> -> memref<80xf32, #tpu.memory_space<vmem>>
      %dma_start3A_364 = arith.constant 0 : i32
      %dma_start3A_365 = tpu.memref_slice %arg7[%add3A_360, %dma_start3A_364] : memref<125x80xi32, #tpu.memory_space<vmem>> -> memref<1x80xi32, #tpu.memory_space<vmem>>
      %dma_start3A_366 = tpu.memref_squeeze %dma_start3A_365 : memref<1x80xi32, #tpu.memory_space<vmem>> -> memref<80xi32, #tpu.memory_space<vmem>>
      %dma_start3A_367 = arith.constant 0 : i32
      %dma_start3A_368 = tpu.memref_slice %arg13[%dma_start3A_367] : memref<10240xf32, #tpu.memory_space<vmem_shared>> -> memref<10240xf32, #tpu.memory_space<vmem_shared>>
      tpu.enqueue_indirect_dma source(%dma_start3A_363 : memref<80xf32, #tpu.memory_space<vmem>>) target(%dma_start3A_368 : memref<10240xf32, #tpu.memory_space<vmem_shared>>) offsets(%dma_start3A_366 : memref<80xi32, #tpu.memory_space<vmem>>) semaphore(%arg11 : memref<!tpu.dma_semaphore, #tpu.memory_space<semaphore_mem>>) {add = true}
      %dma_start3A_369 = tpu.memref_slice %arg9[%mul3A_362] : memref<10000xf32, #tpu.memory_space<vmem>> -> memref<80xf32, #tpu.memory_space<vmem>>
      %dma_start3A_370 = arith.constant 0 : i32
      %dma_start3A_371 = tpu.memref_slice %arg8[%add3A_360, %dma_start3A_370] : memref<125x80xi32, #tpu.memory_space<vmem>> -> memref<1x80xi32, #tpu.memory_space<vmem>>
      %dma_start3A_372 = tpu.memref_squeeze %dma_start3A_371 : memref<1x80xi32, #tpu.memory_space<vmem>> -> memref<80xi32, #tpu.memory_space<vmem>>
      %dma_start3A_373 = arith.constant 0 : i32
      %dma_start3A_374 = tpu.memref_slice %arg14[%dma_start3A_373] : memref<10240xf32, #tpu.memory_space<vmem_shared>> -> memref<10240xf32, #tpu.memory_space<vmem_shared>>
      tpu.enqueue_indirect_dma source(%dma_start3A_369 : memref<80xf32, #tpu.memory_space<vmem>>) target(%dma_start3A_374 : memref<10240xf32, #tpu.memory_space<vmem_shared>>) offsets(%dma_start3A_372 : memref<80xi32, #tpu.memory_space<vmem>>) semaphore(%arg12 : memref<!tpu.dma_semaphore, #tpu.memory_space<semaphore_mem>>) {add = true}
      %mul3A_375 = arith.constant 25 : i32
      %mul3A_376 = arith.muli %scan3A_33, %mul3A_375 : i32
      %add3A_377 = arith.constant 19 : i32
      %add3A_378 = arith.addi %mul3A_376, %add3A_377 : i32
      %mul3A_379 = arith.constant 80 : i32
      %mul3A_380 = arith.muli %add3A_378, %mul3A_379 : i32
      %dma_start3A_381 = tpu.memref_slice %arg9[%mul3A_380] : memref<10000xf32, #tpu.memory_space<vmem>> -> memref<80xf32, #tpu.memory_space<vmem>>
      %dma_start3A_382 = arith.constant 0 : i32
      %dma_start3A_383 = tpu.memref_slice %arg7[%add3A_378, %dma_start3A_382] : memref<125x80xi32, #tpu.memory_space<vmem>> -> memref<1x80xi32, #tpu.memory_space<vmem>>
      %dma_start3A_384 = tpu.memref_squeeze %dma_start3A_383 : memref<1x80xi32, #tpu.memory_space<vmem>> -> memref<80xi32, #tpu.memory_space<vmem>>
      %dma_start3A_385 = arith.constant 0 : i32
      %dma_start3A_386 = tpu.memref_slice %arg13[%dma_start3A_385] : memref<10240xf32, #tpu.memory_space<vmem_shared>> -> memref<10240xf32, #tpu.memory_space<vmem_shared>>
      tpu.enqueue_indirect_dma source(%dma_start3A_381 : memref<80xf32, #tpu.memory_space<vmem>>) target(%dma_start3A_386 : memref<10240xf32, #tpu.memory_space<vmem_shared>>) offsets(%dma_start3A_384 : memref<80xi32, #tpu.memory_space<vmem>>) semaphore(%arg11 : memref<!tpu.dma_semaphore, #tpu.memory_space<semaphore_mem>>) {add = true}
      %dma_start3A_387 = tpu.memref_slice %arg9[%mul3A_380] : memref<10000xf32, #tpu.memory_space<vmem>> -> memref<80xf32, #tpu.memory_space<vmem>>
      %dma_start3A_388 = arith.constant 0 : i32
      %dma_start3A_389 = tpu.memref_slice %arg8[%add3A_378, %dma_start3A_388] : memref<125x80xi32, #tpu.memory_space<vmem>> -> memref<1x80xi32, #tpu.memory_space<vmem>>
      %dma_start3A_390 = tpu.memref_squeeze %dma_start3A_389 : memref<1x80xi32, #tpu.memory_space<vmem>> -> memref<80xi32, #tpu.memory_space<vmem>>
      %dma_start3A_391 = arith.constant 0 : i32
      %dma_start3A_392 = tpu.memref_slice %arg14[%dma_start3A_391] : memref<10240xf32, #tpu.memory_space<vmem_shared>> -> memref<10240xf32, #tpu.memory_space<vmem_shared>>
      tpu.enqueue_indirect_dma source(%dma_start3A_387 : memref<80xf32, #tpu.memory_space<vmem>>) target(%dma_start3A_392 : memref<10240xf32, #tpu.memory_space<vmem_shared>>) offsets(%dma_start3A_390 : memref<80xi32, #tpu.memory_space<vmem>>) semaphore(%arg12 : memref<!tpu.dma_semaphore, #tpu.memory_space<semaphore_mem>>) {add = true}
      %mul3A_393 = arith.constant 25 : i32
      %mul3A_394 = arith.muli %scan3A_33, %mul3A_393 : i32
      %add3A_395 = arith.constant 20 : i32
      %add3A_396 = arith.addi %mul3A_394, %add3A_395 : i32
      %mul3A_397 = arith.constant 80 : i32
      %mul3A_398 = arith.muli %add3A_396, %mul3A_397 : i32
      %dma_start3A_399 = tpu.memref_slice %arg9[%mul3A_398] : memref<10000xf32, #tpu.memory_space<vmem>> -> memref<80xf32, #tpu.memory_space<vmem>>
      %dma_start3A_400 = arith.constant 0 : i32
      %dma_start3A_401 = tpu.memref_slice %arg7[%add3A_396, %dma_start3A_400] : memref<125x80xi32, #tpu.memory_space<vmem>> -> memref<1x80xi32, #tpu.memory_space<vmem>>
      %dma_start3A_402 = tpu.memref_squeeze %dma_start3A_401 : memref<1x80xi32, #tpu.memory_space<vmem>> -> memref<80xi32, #tpu.memory_space<vmem>>
      %dma_start3A_403 = arith.constant 0 : i32
      %dma_start3A_404 = tpu.memref_slice %arg13[%dma_start3A_403] : memref<10240xf32, #tpu.memory_space<vmem_shared>> -> memref<10240xf32, #tpu.memory_space<vmem_shared>>
      tpu.enqueue_indirect_dma source(%dma_start3A_399 : memref<80xf32, #tpu.memory_space<vmem>>) target(%dma_start3A_404 : memref<10240xf32, #tpu.memory_space<vmem_shared>>) offsets(%dma_start3A_402 : memref<80xi32, #tpu.memory_space<vmem>>) semaphore(%arg11 : memref<!tpu.dma_semaphore, #tpu.memory_space<semaphore_mem>>) {add = true}
      %dma_start3A_405 = tpu.memref_slice %arg9[%mul3A_398] : memref<10000xf32, #tpu.memory_space<vmem>> -> memref<80xf32, #tpu.memory_space<vmem>>
      %dma_start3A_406 = arith.constant 0 : i32
      %dma_start3A_407 = tpu.memref_slice %arg8[%add3A_396, %dma_start3A_406] : memref<125x80xi32, #tpu.memory_space<vmem>> -> memref<1x80xi32, #tpu.memory_space<vmem>>
      %dma_start3A_408 = tpu.memref_squeeze %dma_start3A_407 : memref<1x80xi32, #tpu.memory_space<vmem>> -> memref<80xi32, #tpu.memory_space<vmem>>
      %dma_start3A_409 = arith.constant 0 : i32
      %dma_start3A_410 = tpu.memref_slice %arg14[%dma_start3A_409] : memref<10240xf32, #tpu.memory_space<vmem_shared>> -> memref<10240xf32, #tpu.memory_space<vmem_shared>>
      tpu.enqueue_indirect_dma source(%dma_start3A_405 : memref<80xf32, #tpu.memory_space<vmem>>) target(%dma_start3A_410 : memref<10240xf32, #tpu.memory_space<vmem_shared>>) offsets(%dma_start3A_408 : memref<80xi32, #tpu.memory_space<vmem>>) semaphore(%arg12 : memref<!tpu.dma_semaphore, #tpu.memory_space<semaphore_mem>>) {add = true}
      %mul3A_411 = arith.constant 25 : i32
      %mul3A_412 = arith.muli %scan3A_33, %mul3A_411 : i32
      %add3A_413 = arith.constant 21 : i32
      %add3A_414 = arith.addi %mul3A_412, %add3A_413 : i32
      %mul3A_415 = arith.constant 80 : i32
      %mul3A_416 = arith.muli %add3A_414, %mul3A_415 : i32
      %dma_start3A_417 = tpu.memref_slice %arg9[%mul3A_416] : memref<10000xf32, #tpu.memory_space<vmem>> -> memref<80xf32, #tpu.memory_space<vmem>>
      %dma_start3A_418 = arith.constant 0 : i32
      %dma_start3A_419 = tpu.memref_slice %arg7[%add3A_414, %dma_start3A_418] : memref<125x80xi32, #tpu.memory_space<vmem>> -> memref<1x80xi32, #tpu.memory_space<vmem>>
      %dma_start3A_420 = tpu.memref_squeeze %dma_start3A_419 : memref<1x80xi32, #tpu.memory_space<vmem>> -> memref<80xi32, #tpu.memory_space<vmem>>
      %dma_start3A_421 = arith.constant 0 : i32
      %dma_start3A_422 = tpu.memref_slice %arg13[%dma_start3A_421] : memref<10240xf32, #tpu.memory_space<vmem_shared>> -> memref<10240xf32, #tpu.memory_space<vmem_shared>>
      tpu.enqueue_indirect_dma source(%dma_start3A_417 : memref<80xf32, #tpu.memory_space<vmem>>) target(%dma_start3A_422 : memref<10240xf32, #tpu.memory_space<vmem_shared>>) offsets(%dma_start3A_420 : memref<80xi32, #tpu.memory_space<vmem>>) semaphore(%arg11 : memref<!tpu.dma_semaphore, #tpu.memory_space<semaphore_mem>>) {add = true}
      %dma_start3A_423 = tpu.memref_slice %arg9[%mul3A_416] : memref<10000xf32, #tpu.memory_space<vmem>> -> memref<80xf32, #tpu.memory_space<vmem>>
      %dma_start3A_424 = arith.constant 0 : i32
      %dma_start3A_425 = tpu.memref_slice %arg8[%add3A_414, %dma_start3A_424] : memref<125x80xi32, #tpu.memory_space<vmem>> -> memref<1x80xi32, #tpu.memory_space<vmem>>
      %dma_start3A_426 = tpu.memref_squeeze %dma_start3A_425 : memref<1x80xi32, #tpu.memory_space<vmem>> -> memref<80xi32, #tpu.memory_space<vmem>>
      %dma_start3A_427 = arith.constant 0 : i32
      %dma_start3A_428 = tpu.memref_slice %arg14[%dma_start3A_427] : memref<10240xf32, #tpu.memory_space<vmem_shared>> -> memref<10240xf32, #tpu.memory_space<vmem_shared>>
      tpu.enqueue_indirect_dma source(%dma_start3A_423 : memref<80xf32, #tpu.memory_space<vmem>>) target(%dma_start3A_428 : memref<10240xf32, #tpu.memory_space<vmem_shared>>) offsets(%dma_start3A_426 : memref<80xi32, #tpu.memory_space<vmem>>) semaphore(%arg12 : memref<!tpu.dma_semaphore, #tpu.memory_space<semaphore_mem>>) {add = true}
      %mul3A_429 = arith.constant 25 : i32
      %mul3A_430 = arith.muli %scan3A_33, %mul3A_429 : i32
      %add3A_431 = arith.constant 22 : i32
      %add3A_432 = arith.addi %mul3A_430, %add3A_431 : i32
      %mul3A_433 = arith.constant 80 : i32
      %mul3A_434 = arith.muli %add3A_432, %mul3A_433 : i32
      %dma_start3A_435 = tpu.memref_slice %arg9[%mul3A_434] : memref<10000xf32, #tpu.memory_space<vmem>> -> memref<80xf32, #tpu.memory_space<vmem>>
      %dma_start3A_436 = arith.constant 0 : i32
      %dma_start3A_437 = tpu.memref_slice %arg7[%add3A_432, %dma_start3A_436] : memref<125x80xi32, #tpu.memory_space<vmem>> -> memref<1x80xi32, #tpu.memory_space<vmem>>
      %dma_start3A_438 = tpu.memref_squeeze %dma_start3A_437 : memref<1x80xi32, #tpu.memory_space<vmem>> -> memref<80xi32, #tpu.memory_space<vmem>>
      %dma_start3A_439 = arith.constant 0 : i32
      %dma_start3A_440 = tpu.memref_slice %arg13[%dma_start3A_439] : memref<10240xf32, #tpu.memory_space<vmem_shared>> -> memref<10240xf32, #tpu.memory_space<vmem_shared>>
      tpu.enqueue_indirect_dma source(%dma_start3A_435 : memref<80xf32, #tpu.memory_space<vmem>>) target(%dma_start3A_440 : memref<10240xf32, #tpu.memory_space<vmem_shared>>) offsets(%dma_start3A_438 : memref<80xi32, #tpu.memory_space<vmem>>) semaphore(%arg11 : memref<!tpu.dma_semaphore, #tpu.memory_space<semaphore_mem>>) {add = true}
      %dma_start3A_441 = tpu.memref_slice %arg9[%mul3A_434] : memref<10000xf32, #tpu.memory_space<vmem>> -> memref<80xf32, #tpu.memory_space<vmem>>
      %dma_start3A_442 = arith.constant 0 : i32
      %dma_start3A_443 = tpu.memref_slice %arg8[%add3A_432, %dma_start3A_442] : memref<125x80xi32, #tpu.memory_space<vmem>> -> memref<1x80xi32, #tpu.memory_space<vmem>>
      %dma_start3A_444 = tpu.memref_squeeze %dma_start3A_443 : memref<1x80xi32, #tpu.memory_space<vmem>> -> memref<80xi32, #tpu.memory_space<vmem>>
      %dma_start3A_445 = arith.constant 0 : i32
      %dma_start3A_446 = tpu.memref_slice %arg14[%dma_start3A_445] : memref<10240xf32, #tpu.memory_space<vmem_shared>> -> memref<10240xf32, #tpu.memory_space<vmem_shared>>
      tpu.enqueue_indirect_dma source(%dma_start3A_441 : memref<80xf32, #tpu.memory_space<vmem>>) target(%dma_start3A_446 : memref<10240xf32, #tpu.memory_space<vmem_shared>>) offsets(%dma_start3A_444 : memref<80xi32, #tpu.memory_space<vmem>>) semaphore(%arg12 : memref<!tpu.dma_semaphore, #tpu.memory_space<semaphore_mem>>) {add = true}
      %mul3A_447 = arith.constant 25 : i32
      %mul3A_448 = arith.muli %scan3A_33, %mul3A_447 : i32
      %add3A_449 = arith.constant 23 : i32
      %add3A_450 = arith.addi %mul3A_448, %add3A_449 : i32
      %mul3A_451 = arith.constant 80 : i32
      %mul3A_452 = arith.muli %add3A_450, %mul3A_451 : i32
      %dma_start3A_453 = tpu.memref_slice %arg9[%mul3A_452] : memref<10000xf32, #tpu.memory_space<vmem>> -> memref<80xf32, #tpu.memory_space<vmem>>
      %dma_start3A_454 = arith.constant 0 : i32
      %dma_start3A_455 = tpu.memref_slice %arg7[%add3A_450, %dma_start3A_454] : memref<125x80xi32, #tpu.memory_space<vmem>> -> memref<1x80xi32, #tpu.memory_space<vmem>>
      %dma_start3A_456 = tpu.memref_squeeze %dma_start3A_455 : memref<1x80xi32, #tpu.memory_space<vmem>> -> memref<80xi32, #tpu.memory_space<vmem>>
      %dma_start3A_457 = arith.constant 0 : i32
      %dma_start3A_458 = tpu.memref_slice %arg13[%dma_start3A_457] : memref<10240xf32, #tpu.memory_space<vmem_shared>> -> memref<10240xf32, #tpu.memory_space<vmem_shared>>
      tpu.enqueue_indirect_dma source(%dma_start3A_453 : memref<80xf32, #tpu.memory_space<vmem>>) target(%dma_start3A_458 : memref<10240xf32, #tpu.memory_space<vmem_shared>>) offsets(%dma_start3A_456 : memref<80xi32, #tpu.memory_space<vmem>>) semaphore(%arg11 : memref<!tpu.dma_semaphore, #tpu.memory_space<semaphore_mem>>) {add = true}
      %dma_start3A_459 = tpu.memref_slice %arg9[%mul3A_452] : memref<10000xf32, #tpu.memory_space<vmem>> -> memref<80xf32, #tpu.memory_space<vmem>>
      %dma_start3A_460 = arith.constant 0 : i32
      %dma_start3A_461 = tpu.memref_slice %arg8[%add3A_450, %dma_start3A_460] : memref<125x80xi32, #tpu.memory_space<vmem>> -> memref<1x80xi32, #tpu.memory_space<vmem>>
      %dma_start3A_462 = tpu.memref_squeeze %dma_start3A_461 : memref<1x80xi32, #tpu.memory_space<vmem>> -> memref<80xi32, #tpu.memory_space<vmem>>
      %dma_start3A_463 = arith.constant 0 : i32
      %dma_start3A_464 = tpu.memref_slice %arg14[%dma_start3A_463] : memref<10240xf32, #tpu.memory_space<vmem_shared>> -> memref<10240xf32, #tpu.memory_space<vmem_shared>>
      tpu.enqueue_indirect_dma source(%dma_start3A_459 : memref<80xf32, #tpu.memory_space<vmem>>) target(%dma_start3A_464 : memref<10240xf32, #tpu.memory_space<vmem_shared>>) offsets(%dma_start3A_462 : memref<80xi32, #tpu.memory_space<vmem>>) semaphore(%arg12 : memref<!tpu.dma_semaphore, #tpu.memory_space<semaphore_mem>>) {add = true}
      %mul3A_465 = arith.constant 25 : i32
      %mul3A_466 = arith.muli %scan3A_33, %mul3A_465 : i32
      %add3A_467 = arith.constant 24 : i32
      %add3A_468 = arith.addi %mul3A_466, %add3A_467 : i32
      %mul3A_469 = arith.constant 80 : i32
      %mul3A_470 = arith.muli %add3A_468, %mul3A_469 : i32
      %dma_start3A_471 = tpu.memref_slice %arg9[%mul3A_470] : memref<10000xf32, #tpu.memory_space<vmem>> -> memref<80xf32, #tpu.memory_space<vmem>>
      %dma_start3A_472 = arith.constant 0 : i32
      %dma_start3A_473 = tpu.memref_slice %arg7[%add3A_468, %dma_start3A_472] : memref<125x80xi32, #tpu.memory_space<vmem>> -> memref<1x80xi32, #tpu.memory_space<vmem>>
      %dma_start3A_474 = tpu.memref_squeeze %dma_start3A_473 : memref<1x80xi32, #tpu.memory_space<vmem>> -> memref<80xi32, #tpu.memory_space<vmem>>
      %dma_start3A_475 = arith.constant 0 : i32
      %dma_start3A_476 = tpu.memref_slice %arg13[%dma_start3A_475] : memref<10240xf32, #tpu.memory_space<vmem_shared>> -> memref<10240xf32, #tpu.memory_space<vmem_shared>>
      tpu.enqueue_indirect_dma source(%dma_start3A_471 : memref<80xf32, #tpu.memory_space<vmem>>) target(%dma_start3A_476 : memref<10240xf32, #tpu.memory_space<vmem_shared>>) offsets(%dma_start3A_474 : memref<80xi32, #tpu.memory_space<vmem>>) semaphore(%arg11 : memref<!tpu.dma_semaphore, #tpu.memory_space<semaphore_mem>>) {add = true}
      %dma_start3A_477 = tpu.memref_slice %arg9[%mul3A_470] : memref<10000xf32, #tpu.memory_space<vmem>> -> memref<80xf32, #tpu.memory_space<vmem>>
      %dma_start3A_478 = arith.constant 0 : i32
      %dma_start3A_479 = tpu.memref_slice %arg8[%add3A_468, %dma_start3A_478] : memref<125x80xi32, #tpu.memory_space<vmem>> -> memref<1x80xi32, #tpu.memory_space<vmem>>
      %dma_start3A_480 = tpu.memref_squeeze %dma_start3A_479 : memref<1x80xi32, #tpu.memory_space<vmem>> -> memref<80xi32, #tpu.memory_space<vmem>>
      %dma_start3A_481 = arith.constant 0 : i32
      %dma_start3A_482 = tpu.memref_slice %arg14[%dma_start3A_481] : memref<10240xf32, #tpu.memory_space<vmem_shared>> -> memref<10240xf32, #tpu.memory_space<vmem_shared>>
      tpu.enqueue_indirect_dma source(%dma_start3A_477 : memref<80xf32, #tpu.memory_space<vmem>>) target(%dma_start3A_482 : memref<10240xf32, #tpu.memory_space<vmem_shared>>) offsets(%dma_start3A_480 : memref<80xi32, #tpu.memory_space<vmem>>) semaphore(%arg12 : memref<!tpu.dma_semaphore, #tpu.memory_space<semaphore_mem>>) {add = true}
      %mul3A_483 = arith.constant 25 : i32
      %mul3A_484 = arith.muli %scan3A_33, %mul3A_483 : i32
      %add3A_485 = arith.constant 0 : i32
      %add3A_486 = arith.addi %mul3A_484, %add3A_485 : i32
      %mul3A_487 = arith.constant 80 : i32
      %mul3A_488 = arith.muli %add3A_486, %mul3A_487 : i32
      %dma_wait3A = tpu.memref_slice %arg9[%mul3A_488] : memref<10000xf32, #tpu.memory_space<vmem>> -> memref<80xf32, #tpu.memory_space<vmem>>
      %dma_wait3A_489 = arith.constant 0 : i32
      %dma_wait3A_490 = tpu.memref_slice %arg7[%add3A_486, %dma_wait3A_489] : memref<125x80xi32, #tpu.memory_space<vmem>> -> memref<1x80xi32, #tpu.memory_space<vmem>>
      %dma_wait3A_491 = tpu.memref_squeeze %dma_wait3A_490 : memref<1x80xi32, #tpu.memory_space<vmem>> -> memref<80xi32, #tpu.memory_space<vmem>>
      %dma_wait3A_492 = arith.constant 0 : i32
      %dma_wait3A_493 = tpu.memref_slice %arg13[%dma_wait3A_492] : memref<10240xf32, #tpu.memory_space<vmem_shared>> -> memref<10240xf32, #tpu.memory_space<vmem_shared>>
      tpu.wait_indirect_dma semaphore(%arg11 : memref<!tpu.dma_semaphore, #tpu.memory_space<semaphore_mem>>) src(%dma_wait3A : memref<80xf32, #tpu.memory_space<vmem>>) dst(%dma_wait3A_493 : memref<10240xf32, #tpu.memory_space<vmem_shared>>)
      %dma_wait3A_494 = tpu.memref_slice %arg9[%mul3A_488] : memref<10000xf32, #tpu.memory_space<vmem>> -> memref<80xf32, #tpu.memory_space<vmem>>
      %dma_wait3A_495 = arith.constant 0 : i32
      %dma_wait3A_496 = tpu.memref_slice %arg8[%add3A_486, %dma_wait3A_495] : memref<125x80xi32, #tpu.memory_space<vmem>> -> memref<1x80xi32, #tpu.memory_space<vmem>>
      %dma_wait3A_497 = tpu.memref_squeeze %dma_wait3A_496 : memref<1x80xi32, #tpu.memory_space<vmem>> -> memref<80xi32, #tpu.memory_space<vmem>>
      %dma_wait3A_498 = arith.constant 0 : i32
      %dma_wait3A_499 = tpu.memref_slice %arg14[%dma_wait3A_498] : memref<10240xf32, #tpu.memory_space<vmem_shared>> -> memref<10240xf32, #tpu.memory_space<vmem_shared>>
      tpu.wait_indirect_dma semaphore(%arg12 : memref<!tpu.dma_semaphore, #tpu.memory_space<semaphore_mem>>) src(%dma_wait3A_494 : memref<80xf32, #tpu.memory_space<vmem>>) dst(%dma_wait3A_499 : memref<10240xf32, #tpu.memory_space<vmem_shared>>)
      %mul3A_500 = arith.constant 25 : i32
      %mul3A_501 = arith.muli %scan3A_33, %mul3A_500 : i32
      %add3A_502 = arith.constant 1 : i32
      %add3A_503 = arith.addi %mul3A_501, %add3A_502 : i32
      %mul3A_504 = arith.constant 80 : i32
      %mul3A_505 = arith.muli %add3A_503, %mul3A_504 : i32
      %dma_wait3A_506 = tpu.memref_slice %arg9[%mul3A_505] : memref<10000xf32, #tpu.memory_space<vmem>> -> memref<80xf32, #tpu.memory_space<vmem>>
      %dma_wait3A_507 = arith.constant 0 : i32
      %dma_wait3A_508 = tpu.memref_slice %arg7[%add3A_503, %dma_wait3A_507] : memref<125x80xi32, #tpu.memory_space<vmem>> -> memref<1x80xi32, #tpu.memory_space<vmem>>
      %dma_wait3A_509 = tpu.memref_squeeze %dma_wait3A_508 : memref<1x80xi32, #tpu.memory_space<vmem>> -> memref<80xi32, #tpu.memory_space<vmem>>
      %dma_wait3A_510 = arith.constant 0 : i32
      %dma_wait3A_511 = tpu.memref_slice %arg13[%dma_wait3A_510] : memref<10240xf32, #tpu.memory_space<vmem_shared>> -> memref<10240xf32, #tpu.memory_space<vmem_shared>>
      tpu.wait_indirect_dma semaphore(%arg11 : memref<!tpu.dma_semaphore, #tpu.memory_space<semaphore_mem>>) src(%dma_wait3A_506 : memref<80xf32, #tpu.memory_space<vmem>>) dst(%dma_wait3A_511 : memref<10240xf32, #tpu.memory_space<vmem_shared>>)
      %dma_wait3A_512 = tpu.memref_slice %arg9[%mul3A_505] : memref<10000xf32, #tpu.memory_space<vmem>> -> memref<80xf32, #tpu.memory_space<vmem>>
      %dma_wait3A_513 = arith.constant 0 : i32
      %dma_wait3A_514 = tpu.memref_slice %arg8[%add3A_503, %dma_wait3A_513] : memref<125x80xi32, #tpu.memory_space<vmem>> -> memref<1x80xi32, #tpu.memory_space<vmem>>
      %dma_wait3A_515 = tpu.memref_squeeze %dma_wait3A_514 : memref<1x80xi32, #tpu.memory_space<vmem>> -> memref<80xi32, #tpu.memory_space<vmem>>
      %dma_wait3A_516 = arith.constant 0 : i32
      %dma_wait3A_517 = tpu.memref_slice %arg14[%dma_wait3A_516] : memref<10240xf32, #tpu.memory_space<vmem_shared>> -> memref<10240xf32, #tpu.memory_space<vmem_shared>>
      tpu.wait_indirect_dma semaphore(%arg12 : memref<!tpu.dma_semaphore, #tpu.memory_space<semaphore_mem>>) src(%dma_wait3A_512 : memref<80xf32, #tpu.memory_space<vmem>>) dst(%dma_wait3A_517 : memref<10240xf32, #tpu.memory_space<vmem_shared>>)
      %mul3A_518 = arith.constant 25 : i32
      %mul3A_519 = arith.muli %scan3A_33, %mul3A_518 : i32
      %add3A_520 = arith.constant 2 : i32
      %add3A_521 = arith.addi %mul3A_519, %add3A_520 : i32
      %mul3A_522 = arith.constant 80 : i32
      %mul3A_523 = arith.muli %add3A_521, %mul3A_522 : i32
      %dma_wait3A_524 = tpu.memref_slice %arg9[%mul3A_523] : memref<10000xf32, #tpu.memory_space<vmem>> -> memref<80xf32, #tpu.memory_space<vmem>>
      %dma_wait3A_525 = arith.constant 0 : i32
      %dma_wait3A_526 = tpu.memref_slice %arg7[%add3A_521, %dma_wait3A_525] : memref<125x80xi32, #tpu.memory_space<vmem>> -> memref<1x80xi32, #tpu.memory_space<vmem>>
      %dma_wait3A_527 = tpu.memref_squeeze %dma_wait3A_526 : memref<1x80xi32, #tpu.memory_space<vmem>> -> memref<80xi32, #tpu.memory_space<vmem>>
      %dma_wait3A_528 = arith.constant 0 : i32
      %dma_wait3A_529 = tpu.memref_slice %arg13[%dma_wait3A_528] : memref<10240xf32, #tpu.memory_space<vmem_shared>> -> memref<10240xf32, #tpu.memory_space<vmem_shared>>
      tpu.wait_indirect_dma semaphore(%arg11 : memref<!tpu.dma_semaphore, #tpu.memory_space<semaphore_mem>>) src(%dma_wait3A_524 : memref<80xf32, #tpu.memory_space<vmem>>) dst(%dma_wait3A_529 : memref<10240xf32, #tpu.memory_space<vmem_shared>>)
      %dma_wait3A_530 = tpu.memref_slice %arg9[%mul3A_523] : memref<10000xf32, #tpu.memory_space<vmem>> -> memref<80xf32, #tpu.memory_space<vmem>>
      %dma_wait3A_531 = arith.constant 0 : i32
      %dma_wait3A_532 = tpu.memref_slice %arg8[%add3A_521, %dma_wait3A_531] : memref<125x80xi32, #tpu.memory_space<vmem>> -> memref<1x80xi32, #tpu.memory_space<vmem>>
      %dma_wait3A_533 = tpu.memref_squeeze %dma_wait3A_532 : memref<1x80xi32, #tpu.memory_space<vmem>> -> memref<80xi32, #tpu.memory_space<vmem>>
      %dma_wait3A_534 = arith.constant 0 : i32
      %dma_wait3A_535 = tpu.memref_slice %arg14[%dma_wait3A_534] : memref<10240xf32, #tpu.memory_space<vmem_shared>> -> memref<10240xf32, #tpu.memory_space<vmem_shared>>
      tpu.wait_indirect_dma semaphore(%arg12 : memref<!tpu.dma_semaphore, #tpu.memory_space<semaphore_mem>>) src(%dma_wait3A_530 : memref<80xf32, #tpu.memory_space<vmem>>) dst(%dma_wait3A_535 : memref<10240xf32, #tpu.memory_space<vmem_shared>>)
      %mul3A_536 = arith.constant 25 : i32
      %mul3A_537 = arith.muli %scan3A_33, %mul3A_536 : i32
      %add3A_538 = arith.constant 3 : i32
      %add3A_539 = arith.addi %mul3A_537, %add3A_538 : i32
      %mul3A_540 = arith.constant 80 : i32
      %mul3A_541 = arith.muli %add3A_539, %mul3A_540 : i32
      %dma_wait3A_542 = tpu.memref_slice %arg9[%mul3A_541] : memref<10000xf32, #tpu.memory_space<vmem>> -> memref<80xf32, #tpu.memory_space<vmem>>
      %dma_wait3A_543 = arith.constant 0 : i32
      %dma_wait3A_544 = tpu.memref_slice %arg7[%add3A_539, %dma_wait3A_543] : memref<125x80xi32, #tpu.memory_space<vmem>> -> memref<1x80xi32, #tpu.memory_space<vmem>>
      %dma_wait3A_545 = tpu.memref_squeeze %dma_wait3A_544 : memref<1x80xi32, #tpu.memory_space<vmem>> -> memref<80xi32, #tpu.memory_space<vmem>>
      %dma_wait3A_546 = arith.constant 0 : i32
      %dma_wait3A_547 = tpu.memref_slice %arg13[%dma_wait3A_546] : memref<10240xf32, #tpu.memory_space<vmem_shared>> -> memref<10240xf32, #tpu.memory_space<vmem_shared>>
      tpu.wait_indirect_dma semaphore(%arg11 : memref<!tpu.dma_semaphore, #tpu.memory_space<semaphore_mem>>) src(%dma_wait3A_542 : memref<80xf32, #tpu.memory_space<vmem>>) dst(%dma_wait3A_547 : memref<10240xf32, #tpu.memory_space<vmem_shared>>)
      %dma_wait3A_548 = tpu.memref_slice %arg9[%mul3A_541] : memref<10000xf32, #tpu.memory_space<vmem>> -> memref<80xf32, #tpu.memory_space<vmem>>
      %dma_wait3A_549 = arith.constant 0 : i32
      %dma_wait3A_550 = tpu.memref_slice %arg8[%add3A_539, %dma_wait3A_549] : memref<125x80xi32, #tpu.memory_space<vmem>> -> memref<1x80xi32, #tpu.memory_space<vmem>>
      %dma_wait3A_551 = tpu.memref_squeeze %dma_wait3A_550 : memref<1x80xi32, #tpu.memory_space<vmem>> -> memref<80xi32, #tpu.memory_space<vmem>>
      %dma_wait3A_552 = arith.constant 0 : i32
      %dma_wait3A_553 = tpu.memref_slice %arg14[%dma_wait3A_552] : memref<10240xf32, #tpu.memory_space<vmem_shared>> -> memref<10240xf32, #tpu.memory_space<vmem_shared>>
      tpu.wait_indirect_dma semaphore(%arg12 : memref<!tpu.dma_semaphore, #tpu.memory_space<semaphore_mem>>) src(%dma_wait3A_548 : memref<80xf32, #tpu.memory_space<vmem>>) dst(%dma_wait3A_553 : memref<10240xf32, #tpu.memory_space<vmem_shared>>)
      %mul3A_554 = arith.constant 25 : i32
      %mul3A_555 = arith.muli %scan3A_33, %mul3A_554 : i32
      %add3A_556 = arith.constant 4 : i32
      %add3A_557 = arith.addi %mul3A_555, %add3A_556 : i32
      %mul3A_558 = arith.constant 80 : i32
      %mul3A_559 = arith.muli %add3A_557, %mul3A_558 : i32
      %dma_wait3A_560 = tpu.memref_slice %arg9[%mul3A_559] : memref<10000xf32, #tpu.memory_space<vmem>> -> memref<80xf32, #tpu.memory_space<vmem>>
      %dma_wait3A_561 = arith.constant 0 : i32
      %dma_wait3A_562 = tpu.memref_slice %arg7[%add3A_557, %dma_wait3A_561] : memref<125x80xi32, #tpu.memory_space<vmem>> -> memref<1x80xi32, #tpu.memory_space<vmem>>
      %dma_wait3A_563 = tpu.memref_squeeze %dma_wait3A_562 : memref<1x80xi32, #tpu.memory_space<vmem>> -> memref<80xi32, #tpu.memory_space<vmem>>
      %dma_wait3A_564 = arith.constant 0 : i32
      %dma_wait3A_565 = tpu.memref_slice %arg13[%dma_wait3A_564] : memref<10240xf32, #tpu.memory_space<vmem_shared>> -> memref<10240xf32, #tpu.memory_space<vmem_shared>>
      tpu.wait_indirect_dma semaphore(%arg11 : memref<!tpu.dma_semaphore, #tpu.memory_space<semaphore_mem>>) src(%dma_wait3A_560 : memref<80xf32, #tpu.memory_space<vmem>>) dst(%dma_wait3A_565 : memref<10240xf32, #tpu.memory_space<vmem_shared>>)
      %dma_wait3A_566 = tpu.memref_slice %arg9[%mul3A_559] : memref<10000xf32, #tpu.memory_space<vmem>> -> memref<80xf32, #tpu.memory_space<vmem>>
      %dma_wait3A_567 = arith.constant 0 : i32
      %dma_wait3A_568 = tpu.memref_slice %arg8[%add3A_557, %dma_wait3A_567] : memref<125x80xi32, #tpu.memory_space<vmem>> -> memref<1x80xi32, #tpu.memory_space<vmem>>
      %dma_wait3A_569 = tpu.memref_squeeze %dma_wait3A_568 : memref<1x80xi32, #tpu.memory_space<vmem>> -> memref<80xi32, #tpu.memory_space<vmem>>
      %dma_wait3A_570 = arith.constant 0 : i32
      %dma_wait3A_571 = tpu.memref_slice %arg14[%dma_wait3A_570] : memref<10240xf32, #tpu.memory_space<vmem_shared>> -> memref<10240xf32, #tpu.memory_space<vmem_shared>>
      tpu.wait_indirect_dma semaphore(%arg12 : memref<!tpu.dma_semaphore, #tpu.memory_space<semaphore_mem>>) src(%dma_wait3A_566 : memref<80xf32, #tpu.memory_space<vmem>>) dst(%dma_wait3A_571 : memref<10240xf32, #tpu.memory_space<vmem_shared>>)
      %mul3A_572 = arith.constant 25 : i32
      %mul3A_573 = arith.muli %scan3A_33, %mul3A_572 : i32
      %add3A_574 = arith.constant 5 : i32
      %add3A_575 = arith.addi %mul3A_573, %add3A_574 : i32
      %mul3A_576 = arith.constant 80 : i32
      %mul3A_577 = arith.muli %add3A_575, %mul3A_576 : i32
      %dma_wait3A_578 = tpu.memref_slice %arg9[%mul3A_577] : memref<10000xf32, #tpu.memory_space<vmem>> -> memref<80xf32, #tpu.memory_space<vmem>>
      %dma_wait3A_579 = arith.constant 0 : i32
      %dma_wait3A_580 = tpu.memref_slice %arg7[%add3A_575, %dma_wait3A_579] : memref<125x80xi32, #tpu.memory_space<vmem>> -> memref<1x80xi32, #tpu.memory_space<vmem>>
      %dma_wait3A_581 = tpu.memref_squeeze %dma_wait3A_580 : memref<1x80xi32, #tpu.memory_space<vmem>> -> memref<80xi32, #tpu.memory_space<vmem>>
      %dma_wait3A_582 = arith.constant 0 : i32
      %dma_wait3A_583 = tpu.memref_slice %arg13[%dma_wait3A_582] : memref<10240xf32, #tpu.memory_space<vmem_shared>> -> memref<10240xf32, #tpu.memory_space<vmem_shared>>
      tpu.wait_indirect_dma semaphore(%arg11 : memref<!tpu.dma_semaphore, #tpu.memory_space<semaphore_mem>>) src(%dma_wait3A_578 : memref<80xf32, #tpu.memory_space<vmem>>) dst(%dma_wait3A_583 : memref<10240xf32, #tpu.memory_space<vmem_shared>>)
      %dma_wait3A_584 = tpu.memref_slice %arg9[%mul3A_577] : memref<10000xf32, #tpu.memory_space<vmem>> -> memref<80xf32, #tpu.memory_space<vmem>>
      %dma_wait3A_585 = arith.constant 0 : i32
      %dma_wait3A_586 = tpu.memref_slice %arg8[%add3A_575, %dma_wait3A_585] : memref<125x80xi32, #tpu.memory_space<vmem>> -> memref<1x80xi32, #tpu.memory_space<vmem>>
      %dma_wait3A_587 = tpu.memref_squeeze %dma_wait3A_586 : memref<1x80xi32, #tpu.memory_space<vmem>> -> memref<80xi32, #tpu.memory_space<vmem>>
      %dma_wait3A_588 = arith.constant 0 : i32
      %dma_wait3A_589 = tpu.memref_slice %arg14[%dma_wait3A_588] : memref<10240xf32, #tpu.memory_space<vmem_shared>> -> memref<10240xf32, #tpu.memory_space<vmem_shared>>
      tpu.wait_indirect_dma semaphore(%arg12 : memref<!tpu.dma_semaphore, #tpu.memory_space<semaphore_mem>>) src(%dma_wait3A_584 : memref<80xf32, #tpu.memory_space<vmem>>) dst(%dma_wait3A_589 : memref<10240xf32, #tpu.memory_space<vmem_shared>>)
      %mul3A_590 = arith.constant 25 : i32
      %mul3A_591 = arith.muli %scan3A_33, %mul3A_590 : i32
      %add3A_592 = arith.constant 6 : i32
      %add3A_593 = arith.addi %mul3A_591, %add3A_592 : i32
      %mul3A_594 = arith.constant 80 : i32
      %mul3A_595 = arith.muli %add3A_593, %mul3A_594 : i32
      %dma_wait3A_596 = tpu.memref_slice %arg9[%mul3A_595] : memref<10000xf32, #tpu.memory_space<vmem>> -> memref<80xf32, #tpu.memory_space<vmem>>
      %dma_wait3A_597 = arith.constant 0 : i32
      %dma_wait3A_598 = tpu.memref_slice %arg7[%add3A_593, %dma_wait3A_597] : memref<125x80xi32, #tpu.memory_space<vmem>> -> memref<1x80xi32, #tpu.memory_space<vmem>>
      %dma_wait3A_599 = tpu.memref_squeeze %dma_wait3A_598 : memref<1x80xi32, #tpu.memory_space<vmem>> -> memref<80xi32, #tpu.memory_space<vmem>>
      %dma_wait3A_600 = arith.constant 0 : i32
      %dma_wait3A_601 = tpu.memref_slice %arg13[%dma_wait3A_600] : memref<10240xf32, #tpu.memory_space<vmem_shared>> -> memref<10240xf32, #tpu.memory_space<vmem_shared>>
      tpu.wait_indirect_dma semaphore(%arg11 : memref<!tpu.dma_semaphore, #tpu.memory_space<semaphore_mem>>) src(%dma_wait3A_596 : memref<80xf32, #tpu.memory_space<vmem>>) dst(%dma_wait3A_601 : memref<10240xf32, #tpu.memory_space<vmem_shared>>)
      %dma_wait3A_602 = tpu.memref_slice %arg9[%mul3A_595] : memref<10000xf32, #tpu.memory_space<vmem>> -> memref<80xf32, #tpu.memory_space<vmem>>
      %dma_wait3A_603 = arith.constant 0 : i32
      %dma_wait3A_604 = tpu.memref_slice %arg8[%add3A_593, %dma_wait3A_603] : memref<125x80xi32, #tpu.memory_space<vmem>> -> memref<1x80xi32, #tpu.memory_space<vmem>>
      %dma_wait3A_605 = tpu.memref_squeeze %dma_wait3A_604 : memref<1x80xi32, #tpu.memory_space<vmem>> -> memref<80xi32, #tpu.memory_space<vmem>>
      %dma_wait3A_606 = arith.constant 0 : i32
      %dma_wait3A_607 = tpu.memref_slice %arg14[%dma_wait3A_606] : memref<10240xf32, #tpu.memory_space<vmem_shared>> -> memref<10240xf32, #tpu.memory_space<vmem_shared>>
      tpu.wait_indirect_dma semaphore(%arg12 : memref<!tpu.dma_semaphore, #tpu.memory_space<semaphore_mem>>) src(%dma_wait3A_602 : memref<80xf32, #tpu.memory_space<vmem>>) dst(%dma_wait3A_607 : memref<10240xf32, #tpu.memory_space<vmem_shared>>)
      %mul3A_608 = arith.constant 25 : i32
      %mul3A_609 = arith.muli %scan3A_33, %mul3A_608 : i32
      %add3A_610 = arith.constant 7 : i32
      %add3A_611 = arith.addi %mul3A_609, %add3A_610 : i32
      %mul3A_612 = arith.constant 80 : i32
      %mul3A_613 = arith.muli %add3A_611, %mul3A_612 : i32
      %dma_wait3A_614 = tpu.memref_slice %arg9[%mul3A_613] : memref<10000xf32, #tpu.memory_space<vmem>> -> memref<80xf32, #tpu.memory_space<vmem>>
      %dma_wait3A_615 = arith.constant 0 : i32
      %dma_wait3A_616 = tpu.memref_slice %arg7[%add3A_611, %dma_wait3A_615] : memref<125x80xi32, #tpu.memory_space<vmem>> -> memref<1x80xi32, #tpu.memory_space<vmem>>
      %dma_wait3A_617 = tpu.memref_squeeze %dma_wait3A_616 : memref<1x80xi32, #tpu.memory_space<vmem>> -> memref<80xi32, #tpu.memory_space<vmem>>
      %dma_wait3A_618 = arith.constant 0 : i32
      %dma_wait3A_619 = tpu.memref_slice %arg13[%dma_wait3A_618] : memref<10240xf32, #tpu.memory_space<vmem_shared>> -> memref<10240xf32, #tpu.memory_space<vmem_shared>>
      tpu.wait_indirect_dma semaphore(%arg11 : memref<!tpu.dma_semaphore, #tpu.memory_space<semaphore_mem>>) src(%dma_wait3A_614 : memref<80xf32, #tpu.memory_space<vmem>>) dst(%dma_wait3A_619 : memref<10240xf32, #tpu.memory_space<vmem_shared>>)
      %dma_wait3A_620 = tpu.memref_slice %arg9[%mul3A_613] : memref<10000xf32, #tpu.memory_space<vmem>> -> memref<80xf32, #tpu.memory_space<vmem>>
      %dma_wait3A_621 = arith.constant 0 : i32
      %dma_wait3A_622 = tpu.memref_slice %arg8[%add3A_611, %dma_wait3A_621] : memref<125x80xi32, #tpu.memory_space<vmem>> -> memref<1x80xi32, #tpu.memory_space<vmem>>
      %dma_wait3A_623 = tpu.memref_squeeze %dma_wait3A_622 : memref<1x80xi32, #tpu.memory_space<vmem>> -> memref<80xi32, #tpu.memory_space<vmem>>
      %dma_wait3A_624 = arith.constant 0 : i32
      %dma_wait3A_625 = tpu.memref_slice %arg14[%dma_wait3A_624] : memref<10240xf32, #tpu.memory_space<vmem_shared>> -> memref<10240xf32, #tpu.memory_space<vmem_shared>>
      tpu.wait_indirect_dma semaphore(%arg12 : memref<!tpu.dma_semaphore, #tpu.memory_space<semaphore_mem>>) src(%dma_wait3A_620 : memref<80xf32, #tpu.memory_space<vmem>>) dst(%dma_wait3A_625 : memref<10240xf32, #tpu.memory_space<vmem_shared>>)
      %mul3A_626 = arith.constant 25 : i32
      %mul3A_627 = arith.muli %scan3A_33, %mul3A_626 : i32
      %add3A_628 = arith.constant 8 : i32
      %add3A_629 = arith.addi %mul3A_627, %add3A_628 : i32
      %mul3A_630 = arith.constant 80 : i32
      %mul3A_631 = arith.muli %add3A_629, %mul3A_630 : i32
      %dma_wait3A_632 = tpu.memref_slice %arg9[%mul3A_631] : memref<10000xf32, #tpu.memory_space<vmem>> -> memref<80xf32, #tpu.memory_space<vmem>>
      %dma_wait3A_633 = arith.constant 0 : i32
      %dma_wait3A_634 = tpu.memref_slice %arg7[%add3A_629, %dma_wait3A_633] : memref<125x80xi32, #tpu.memory_space<vmem>> -> memref<1x80xi32, #tpu.memory_space<vmem>>
      %dma_wait3A_635 = tpu.memref_squeeze %dma_wait3A_634 : memref<1x80xi32, #tpu.memory_space<vmem>> -> memref<80xi32, #tpu.memory_space<vmem>>
      %dma_wait3A_636 = arith.constant 0 : i32
      %dma_wait3A_637 = tpu.memref_slice %arg13[%dma_wait3A_636] : memref<10240xf32, #tpu.memory_space<vmem_shared>> -> memref<10240xf32, #tpu.memory_space<vmem_shared>>
      tpu.wait_indirect_dma semaphore(%arg11 : memref<!tpu.dma_semaphore, #tpu.memory_space<semaphore_mem>>) src(%dma_wait3A_632 : memref<80xf32, #tpu.memory_space<vmem>>) dst(%dma_wait3A_637 : memref<10240xf32, #tpu.memory_space<vmem_shared>>)
      %dma_wait3A_638 = tpu.memref_slice %arg9[%mul3A_631] : memref<10000xf32, #tpu.memory_space<vmem>> -> memref<80xf32, #tpu.memory_space<vmem>>
      %dma_wait3A_639 = arith.constant 0 : i32
      %dma_wait3A_640 = tpu.memref_slice %arg8[%add3A_629, %dma_wait3A_639] : memref<125x80xi32, #tpu.memory_space<vmem>> -> memref<1x80xi32, #tpu.memory_space<vmem>>
      %dma_wait3A_641 = tpu.memref_squeeze %dma_wait3A_640 : memref<1x80xi32, #tpu.memory_space<vmem>> -> memref<80xi32, #tpu.memory_space<vmem>>
      %dma_wait3A_642 = arith.constant 0 : i32
      %dma_wait3A_643 = tpu.memref_slice %arg14[%dma_wait3A_642] : memref<10240xf32, #tpu.memory_space<vmem_shared>> -> memref<10240xf32, #tpu.memory_space<vmem_shared>>
      tpu.wait_indirect_dma semaphore(%arg12 : memref<!tpu.dma_semaphore, #tpu.memory_space<semaphore_mem>>) src(%dma_wait3A_638 : memref<80xf32, #tpu.memory_space<vmem>>) dst(%dma_wait3A_643 : memref<10240xf32, #tpu.memory_space<vmem_shared>>)
      %mul3A_644 = arith.constant 25 : i32
      %mul3A_645 = arith.muli %scan3A_33, %mul3A_644 : i32
      %add3A_646 = arith.constant 9 : i32
      %add3A_647 = arith.addi %mul3A_645, %add3A_646 : i32
      %mul3A_648 = arith.constant 80 : i32
      %mul3A_649 = arith.muli %add3A_647, %mul3A_648 : i32
      %dma_wait3A_650 = tpu.memref_slice %arg9[%mul3A_649] : memref<10000xf32, #tpu.memory_space<vmem>> -> memref<80xf32, #tpu.memory_space<vmem>>
      %dma_wait3A_651 = arith.constant 0 : i32
      %dma_wait3A_652 = tpu.memref_slice %arg7[%add3A_647, %dma_wait3A_651] : memref<125x80xi32, #tpu.memory_space<vmem>> -> memref<1x80xi32, #tpu.memory_space<vmem>>
      %dma_wait3A_653 = tpu.memref_squeeze %dma_wait3A_652 : memref<1x80xi32, #tpu.memory_space<vmem>> -> memref<80xi32, #tpu.memory_space<vmem>>
      %dma_wait3A_654 = arith.constant 0 : i32
      %dma_wait3A_655 = tpu.memref_slice %arg13[%dma_wait3A_654] : memref<10240xf32, #tpu.memory_space<vmem_shared>> -> memref<10240xf32, #tpu.memory_space<vmem_shared>>
      tpu.wait_indirect_dma semaphore(%arg11 : memref<!tpu.dma_semaphore, #tpu.memory_space<semaphore_mem>>) src(%dma_wait3A_650 : memref<80xf32, #tpu.memory_space<vmem>>) dst(%dma_wait3A_655 : memref<10240xf32, #tpu.memory_space<vmem_shared>>)
      %dma_wait3A_656 = tpu.memref_slice %arg9[%mul3A_649] : memref<10000xf32, #tpu.memory_space<vmem>> -> memref<80xf32, #tpu.memory_space<vmem>>
      %dma_wait3A_657 = arith.constant 0 : i32
      %dma_wait3A_658 = tpu.memref_slice %arg8[%add3A_647, %dma_wait3A_657] : memref<125x80xi32, #tpu.memory_space<vmem>> -> memref<1x80xi32, #tpu.memory_space<vmem>>
      %dma_wait3A_659 = tpu.memref_squeeze %dma_wait3A_658 : memref<1x80xi32, #tpu.memory_space<vmem>> -> memref<80xi32, #tpu.memory_space<vmem>>
      %dma_wait3A_660 = arith.constant 0 : i32
      %dma_wait3A_661 = tpu.memref_slice %arg14[%dma_wait3A_660] : memref<10240xf32, #tpu.memory_space<vmem_shared>> -> memref<10240xf32, #tpu.memory_space<vmem_shared>>
      tpu.wait_indirect_dma semaphore(%arg12 : memref<!tpu.dma_semaphore, #tpu.memory_space<semaphore_mem>>) src(%dma_wait3A_656 : memref<80xf32, #tpu.memory_space<vmem>>) dst(%dma_wait3A_661 : memref<10240xf32, #tpu.memory_space<vmem_shared>>)
      %mul3A_662 = arith.constant 25 : i32
      %mul3A_663 = arith.muli %scan3A_33, %mul3A_662 : i32
      %add3A_664 = arith.constant 10 : i32
      %add3A_665 = arith.addi %mul3A_663, %add3A_664 : i32
      %mul3A_666 = arith.constant 80 : i32
      %mul3A_667 = arith.muli %add3A_665, %mul3A_666 : i32
      %dma_wait3A_668 = tpu.memref_slice %arg9[%mul3A_667] : memref<10000xf32, #tpu.memory_space<vmem>> -> memref<80xf32, #tpu.memory_space<vmem>>
      %dma_wait3A_669 = arith.constant 0 : i32
      %dma_wait3A_670 = tpu.memref_slice %arg7[%add3A_665, %dma_wait3A_669] : memref<125x80xi32, #tpu.memory_space<vmem>> -> memref<1x80xi32, #tpu.memory_space<vmem>>
      %dma_wait3A_671 = tpu.memref_squeeze %dma_wait3A_670 : memref<1x80xi32, #tpu.memory_space<vmem>> -> memref<80xi32, #tpu.memory_space<vmem>>
      %dma_wait3A_672 = arith.constant 0 : i32
      %dma_wait3A_673 = tpu.memref_slice %arg13[%dma_wait3A_672] : memref<10240xf32, #tpu.memory_space<vmem_shared>> -> memref<10240xf32, #tpu.memory_space<vmem_shared>>
      tpu.wait_indirect_dma semaphore(%arg11 : memref<!tpu.dma_semaphore, #tpu.memory_space<semaphore_mem>>) src(%dma_wait3A_668 : memref<80xf32, #tpu.memory_space<vmem>>) dst(%dma_wait3A_673 : memref<10240xf32, #tpu.memory_space<vmem_shared>>)
      %dma_wait3A_674 = tpu.memref_slice %arg9[%mul3A_667] : memref<10000xf32, #tpu.memory_space<vmem>> -> memref<80xf32, #tpu.memory_space<vmem>>
      %dma_wait3A_675 = arith.constant 0 : i32
      %dma_wait3A_676 = tpu.memref_slice %arg8[%add3A_665, %dma_wait3A_675] : memref<125x80xi32, #tpu.memory_space<vmem>> -> memref<1x80xi32, #tpu.memory_space<vmem>>
      %dma_wait3A_677 = tpu.memref_squeeze %dma_wait3A_676 : memref<1x80xi32, #tpu.memory_space<vmem>> -> memref<80xi32, #tpu.memory_space<vmem>>
      %dma_wait3A_678 = arith.constant 0 : i32
      %dma_wait3A_679 = tpu.memref_slice %arg14[%dma_wait3A_678] : memref<10240xf32, #tpu.memory_space<vmem_shared>> -> memref<10240xf32, #tpu.memory_space<vmem_shared>>
      tpu.wait_indirect_dma semaphore(%arg12 : memref<!tpu.dma_semaphore, #tpu.memory_space<semaphore_mem>>) src(%dma_wait3A_674 : memref<80xf32, #tpu.memory_space<vmem>>) dst(%dma_wait3A_679 : memref<10240xf32, #tpu.memory_space<vmem_shared>>)
      %mul3A_680 = arith.constant 25 : i32
      %mul3A_681 = arith.muli %scan3A_33, %mul3A_680 : i32
      %add3A_682 = arith.constant 11 : i32
      %add3A_683 = arith.addi %mul3A_681, %add3A_682 : i32
      %mul3A_684 = arith.constant 80 : i32
      %mul3A_685 = arith.muli %add3A_683, %mul3A_684 : i32
      %dma_wait3A_686 = tpu.memref_slice %arg9[%mul3A_685] : memref<10000xf32, #tpu.memory_space<vmem>> -> memref<80xf32, #tpu.memory_space<vmem>>
      %dma_wait3A_687 = arith.constant 0 : i32
      %dma_wait3A_688 = tpu.memref_slice %arg7[%add3A_683, %dma_wait3A_687] : memref<125x80xi32, #tpu.memory_space<vmem>> -> memref<1x80xi32, #tpu.memory_space<vmem>>
      %dma_wait3A_689 = tpu.memref_squeeze %dma_wait3A_688 : memref<1x80xi32, #tpu.memory_space<vmem>> -> memref<80xi32, #tpu.memory_space<vmem>>
      %dma_wait3A_690 = arith.constant 0 : i32
      %dma_wait3A_691 = tpu.memref_slice %arg13[%dma_wait3A_690] : memref<10240xf32, #tpu.memory_space<vmem_shared>> -> memref<10240xf32, #tpu.memory_space<vmem_shared>>
      tpu.wait_indirect_dma semaphore(%arg11 : memref<!tpu.dma_semaphore, #tpu.memory_space<semaphore_mem>>) src(%dma_wait3A_686 : memref<80xf32, #tpu.memory_space<vmem>>) dst(%dma_wait3A_691 : memref<10240xf32, #tpu.memory_space<vmem_shared>>)
      %dma_wait3A_692 = tpu.memref_slice %arg9[%mul3A_685] : memref<10000xf32, #tpu.memory_space<vmem>> -> memref<80xf32, #tpu.memory_space<vmem>>
      %dma_wait3A_693 = arith.constant 0 : i32
      %dma_wait3A_694 = tpu.memref_slice %arg8[%add3A_683, %dma_wait3A_693] : memref<125x80xi32, #tpu.memory_space<vmem>> -> memref<1x80xi32, #tpu.memory_space<vmem>>
      %dma_wait3A_695 = tpu.memref_squeeze %dma_wait3A_694 : memref<1x80xi32, #tpu.memory_space<vmem>> -> memref<80xi32, #tpu.memory_space<vmem>>
      %dma_wait3A_696 = arith.constant 0 : i32
      %dma_wait3A_697 = tpu.memref_slice %arg14[%dma_wait3A_696] : memref<10240xf32, #tpu.memory_space<vmem_shared>> -> memref<10240xf32, #tpu.memory_space<vmem_shared>>
      tpu.wait_indirect_dma semaphore(%arg12 : memref<!tpu.dma_semaphore, #tpu.memory_space<semaphore_mem>>) src(%dma_wait3A_692 : memref<80xf32, #tpu.memory_space<vmem>>) dst(%dma_wait3A_697 : memref<10240xf32, #tpu.memory_space<vmem_shared>>)
      %mul3A_698 = arith.constant 25 : i32
      %mul3A_699 = arith.muli %scan3A_33, %mul3A_698 : i32
      %add3A_700 = arith.constant 12 : i32
      %add3A_701 = arith.addi %mul3A_699, %add3A_700 : i32
      %mul3A_702 = arith.constant 80 : i32
      %mul3A_703 = arith.muli %add3A_701, %mul3A_702 : i32
      %dma_wait3A_704 = tpu.memref_slice %arg9[%mul3A_703] : memref<10000xf32, #tpu.memory_space<vmem>> -> memref<80xf32, #tpu.memory_space<vmem>>
      %dma_wait3A_705 = arith.constant 0 : i32
      %dma_wait3A_706 = tpu.memref_slice %arg7[%add3A_701, %dma_wait3A_705] : memref<125x80xi32, #tpu.memory_space<vmem>> -> memref<1x80xi32, #tpu.memory_space<vmem>>
      %dma_wait3A_707 = tpu.memref_squeeze %dma_wait3A_706 : memref<1x80xi32, #tpu.memory_space<vmem>> -> memref<80xi32, #tpu.memory_space<vmem>>
      %dma_wait3A_708 = arith.constant 0 : i32
      %dma_wait3A_709 = tpu.memref_slice %arg13[%dma_wait3A_708] : memref<10240xf32, #tpu.memory_space<vmem_shared>> -> memref<10240xf32, #tpu.memory_space<vmem_shared>>
      tpu.wait_indirect_dma semaphore(%arg11 : memref<!tpu.dma_semaphore, #tpu.memory_space<semaphore_mem>>) src(%dma_wait3A_704 : memref<80xf32, #tpu.memory_space<vmem>>) dst(%dma_wait3A_709 : memref<10240xf32, #tpu.memory_space<vmem_shared>>)
      %dma_wait3A_710 = tpu.memref_slice %arg9[%mul3A_703] : memref<10000xf32, #tpu.memory_space<vmem>> -> memref<80xf32, #tpu.memory_space<vmem>>
      %dma_wait3A_711 = arith.constant 0 : i32
      %dma_wait3A_712 = tpu.memref_slice %arg8[%add3A_701, %dma_wait3A_711] : memref<125x80xi32, #tpu.memory_space<vmem>> -> memref<1x80xi32, #tpu.memory_space<vmem>>
      %dma_wait3A_713 = tpu.memref_squeeze %dma_wait3A_712 : memref<1x80xi32, #tpu.memory_space<vmem>> -> memref<80xi32, #tpu.memory_space<vmem>>
      %dma_wait3A_714 = arith.constant 0 : i32
      %dma_wait3A_715 = tpu.memref_slice %arg14[%dma_wait3A_714] : memref<10240xf32, #tpu.memory_space<vmem_shared>> -> memref<10240xf32, #tpu.memory_space<vmem_shared>>
      tpu.wait_indirect_dma semaphore(%arg12 : memref<!tpu.dma_semaphore, #tpu.memory_space<semaphore_mem>>) src(%dma_wait3A_710 : memref<80xf32, #tpu.memory_space<vmem>>) dst(%dma_wait3A_715 : memref<10240xf32, #tpu.memory_space<vmem_shared>>)
      %mul3A_716 = arith.constant 25 : i32
      %mul3A_717 = arith.muli %scan3A_33, %mul3A_716 : i32
      %add3A_718 = arith.constant 13 : i32
      %add3A_719 = arith.addi %mul3A_717, %add3A_718 : i32
      %mul3A_720 = arith.constant 80 : i32
      %mul3A_721 = arith.muli %add3A_719, %mul3A_720 : i32
      %dma_wait3A_722 = tpu.memref_slice %arg9[%mul3A_721] : memref<10000xf32, #tpu.memory_space<vmem>> -> memref<80xf32, #tpu.memory_space<vmem>>
      %dma_wait3A_723 = arith.constant 0 : i32
      %dma_wait3A_724 = tpu.memref_slice %arg7[%add3A_719, %dma_wait3A_723] : memref<125x80xi32, #tpu.memory_space<vmem>> -> memref<1x80xi32, #tpu.memory_space<vmem>>
      %dma_wait3A_725 = tpu.memref_squeeze %dma_wait3A_724 : memref<1x80xi32, #tpu.memory_space<vmem>> -> memref<80xi32, #tpu.memory_space<vmem>>
      %dma_wait3A_726 = arith.constant 0 : i32
      %dma_wait3A_727 = tpu.memref_slice %arg13[%dma_wait3A_726] : memref<10240xf32, #tpu.memory_space<vmem_shared>> -> memref<10240xf32, #tpu.memory_space<vmem_shared>>
      tpu.wait_indirect_dma semaphore(%arg11 : memref<!tpu.dma_semaphore, #tpu.memory_space<semaphore_mem>>) src(%dma_wait3A_722 : memref<80xf32, #tpu.memory_space<vmem>>) dst(%dma_wait3A_727 : memref<10240xf32, #tpu.memory_space<vmem_shared>>)
      %dma_wait3A_728 = tpu.memref_slice %arg9[%mul3A_721] : memref<10000xf32, #tpu.memory_space<vmem>> -> memref<80xf32, #tpu.memory_space<vmem>>
      %dma_wait3A_729 = arith.constant 0 : i32
      %dma_wait3A_730 = tpu.memref_slice %arg8[%add3A_719, %dma_wait3A_729] : memref<125x80xi32, #tpu.memory_space<vmem>> -> memref<1x80xi32, #tpu.memory_space<vmem>>
      %dma_wait3A_731 = tpu.memref_squeeze %dma_wait3A_730 : memref<1x80xi32, #tpu.memory_space<vmem>> -> memref<80xi32, #tpu.memory_space<vmem>>
      %dma_wait3A_732 = arith.constant 0 : i32
      %dma_wait3A_733 = tpu.memref_slice %arg14[%dma_wait3A_732] : memref<10240xf32, #tpu.memory_space<vmem_shared>> -> memref<10240xf32, #tpu.memory_space<vmem_shared>>
      tpu.wait_indirect_dma semaphore(%arg12 : memref<!tpu.dma_semaphore, #tpu.memory_space<semaphore_mem>>) src(%dma_wait3A_728 : memref<80xf32, #tpu.memory_space<vmem>>) dst(%dma_wait3A_733 : memref<10240xf32, #tpu.memory_space<vmem_shared>>)
      %mul3A_734 = arith.constant 25 : i32
      %mul3A_735 = arith.muli %scan3A_33, %mul3A_734 : i32
      %add3A_736 = arith.constant 14 : i32
      %add3A_737 = arith.addi %mul3A_735, %add3A_736 : i32
      %mul3A_738 = arith.constant 80 : i32
      %mul3A_739 = arith.muli %add3A_737, %mul3A_738 : i32
      %dma_wait3A_740 = tpu.memref_slice %arg9[%mul3A_739] : memref<10000xf32, #tpu.memory_space<vmem>> -> memref<80xf32, #tpu.memory_space<vmem>>
      %dma_wait3A_741 = arith.constant 0 : i32
      %dma_wait3A_742 = tpu.memref_slice %arg7[%add3A_737, %dma_wait3A_741] : memref<125x80xi32, #tpu.memory_space<vmem>> -> memref<1x80xi32, #tpu.memory_space<vmem>>
      %dma_wait3A_743 = tpu.memref_squeeze %dma_wait3A_742 : memref<1x80xi32, #tpu.memory_space<vmem>> -> memref<80xi32, #tpu.memory_space<vmem>>
      %dma_wait3A_744 = arith.constant 0 : i32
      %dma_wait3A_745 = tpu.memref_slice %arg13[%dma_wait3A_744] : memref<10240xf32, #tpu.memory_space<vmem_shared>> -> memref<10240xf32, #tpu.memory_space<vmem_shared>>
      tpu.wait_indirect_dma semaphore(%arg11 : memref<!tpu.dma_semaphore, #tpu.memory_space<semaphore_mem>>) src(%dma_wait3A_740 : memref<80xf32, #tpu.memory_space<vmem>>) dst(%dma_wait3A_745 : memref<10240xf32, #tpu.memory_space<vmem_shared>>)
      %dma_wait3A_746 = tpu.memref_slice %arg9[%mul3A_739] : memref<10000xf32, #tpu.memory_space<vmem>> -> memref<80xf32, #tpu.memory_space<vmem>>
      %dma_wait3A_747 = arith.constant 0 : i32
      %dma_wait3A_748 = tpu.memref_slice %arg8[%add3A_737, %dma_wait3A_747] : memref<125x80xi32, #tpu.memory_space<vmem>> -> memref<1x80xi32, #tpu.memory_space<vmem>>
      %dma_wait3A_749 = tpu.memref_squeeze %dma_wait3A_748 : memref<1x80xi32, #tpu.memory_space<vmem>> -> memref<80xi32, #tpu.memory_space<vmem>>
      %dma_wait3A_750 = arith.constant 0 : i32
      %dma_wait3A_751 = tpu.memref_slice %arg14[%dma_wait3A_750] : memref<10240xf32, #tpu.memory_space<vmem_shared>> -> memref<10240xf32, #tpu.memory_space<vmem_shared>>
      tpu.wait_indirect_dma semaphore(%arg12 : memref<!tpu.dma_semaphore, #tpu.memory_space<semaphore_mem>>) src(%dma_wait3A_746 : memref<80xf32, #tpu.memory_space<vmem>>) dst(%dma_wait3A_751 : memref<10240xf32, #tpu.memory_space<vmem_shared>>)
      %mul3A_752 = arith.constant 25 : i32
      %mul3A_753 = arith.muli %scan3A_33, %mul3A_752 : i32
      %add3A_754 = arith.constant 15 : i32
      %add3A_755 = arith.addi %mul3A_753, %add3A_754 : i32
      %mul3A_756 = arith.constant 80 : i32
      %mul3A_757 = arith.muli %add3A_755, %mul3A_756 : i32
      %dma_wait3A_758 = tpu.memref_slice %arg9[%mul3A_757] : memref<10000xf32, #tpu.memory_space<vmem>> -> memref<80xf32, #tpu.memory_space<vmem>>
      %dma_wait3A_759 = arith.constant 0 : i32
      %dma_wait3A_760 = tpu.memref_slice %arg7[%add3A_755, %dma_wait3A_759] : memref<125x80xi32, #tpu.memory_space<vmem>> -> memref<1x80xi32, #tpu.memory_space<vmem>>
      %dma_wait3A_761 = tpu.memref_squeeze %dma_wait3A_760 : memref<1x80xi32, #tpu.memory_space<vmem>> -> memref<80xi32, #tpu.memory_space<vmem>>
      %dma_wait3A_762 = arith.constant 0 : i32
      %dma_wait3A_763 = tpu.memref_slice %arg13[%dma_wait3A_762] : memref<10240xf32, #tpu.memory_space<vmem_shared>> -> memref<10240xf32, #tpu.memory_space<vmem_shared>>
      tpu.wait_indirect_dma semaphore(%arg11 : memref<!tpu.dma_semaphore, #tpu.memory_space<semaphore_mem>>) src(%dma_wait3A_758 : memref<80xf32, #tpu.memory_space<vmem>>) dst(%dma_wait3A_763 : memref<10240xf32, #tpu.memory_space<vmem_shared>>)
      %dma_wait3A_764 = tpu.memref_slice %arg9[%mul3A_757] : memref<10000xf32, #tpu.memory_space<vmem>> -> memref<80xf32, #tpu.memory_space<vmem>>
      %dma_wait3A_765 = arith.constant 0 : i32
      %dma_wait3A_766 = tpu.memref_slice %arg8[%add3A_755, %dma_wait3A_765] : memref<125x80xi32, #tpu.memory_space<vmem>> -> memref<1x80xi32, #tpu.memory_space<vmem>>
      %dma_wait3A_767 = tpu.memref_squeeze %dma_wait3A_766 : memref<1x80xi32, #tpu.memory_space<vmem>> -> memref<80xi32, #tpu.memory_space<vmem>>
      %dma_wait3A_768 = arith.constant 0 : i32
      %dma_wait3A_769 = tpu.memref_slice %arg14[%dma_wait3A_768] : memref<10240xf32, #tpu.memory_space<vmem_shared>> -> memref<10240xf32, #tpu.memory_space<vmem_shared>>
      tpu.wait_indirect_dma semaphore(%arg12 : memref<!tpu.dma_semaphore, #tpu.memory_space<semaphore_mem>>) src(%dma_wait3A_764 : memref<80xf32, #tpu.memory_space<vmem>>) dst(%dma_wait3A_769 : memref<10240xf32, #tpu.memory_space<vmem_shared>>)
      %mul3A_770 = arith.constant 25 : i32
      %mul3A_771 = arith.muli %scan3A_33, %mul3A_770 : i32
      %add3A_772 = arith.constant 16 : i32
      %add3A_773 = arith.addi %mul3A_771, %add3A_772 : i32
      %mul3A_774 = arith.constant 80 : i32
      %mul3A_775 = arith.muli %add3A_773, %mul3A_774 : i32
      %dma_wait3A_776 = tpu.memref_slice %arg9[%mul3A_775] : memref<10000xf32, #tpu.memory_space<vmem>> -> memref<80xf32, #tpu.memory_space<vmem>>
      %dma_wait3A_777 = arith.constant 0 : i32
      %dma_wait3A_778 = tpu.memref_slice %arg7[%add3A_773, %dma_wait3A_777] : memref<125x80xi32, #tpu.memory_space<vmem>> -> memref<1x80xi32, #tpu.memory_space<vmem>>
      %dma_wait3A_779 = tpu.memref_squeeze %dma_wait3A_778 : memref<1x80xi32, #tpu.memory_space<vmem>> -> memref<80xi32, #tpu.memory_space<vmem>>
      %dma_wait3A_780 = arith.constant 0 : i32
      %dma_wait3A_781 = tpu.memref_slice %arg13[%dma_wait3A_780] : memref<10240xf32, #tpu.memory_space<vmem_shared>> -> memref<10240xf32, #tpu.memory_space<vmem_shared>>
      tpu.wait_indirect_dma semaphore(%arg11 : memref<!tpu.dma_semaphore, #tpu.memory_space<semaphore_mem>>) src(%dma_wait3A_776 : memref<80xf32, #tpu.memory_space<vmem>>) dst(%dma_wait3A_781 : memref<10240xf32, #tpu.memory_space<vmem_shared>>)
      %dma_wait3A_782 = tpu.memref_slice %arg9[%mul3A_775] : memref<10000xf32, #tpu.memory_space<vmem>> -> memref<80xf32, #tpu.memory_space<vmem>>
      %dma_wait3A_783 = arith.constant 0 : i32
      %dma_wait3A_784 = tpu.memref_slice %arg8[%add3A_773, %dma_wait3A_783] : memref<125x80xi32, #tpu.memory_space<vmem>> -> memref<1x80xi32, #tpu.memory_space<vmem>>
      %dma_wait3A_785 = tpu.memref_squeeze %dma_wait3A_784 : memref<1x80xi32, #tpu.memory_space<vmem>> -> memref<80xi32, #tpu.memory_space<vmem>>
      %dma_wait3A_786 = arith.constant 0 : i32
      %dma_wait3A_787 = tpu.memref_slice %arg14[%dma_wait3A_786] : memref<10240xf32, #tpu.memory_space<vmem_shared>> -> memref<10240xf32, #tpu.memory_space<vmem_shared>>
      tpu.wait_indirect_dma semaphore(%arg12 : memref<!tpu.dma_semaphore, #tpu.memory_space<semaphore_mem>>) src(%dma_wait3A_782 : memref<80xf32, #tpu.memory_space<vmem>>) dst(%dma_wait3A_787 : memref<10240xf32, #tpu.memory_space<vmem_shared>>)
      %mul3A_788 = arith.constant 25 : i32
      %mul3A_789 = arith.muli %scan3A_33, %mul3A_788 : i32
      %add3A_790 = arith.constant 17 : i32
      %add3A_791 = arith.addi %mul3A_789, %add3A_790 : i32
      %mul3A_792 = arith.constant 80 : i32
      %mul3A_793 = arith.muli %add3A_791, %mul3A_792 : i32
      %dma_wait3A_794 = tpu.memref_slice %arg9[%mul3A_793] : memref<10000xf32, #tpu.memory_space<vmem>> -> memref<80xf32, #tpu.memory_space<vmem>>
      %dma_wait3A_795 = arith.constant 0 : i32
      %dma_wait3A_796 = tpu.memref_slice %arg7[%add3A_791, %dma_wait3A_795] : memref<125x80xi32, #tpu.memory_space<vmem>> -> memref<1x80xi32, #tpu.memory_space<vmem>>
      %dma_wait3A_797 = tpu.memref_squeeze %dma_wait3A_796 : memref<1x80xi32, #tpu.memory_space<vmem>> -> memref<80xi32, #tpu.memory_space<vmem>>
      %dma_wait3A_798 = arith.constant 0 : i32
      %dma_wait3A_799 = tpu.memref_slice %arg13[%dma_wait3A_798] : memref<10240xf32, #tpu.memory_space<vmem_shared>> -> memref<10240xf32, #tpu.memory_space<vmem_shared>>
      tpu.wait_indirect_dma semaphore(%arg11 : memref<!tpu.dma_semaphore, #tpu.memory_space<semaphore_mem>>) src(%dma_wait3A_794 : memref<80xf32, #tpu.memory_space<vmem>>) dst(%dma_wait3A_799 : memref<10240xf32, #tpu.memory_space<vmem_shared>>)
      %dma_wait3A_800 = tpu.memref_slice %arg9[%mul3A_793] : memref<10000xf32, #tpu.memory_space<vmem>> -> memref<80xf32, #tpu.memory_space<vmem>>
      %dma_wait3A_801 = arith.constant 0 : i32
      %dma_wait3A_802 = tpu.memref_slice %arg8[%add3A_791, %dma_wait3A_801] : memref<125x80xi32, #tpu.memory_space<vmem>> -> memref<1x80xi32, #tpu.memory_space<vmem>>
      %dma_wait3A_803 = tpu.memref_squeeze %dma_wait3A_802 : memref<1x80xi32, #tpu.memory_space<vmem>> -> memref<80xi32, #tpu.memory_space<vmem>>
      %dma_wait3A_804 = arith.constant 0 : i32
      %dma_wait3A_805 = tpu.memref_slice %arg14[%dma_wait3A_804] : memref<10240xf32, #tpu.memory_space<vmem_shared>> -> memref<10240xf32, #tpu.memory_space<vmem_shared>>
      tpu.wait_indirect_dma semaphore(%arg12 : memref<!tpu.dma_semaphore, #tpu.memory_space<semaphore_mem>>) src(%dma_wait3A_800 : memref<80xf32, #tpu.memory_space<vmem>>) dst(%dma_wait3A_805 : memref<10240xf32, #tpu.memory_space<vmem_shared>>)
      %mul3A_806 = arith.constant 25 : i32
      %mul3A_807 = arith.muli %scan3A_33, %mul3A_806 : i32
      %add3A_808 = arith.constant 18 : i32
      %add3A_809 = arith.addi %mul3A_807, %add3A_808 : i32
      %mul3A_810 = arith.constant 80 : i32
      %mul3A_811 = arith.muli %add3A_809, %mul3A_810 : i32
      %dma_wait3A_812 = tpu.memref_slice %arg9[%mul3A_811] : memref<10000xf32, #tpu.memory_space<vmem>> -> memref<80xf32, #tpu.memory_space<vmem>>
      %dma_wait3A_813 = arith.constant 0 : i32
      %dma_wait3A_814 = tpu.memref_slice %arg7[%add3A_809, %dma_wait3A_813] : memref<125x80xi32, #tpu.memory_space<vmem>> -> memref<1x80xi32, #tpu.memory_space<vmem>>
      %dma_wait3A_815 = tpu.memref_squeeze %dma_wait3A_814 : memref<1x80xi32, #tpu.memory_space<vmem>> -> memref<80xi32, #tpu.memory_space<vmem>>
      %dma_wait3A_816 = arith.constant 0 : i32
      %dma_wait3A_817 = tpu.memref_slice %arg13[%dma_wait3A_816] : memref<10240xf32, #tpu.memory_space<vmem_shared>> -> memref<10240xf32, #tpu.memory_space<vmem_shared>>
      tpu.wait_indirect_dma semaphore(%arg11 : memref<!tpu.dma_semaphore, #tpu.memory_space<semaphore_mem>>) src(%dma_wait3A_812 : memref<80xf32, #tpu.memory_space<vmem>>) dst(%dma_wait3A_817 : memref<10240xf32, #tpu.memory_space<vmem_shared>>)
      %dma_wait3A_818 = tpu.memref_slice %arg9[%mul3A_811] : memref<10000xf32, #tpu.memory_space<vmem>> -> memref<80xf32, #tpu.memory_space<vmem>>
      %dma_wait3A_819 = arith.constant 0 : i32
      %dma_wait3A_820 = tpu.memref_slice %arg8[%add3A_809, %dma_wait3A_819] : memref<125x80xi32, #tpu.memory_space<vmem>> -> memref<1x80xi32, #tpu.memory_space<vmem>>
      %dma_wait3A_821 = tpu.memref_squeeze %dma_wait3A_820 : memref<1x80xi32, #tpu.memory_space<vmem>> -> memref<80xi32, #tpu.memory_space<vmem>>
      %dma_wait3A_822 = arith.constant 0 : i32
      %dma_wait3A_823 = tpu.memref_slice %arg14[%dma_wait3A_822] : memref<10240xf32, #tpu.memory_space<vmem_shared>> -> memref<10240xf32, #tpu.memory_space<vmem_shared>>
      tpu.wait_indirect_dma semaphore(%arg12 : memref<!tpu.dma_semaphore, #tpu.memory_space<semaphore_mem>>) src(%dma_wait3A_818 : memref<80xf32, #tpu.memory_space<vmem>>) dst(%dma_wait3A_823 : memref<10240xf32, #tpu.memory_space<vmem_shared>>)
      %mul3A_824 = arith.constant 25 : i32
      %mul3A_825 = arith.muli %scan3A_33, %mul3A_824 : i32
      %add3A_826 = arith.constant 19 : i32
      %add3A_827 = arith.addi %mul3A_825, %add3A_826 : i32
      %mul3A_828 = arith.constant 80 : i32
      %mul3A_829 = arith.muli %add3A_827, %mul3A_828 : i32
      %dma_wait3A_830 = tpu.memref_slice %arg9[%mul3A_829] : memref<10000xf32, #tpu.memory_space<vmem>> -> memref<80xf32, #tpu.memory_space<vmem>>
      %dma_wait3A_831 = arith.constant 0 : i32
      %dma_wait3A_832 = tpu.memref_slice %arg7[%add3A_827, %dma_wait3A_831] : memref<125x80xi32, #tpu.memory_space<vmem>> -> memref<1x80xi32, #tpu.memory_space<vmem>>
      %dma_wait3A_833 = tpu.memref_squeeze %dma_wait3A_832 : memref<1x80xi32, #tpu.memory_space<vmem>> -> memref<80xi32, #tpu.memory_space<vmem>>
      %dma_wait3A_834 = arith.constant 0 : i32
      %dma_wait3A_835 = tpu.memref_slice %arg13[%dma_wait3A_834] : memref<10240xf32, #tpu.memory_space<vmem_shared>> -> memref<10240xf32, #tpu.memory_space<vmem_shared>>
      tpu.wait_indirect_dma semaphore(%arg11 : memref<!tpu.dma_semaphore, #tpu.memory_space<semaphore_mem>>) src(%dma_wait3A_830 : memref<80xf32, #tpu.memory_space<vmem>>) dst(%dma_wait3A_835 : memref<10240xf32, #tpu.memory_space<vmem_shared>>)
      %dma_wait3A_836 = tpu.memref_slice %arg9[%mul3A_829] : memref<10000xf32, #tpu.memory_space<vmem>> -> memref<80xf32, #tpu.memory_space<vmem>>
      %dma_wait3A_837 = arith.constant 0 : i32
      %dma_wait3A_838 = tpu.memref_slice %arg8[%add3A_827, %dma_wait3A_837] : memref<125x80xi32, #tpu.memory_space<vmem>> -> memref<1x80xi32, #tpu.memory_space<vmem>>
      %dma_wait3A_839 = tpu.memref_squeeze %dma_wait3A_838 : memref<1x80xi32, #tpu.memory_space<vmem>> -> memref<80xi32, #tpu.memory_space<vmem>>
      %dma_wait3A_840 = arith.constant 0 : i32
      %dma_wait3A_841 = tpu.memref_slice %arg14[%dma_wait3A_840] : memref<10240xf32, #tpu.memory_space<vmem_shared>> -> memref<10240xf32, #tpu.memory_space<vmem_shared>>
      tpu.wait_indirect_dma semaphore(%arg12 : memref<!tpu.dma_semaphore, #tpu.memory_space<semaphore_mem>>) src(%dma_wait3A_836 : memref<80xf32, #tpu.memory_space<vmem>>) dst(%dma_wait3A_841 : memref<10240xf32, #tpu.memory_space<vmem_shared>>)
      %mul3A_842 = arith.constant 25 : i32
      %mul3A_843 = arith.muli %scan3A_33, %mul3A_842 : i32
      %add3A_844 = arith.constant 20 : i32
      %add3A_845 = arith.addi %mul3A_843, %add3A_844 : i32
      %mul3A_846 = arith.constant 80 : i32
      %mul3A_847 = arith.muli %add3A_845, %mul3A_846 : i32
      %dma_wait3A_848 = tpu.memref_slice %arg9[%mul3A_847] : memref<10000xf32, #tpu.memory_space<vmem>> -> memref<80xf32, #tpu.memory_space<vmem>>
      %dma_wait3A_849 = arith.constant 0 : i32
      %dma_wait3A_850 = tpu.memref_slice %arg7[%add3A_845, %dma_wait3A_849] : memref<125x80xi32, #tpu.memory_space<vmem>> -> memref<1x80xi32, #tpu.memory_space<vmem>>
      %dma_wait3A_851 = tpu.memref_squeeze %dma_wait3A_850 : memref<1x80xi32, #tpu.memory_space<vmem>> -> memref<80xi32, #tpu.memory_space<vmem>>
      %dma_wait3A_852 = arith.constant 0 : i32
      %dma_wait3A_853 = tpu.memref_slice %arg13[%dma_wait3A_852] : memref<10240xf32, #tpu.memory_space<vmem_shared>> -> memref<10240xf32, #tpu.memory_space<vmem_shared>>
      tpu.wait_indirect_dma semaphore(%arg11 : memref<!tpu.dma_semaphore, #tpu.memory_space<semaphore_mem>>) src(%dma_wait3A_848 : memref<80xf32, #tpu.memory_space<vmem>>) dst(%dma_wait3A_853 : memref<10240xf32, #tpu.memory_space<vmem_shared>>)
      %dma_wait3A_854 = tpu.memref_slice %arg9[%mul3A_847] : memref<10000xf32, #tpu.memory_space<vmem>> -> memref<80xf32, #tpu.memory_space<vmem>>
      %dma_wait3A_855 = arith.constant 0 : i32
      %dma_wait3A_856 = tpu.memref_slice %arg8[%add3A_845, %dma_wait3A_855] : memref<125x80xi32, #tpu.memory_space<vmem>> -> memref<1x80xi32, #tpu.memory_space<vmem>>
      %dma_wait3A_857 = tpu.memref_squeeze %dma_wait3A_856 : memref<1x80xi32, #tpu.memory_space<vmem>> -> memref<80xi32, #tpu.memory_space<vmem>>
      %dma_wait3A_858 = arith.constant 0 : i32
      %dma_wait3A_859 = tpu.memref_slice %arg14[%dma_wait3A_858] : memref<10240xf32, #tpu.memory_space<vmem_shared>> -> memref<10240xf32, #tpu.memory_space<vmem_shared>>
      tpu.wait_indirect_dma semaphore(%arg12 : memref<!tpu.dma_semaphore, #tpu.memory_space<semaphore_mem>>) src(%dma_wait3A_854 : memref<80xf32, #tpu.memory_space<vmem>>) dst(%dma_wait3A_859 : memref<10240xf32, #tpu.memory_space<vmem_shared>>)
      %mul3A_860 = arith.constant 25 : i32
      %mul3A_861 = arith.muli %scan3A_33, %mul3A_860 : i32
      %add3A_862 = arith.constant 21 : i32
      %add3A_863 = arith.addi %mul3A_861, %add3A_862 : i32
      %mul3A_864 = arith.constant 80 : i32
      %mul3A_865 = arith.muli %add3A_863, %mul3A_864 : i32
      %dma_wait3A_866 = tpu.memref_slice %arg9[%mul3A_865] : memref<10000xf32, #tpu.memory_space<vmem>> -> memref<80xf32, #tpu.memory_space<vmem>>
      %dma_wait3A_867 = arith.constant 0 : i32
      %dma_wait3A_868 = tpu.memref_slice %arg7[%add3A_863, %dma_wait3A_867] : memref<125x80xi32, #tpu.memory_space<vmem>> -> memref<1x80xi32, #tpu.memory_space<vmem>>
      %dma_wait3A_869 = tpu.memref_squeeze %dma_wait3A_868 : memref<1x80xi32, #tpu.memory_space<vmem>> -> memref<80xi32, #tpu.memory_space<vmem>>
      %dma_wait3A_870 = arith.constant 0 : i32
      %dma_wait3A_871 = tpu.memref_slice %arg13[%dma_wait3A_870] : memref<10240xf32, #tpu.memory_space<vmem_shared>> -> memref<10240xf32, #tpu.memory_space<vmem_shared>>
      tpu.wait_indirect_dma semaphore(%arg11 : memref<!tpu.dma_semaphore, #tpu.memory_space<semaphore_mem>>) src(%dma_wait3A_866 : memref<80xf32, #tpu.memory_space<vmem>>) dst(%dma_wait3A_871 : memref<10240xf32, #tpu.memory_space<vmem_shared>>)
      %dma_wait3A_872 = tpu.memref_slice %arg9[%mul3A_865] : memref<10000xf32, #tpu.memory_space<vmem>> -> memref<80xf32, #tpu.memory_space<vmem>>
      %dma_wait3A_873 = arith.constant 0 : i32
      %dma_wait3A_874 = tpu.memref_slice %arg8[%add3A_863, %dma_wait3A_873] : memref<125x80xi32, #tpu.memory_space<vmem>> -> memref<1x80xi32, #tpu.memory_space<vmem>>
      %dma_wait3A_875 = tpu.memref_squeeze %dma_wait3A_874 : memref<1x80xi32, #tpu.memory_space<vmem>> -> memref<80xi32, #tpu.memory_space<vmem>>
      %dma_wait3A_876 = arith.constant 0 : i32
      %dma_wait3A_877 = tpu.memref_slice %arg14[%dma_wait3A_876] : memref<10240xf32, #tpu.memory_space<vmem_shared>> -> memref<10240xf32, #tpu.memory_space<vmem_shared>>
      tpu.wait_indirect_dma semaphore(%arg12 : memref<!tpu.dma_semaphore, #tpu.memory_space<semaphore_mem>>) src(%dma_wait3A_872 : memref<80xf32, #tpu.memory_space<vmem>>) dst(%dma_wait3A_877 : memref<10240xf32, #tpu.memory_space<vmem_shared>>)
      %mul3A_878 = arith.constant 25 : i32
      %mul3A_879 = arith.muli %scan3A_33, %mul3A_878 : i32
      %add3A_880 = arith.constant 22 : i32
      %add3A_881 = arith.addi %mul3A_879, %add3A_880 : i32
      %mul3A_882 = arith.constant 80 : i32
      %mul3A_883 = arith.muli %add3A_881, %mul3A_882 : i32
      %dma_wait3A_884 = tpu.memref_slice %arg9[%mul3A_883] : memref<10000xf32, #tpu.memory_space<vmem>> -> memref<80xf32, #tpu.memory_space<vmem>>
      %dma_wait3A_885 = arith.constant 0 : i32
      %dma_wait3A_886 = tpu.memref_slice %arg7[%add3A_881, %dma_wait3A_885] : memref<125x80xi32, #tpu.memory_space<vmem>> -> memref<1x80xi32, #tpu.memory_space<vmem>>
      %dma_wait3A_887 = tpu.memref_squeeze %dma_wait3A_886 : memref<1x80xi32, #tpu.memory_space<vmem>> -> memref<80xi32, #tpu.memory_space<vmem>>
      %dma_wait3A_888 = arith.constant 0 : i32
      %dma_wait3A_889 = tpu.memref_slice %arg13[%dma_wait3A_888] : memref<10240xf32, #tpu.memory_space<vmem_shared>> -> memref<10240xf32, #tpu.memory_space<vmem_shared>>
      tpu.wait_indirect_dma semaphore(%arg11 : memref<!tpu.dma_semaphore, #tpu.memory_space<semaphore_mem>>) src(%dma_wait3A_884 : memref<80xf32, #tpu.memory_space<vmem>>) dst(%dma_wait3A_889 : memref<10240xf32, #tpu.memory_space<vmem_shared>>)
      %dma_wait3A_890 = tpu.memref_slice %arg9[%mul3A_883] : memref<10000xf32, #tpu.memory_space<vmem>> -> memref<80xf32, #tpu.memory_space<vmem>>
      %dma_wait3A_891 = arith.constant 0 : i32
      %dma_wait3A_892 = tpu.memref_slice %arg8[%add3A_881, %dma_wait3A_891] : memref<125x80xi32, #tpu.memory_space<vmem>> -> memref<1x80xi32, #tpu.memory_space<vmem>>
      %dma_wait3A_893 = tpu.memref_squeeze %dma_wait3A_892 : memref<1x80xi32, #tpu.memory_space<vmem>> -> memref<80xi32, #tpu.memory_space<vmem>>
      %dma_wait3A_894 = arith.constant 0 : i32
      %dma_wait3A_895 = tpu.memref_slice %arg14[%dma_wait3A_894] : memref<10240xf32, #tpu.memory_space<vmem_shared>> -> memref<10240xf32, #tpu.memory_space<vmem_shared>>
      tpu.wait_indirect_dma semaphore(%arg12 : memref<!tpu.dma_semaphore, #tpu.memory_space<semaphore_mem>>) src(%dma_wait3A_890 : memref<80xf32, #tpu.memory_space<vmem>>) dst(%dma_wait3A_895 : memref<10240xf32, #tpu.memory_space<vmem_shared>>)
      %mul3A_896 = arith.constant 25 : i32
      %mul3A_897 = arith.muli %scan3A_33, %mul3A_896 : i32
      %add3A_898 = arith.constant 23 : i32
      %add3A_899 = arith.addi %mul3A_897, %add3A_898 : i32
      %mul3A_900 = arith.constant 80 : i32
      %mul3A_901 = arith.muli %add3A_899, %mul3A_900 : i32
      %dma_wait3A_902 = tpu.memref_slice %arg9[%mul3A_901] : memref<10000xf32, #tpu.memory_space<vmem>> -> memref<80xf32, #tpu.memory_space<vmem>>
      %dma_wait3A_903 = arith.constant 0 : i32
      %dma_wait3A_904 = tpu.memref_slice %arg7[%add3A_899, %dma_wait3A_903] : memref<125x80xi32, #tpu.memory_space<vmem>> -> memref<1x80xi32, #tpu.memory_space<vmem>>
      %dma_wait3A_905 = tpu.memref_squeeze %dma_wait3A_904 : memref<1x80xi32, #tpu.memory_space<vmem>> -> memref<80xi32, #tpu.memory_space<vmem>>
      %dma_wait3A_906 = arith.constant 0 : i32
      %dma_wait3A_907 = tpu.memref_slice %arg13[%dma_wait3A_906] : memref<10240xf32, #tpu.memory_space<vmem_shared>> -> memref<10240xf32, #tpu.memory_space<vmem_shared>>
      tpu.wait_indirect_dma semaphore(%arg11 : memref<!tpu.dma_semaphore, #tpu.memory_space<semaphore_mem>>) src(%dma_wait3A_902 : memref<80xf32, #tpu.memory_space<vmem>>) dst(%dma_wait3A_907 : memref<10240xf32, #tpu.memory_space<vmem_shared>>)
      %dma_wait3A_908 = tpu.memref_slice %arg9[%mul3A_901] : memref<10000xf32, #tpu.memory_space<vmem>> -> memref<80xf32, #tpu.memory_space<vmem>>
      %dma_wait3A_909 = arith.constant 0 : i32
      %dma_wait3A_910 = tpu.memref_slice %arg8[%add3A_899, %dma_wait3A_909] : memref<125x80xi32, #tpu.memory_space<vmem>> -> memref<1x80xi32, #tpu.memory_space<vmem>>
      %dma_wait3A_911 = tpu.memref_squeeze %dma_wait3A_910 : memref<1x80xi32, #tpu.memory_space<vmem>> -> memref<80xi32, #tpu.memory_space<vmem>>
      %dma_wait3A_912 = arith.constant 0 : i32
      %dma_wait3A_913 = tpu.memref_slice %arg14[%dma_wait3A_912] : memref<10240xf32, #tpu.memory_space<vmem_shared>> -> memref<10240xf32, #tpu.memory_space<vmem_shared>>
      tpu.wait_indirect_dma semaphore(%arg12 : memref<!tpu.dma_semaphore, #tpu.memory_space<semaphore_mem>>) src(%dma_wait3A_908 : memref<80xf32, #tpu.memory_space<vmem>>) dst(%dma_wait3A_913 : memref<10240xf32, #tpu.memory_space<vmem_shared>>)
      %mul3A_914 = arith.constant 25 : i32
      %mul3A_915 = arith.muli %scan3A_33, %mul3A_914 : i32
      %add3A_916 = arith.constant 24 : i32
      %add3A_917 = arith.addi %mul3A_915, %add3A_916 : i32
      %mul3A_918 = arith.constant 80 : i32
      %mul3A_919 = arith.muli %add3A_917, %mul3A_918 : i32
      %dma_wait3A_920 = tpu.memref_slice %arg9[%mul3A_919] : memref<10000xf32, #tpu.memory_space<vmem>> -> memref<80xf32, #tpu.memory_space<vmem>>
      %dma_wait3A_921 = arith.constant 0 : i32
      %dma_wait3A_922 = tpu.memref_slice %arg7[%add3A_917, %dma_wait3A_921] : memref<125x80xi32, #tpu.memory_space<vmem>> -> memref<1x80xi32, #tpu.memory_space<vmem>>
      %dma_wait3A_923 = tpu.memref_squeeze %dma_wait3A_922 : memref<1x80xi32, #tpu.memory_space<vmem>> -> memref<80xi32, #tpu.memory_space<vmem>>
      %dma_wait3A_924 = arith.constant 0 : i32
      %dma_wait3A_925 = tpu.memref_slice %arg13[%dma_wait3A_924] : memref<10240xf32, #tpu.memory_space<vmem_shared>> -> memref<10240xf32, #tpu.memory_space<vmem_shared>>
      tpu.wait_indirect_dma semaphore(%arg11 : memref<!tpu.dma_semaphore, #tpu.memory_space<semaphore_mem>>) src(%dma_wait3A_920 : memref<80xf32, #tpu.memory_space<vmem>>) dst(%dma_wait3A_925 : memref<10240xf32, #tpu.memory_space<vmem_shared>>)
      %dma_wait3A_926 = tpu.memref_slice %arg9[%mul3A_919] : memref<10000xf32, #tpu.memory_space<vmem>> -> memref<80xf32, #tpu.memory_space<vmem>>
      %dma_wait3A_927 = arith.constant 0 : i32
      %dma_wait3A_928 = tpu.memref_slice %arg8[%add3A_917, %dma_wait3A_927] : memref<125x80xi32, #tpu.memory_space<vmem>> -> memref<1x80xi32, #tpu.memory_space<vmem>>
      %dma_wait3A_929 = tpu.memref_squeeze %dma_wait3A_928 : memref<1x80xi32, #tpu.memory_space<vmem>> -> memref<80xi32, #tpu.memory_space<vmem>>
      %dma_wait3A_930 = arith.constant 0 : i32
      %dma_wait3A_931 = tpu.memref_slice %arg14[%dma_wait3A_930] : memref<10240xf32, #tpu.memory_space<vmem_shared>> -> memref<10240xf32, #tpu.memory_space<vmem_shared>>
      tpu.wait_indirect_dma semaphore(%arg12 : memref<!tpu.dma_semaphore, #tpu.memory_space<semaphore_mem>>) src(%dma_wait3A_926 : memref<80xf32, #tpu.memory_space<vmem>>) dst(%dma_wait3A_931 : memref<10240xf32, #tpu.memory_space<vmem_shared>>)
    }
    %scan3A_17 = arith.constant 5 : i32
    %barrier3A_18 = arith.constant 0 : index
    tpu.barrier barrier_id(%barrier3A_18)
    %mul3A_19 = arith.constant 640 : i32
    %mul3A_20 = arith.muli %arg1, %mul3A_19 : i32
    "tpu.region"() ({
      %run_scoped3A = tpu.sem_alloc : memref<!tpu.dma_semaphore, #tpu.memory_space<semaphore_mem>>
      %dma_start3A = tpu.memref_slice %arg13[%mul3A_20] : memref<10240xf32, #tpu.memory_space<vmem_shared>> -> memref<640xf32, #tpu.memory_space<vmem_shared>>
      %dma_start3A_33 = tpu.memref_slice %arg13[%mul3A_20] : memref<10240xf32, #tpu.memory_space<vmem_shared>> -> memref<640xf32, #tpu.memory_space<vmem_shared>>
      tpu.enqueue_dma source(%dma_start3A_33 : memref<640xf32, #tpu.memory_space<vmem_shared>>) target(%arg10 : memref<640xf32, #tpu.memory_space<vmem>>) target_semaphore(%run_scoped3A : memref<!tpu.dma_semaphore, #tpu.memory_space<semaphore_mem>>)
      %dma_wait3A = tpu.memref_slice %arg13[%mul3A_20] : memref<10240xf32, #tpu.memory_space<vmem_shared>> -> memref<640xf32, #tpu.memory_space<vmem_shared>>
      %dma_wait3A_34 = tpu.memref_slice %arg13[%mul3A_20] : memref<10240xf32, #tpu.memory_space<vmem_shared>> -> memref<640xf32, #tpu.memory_space<vmem_shared>>
      tpu.wait_dma2 semaphore(%run_scoped3A : memref<!tpu.dma_semaphore, #tpu.memory_space<semaphore_mem>>) src(%dma_wait3A_34 : memref<640xf32, #tpu.memory_space<vmem_shared>>) dst(%arg10 : memref<640xf32, #tpu.memory_space<vmem>>)
      tpu.yield
    }) : () -> ()
    %mul3A_21 = arith.constant 10240 : i32
    %mul3A_22 = arith.muli %arg0, %mul3A_21 : i32
    %mul3A_23 = arith.constant 640 : i32
    %mul3A_24 = arith.muli %arg1, %mul3A_23 : i32
    %add3A_25 = arith.addi %mul3A_22, %mul3A_24 : i32
    "tpu.region"() ({
      %run_scoped3A = tpu.sem_alloc : memref<!tpu.dma_semaphore, #tpu.memory_space<semaphore_mem>>
      %dma_start3A = tpu.memref_slice %arg5[%add3A_25] : memref<20480xf32, #tpu.memory_space<hbm>> -> memref<640xf32, #tpu.memory_space<hbm>>
      %dma_start3A_33 = tpu.memref_slice %arg5[%add3A_25] : memref<20480xf32, #tpu.memory_space<hbm>> -> memref<640xf32, #tpu.memory_space<hbm>>
      tpu.enqueue_dma source(%arg10 : memref<640xf32, #tpu.memory_space<vmem>>) target(%dma_start3A_33 : memref<640xf32, #tpu.memory_space<hbm>>) target_semaphore(%run_scoped3A : memref<!tpu.dma_semaphore, #tpu.memory_space<semaphore_mem>>)
      %dma_wait3A = tpu.memref_slice %arg5[%add3A_25] : memref<20480xf32, #tpu.memory_space<hbm>> -> memref<640xf32, #tpu.memory_space<hbm>>
      %dma_wait3A_34 = tpu.memref_slice %arg5[%add3A_25] : memref<20480xf32, #tpu.memory_space<hbm>> -> memref<640xf32, #tpu.memory_space<hbm>>
      tpu.wait_dma2 semaphore(%run_scoped3A : memref<!tpu.dma_semaphore, #tpu.memory_space<semaphore_mem>>) src(%arg10 : memref<640xf32, #tpu.memory_space<vmem>>) dst(%dma_wait3A_34 : memref<640xf32, #tpu.memory_space<hbm>>)
      tpu.yield
    }) : () -> ()
    %mul3A_26 = arith.constant 640 : i32
    %mul3A_27 = arith.muli %arg1, %mul3A_26 : i32
    "tpu.region"() ({
      %run_scoped3A = tpu.sem_alloc : memref<!tpu.dma_semaphore, #tpu.memory_space<semaphore_mem>>
      %dma_start3A = tpu.memref_slice %arg14[%mul3A_27] : memref<10240xf32, #tpu.memory_space<vmem_shared>> -> memref<640xf32, #tpu.memory_space<vmem_shared>>
      %dma_start3A_33 = tpu.memref_slice %arg14[%mul3A_27] : memref<10240xf32, #tpu.memory_space<vmem_shared>> -> memref<640xf32, #tpu.memory_space<vmem_shared>>
      tpu.enqueue_dma source(%dma_start3A_33 : memref<640xf32, #tpu.memory_space<vmem_shared>>) target(%arg10 : memref<640xf32, #tpu.memory_space<vmem>>) target_semaphore(%run_scoped3A : memref<!tpu.dma_semaphore, #tpu.memory_space<semaphore_mem>>)
      %dma_wait3A = tpu.memref_slice %arg14[%mul3A_27] : memref<10240xf32, #tpu.memory_space<vmem_shared>> -> memref<640xf32, #tpu.memory_space<vmem_shared>>
      %dma_wait3A_34 = tpu.memref_slice %arg14[%mul3A_27] : memref<10240xf32, #tpu.memory_space<vmem_shared>> -> memref<640xf32, #tpu.memory_space<vmem_shared>>
      tpu.wait_dma2 semaphore(%run_scoped3A : memref<!tpu.dma_semaphore, #tpu.memory_space<semaphore_mem>>) src(%dma_wait3A_34 : memref<640xf32, #tpu.memory_space<vmem_shared>>) dst(%arg10 : memref<640xf32, #tpu.memory_space<vmem>>)
      tpu.yield
    }) : () -> ()
    %mul3A_28 = arith.constant 10240 : i32
    %mul3A_29 = arith.muli %arg0, %mul3A_28 : i32
    %mul3A_30 = arith.constant 640 : i32
    %mul3A_31 = arith.muli %arg1, %mul3A_30 : i32
    %add3A_32 = arith.addi %mul3A_29, %mul3A_31 : i32
    "tpu.region"() ({
      %run_scoped3A = tpu.sem_alloc : memref<!tpu.dma_semaphore, #tpu.memory_space<semaphore_mem>>
      %dma_start3A = tpu.memref_slice %arg6[%add3A_32] : memref<20480xf32, #tpu.memory_space<hbm>> -> memref<640xf32, #tpu.memory_space<hbm>>
      %dma_start3A_33 = tpu.memref_slice %arg6[%add3A_32] : memref<20480xf32, #tpu.memory_space<hbm>> -> memref<640xf32, #tpu.memory_space<hbm>>
      tpu.enqueue_dma source(%arg10 : memref<640xf32, #tpu.memory_space<vmem>>) target(%dma_start3A_33 : memref<640xf32, #tpu.memory_space<hbm>>) target_semaphore(%run_scoped3A : memref<!tpu.dma_semaphore, #tpu.memory_space<semaphore_mem>>)
      %dma_wait3A = tpu.memref_slice %arg6[%add3A_32] : memref<20480xf32, #tpu.memory_space<hbm>> -> memref<640xf32, #tpu.memory_space<hbm>>
      %dma_wait3A_34 = tpu.memref_slice %arg6[%add3A_32] : memref<20480xf32, #tpu.memory_space<hbm>> -> memref<640xf32, #tpu.memory_space<hbm>>
      tpu.wait_dma2 semaphore(%run_scoped3A : memref<!tpu.dma_semaphore, #tpu.memory_space<semaphore_mem>>) src(%arg10 : memref<640xf32, #tpu.memory_space<vmem>>) dst(%dma_wait3A_34 : memref<640xf32, #tpu.memory_space<hbm>>)
      tpu.yield
    }) : () -> ()
    return
  }
}

</mosaic_0001>

<sc_bundles>
// kernel: _sc_degrees.3.cloned.1.call-start
scs
__scs_entry_jumppad:
0x0: {  	(pc) =	sbr.rel $0x88, $3  }
0x1: {  	(tag) =	ssettag $0x0;
	lr =	simm.s32 $0x1  }
0x2: {  	[smem:$0x3F9E] =	sst lr;
	_ =	strace $0xD0000000  }
0x3: {  	_ = 	snop  }
0x4: {  	_ = 	snop  }
0x5: {  	_ = 	snop  }
0x6: {  	_ = 	snop  }
0x7: {  	_ = 	snop  }
__scs_overlays_trampoline_lowered:
0x8: {  	[smem:$0x3FAD] =	sst s0  }
0x9: {  	[smem:$0x3FAE] =	sst s1  }
0xa: {  	[smem:$0x3FAF] =	sst s2  }
0xb: {  	[smem:$0x3FB0] =	sst s3  }
0xc: {  	[smem:$0x3FB1] =	sst s4  }
0xd: {  	[smem:$0x3FB2] =	sst s5  }
0xe: {  	[smem:$0x3FB3] =	sst s6  }
0xf: {  	[smem:$0x3FB4] =	sst s7  }
0x10: {  	[smem:$0x3FB5] =	sst s8  }
0x11: {  	[smem:$0x3FB6] =	sst s9;
	s0 =	simm.s32 @!p0 $0x0  }
0x12: {  	s1 =	sld [smem:$0x3F9C];
	s0 =	simm.s32 @p0 $0x1  }
0x13: {  	[smem:$0x3FB7] =	sst s0;
	s0 =	simm.s32 @!p1 $0x0  }
0x14: {  	s2 =	sld [smem:$0x3F9B];
	s0 =	simm.s32 @p1 $0x1  }
0x15: {  	[smem:$0x3FB8] =	sst s0;
	s0 =	simm.s32 @!p2 $0x0  }
0x16: {  	s3 =	sld [smem:$0x3FDB];
	s0 =	simm.s32 @p2 $0x1  }
0x17: {  	s4 =	simm.s32 $0x1BF5;
	[smem:$0x3FBA] =	sst s0  }
0x18: {  	s0 =	sld [smem:$0x3F9D];
	_ =	swait.ge [sflag:s4], $0x0  }
0x19: {  	s7 =	sld [smem:$0x3F9E]  }
0x1a: {  	s8 =	sadd.s32 $0xFFFFE003, lr  }
0x1b: {  	s9 =	sadd.s32 $0xFFFFFEF7, lr;
	s5 =	simm.s32 $0xFFFFFFFF;
	p2 =	slt.u32 s8, $0xFFFFF086  }
0x1c: {  	p1 =	slt.u32 s9, $0xF7A;
	s5 =	simm.s32 @!p2 $0x0  }
0x1d: {  	s5 =	simm.s32 @p1 $0x1;
	p0 =	seq.s32 s7, s2  }
0x1e: {  	s7 =	smul.u32 @!p0 $0xF7A, s2;
	p2 =	seq.s32 @!p0 s5, $0x0  }
0x1f: {  	s9 =	smul.u32 $0xF7A, s1;
	s8 =	simm.s32 @!p0 $0x1BF5;
	p2 =	por !p2, p0  }
0x20: {  	[sflag:s8] =	ssyncset.s32 @!p0 $0xFFFFF086;
	s6 =	sadd.s32 @!p0 s3, s7;
	s7 =	simm.s32 @!p0 $0x108  }
0x21: {  	s3 =	sadd.s32 s3, s9;
	s6 =	sadd.s32 @!p0 $0x88, s6;
	s7 =	simm.s32 @p2 $0x1082  }
0x22: {  	[simem:s7], [sflag:s8] =	dma.local @!p0 [hbm:s6], $0xF7A  }
0x23: {  	s9 =	sor.u32 $0xD0000000, s2;
	s6 =	simm.s32 $0x108;
	_ =	swait.ge @!p0 [sflag:s8], $0x0  }
0x24: {  	s3 =	sadd.s32 $0x88, s3;
	s6 =	simm.s32 @!p1 $0x1082;
	[sflag:s4] =	ssyncset.s32 $0xFFFFF086  }
0x25: {  	[simem:s6], [sflag:s4] =	dma.local [hbm:s3], $0xF7A  }
0x26: {  	[smem:$0x3F9E] =	sst s1;
	(tag) =	ssettag s2;
	_ =	strace s9  }
0x27: {  	s1 =	sld [smem:$0x3FAE]  }
0x28: {  	s2 =	sld [smem:$0x3FAF]  }
0x29: {  	s4 =	sld [smem:$0x3FB1]  }
0x2a: {  	p0 =	seq.s32 s5, $0x0;
	s5 =	sld [smem:$0x3FB2]  }
0x2b: {  	s6 =	sld [smem:$0x3FB3]  }
0x2c: {  	s7 =	sld [smem:$0x3FB4]  }
0x2d: {  	s3 =	simm.s32 $0x108;
	s8 =	sld [smem:$0x3FB5]  }
0x2e: {  	s3 =	simm.s32 @!p0 $0x1082;
	s9 =	sld [smem:$0x3FB6]  }
0x2f: {  	lr =	sadd.s32 s0, s3;
	s0 =	sld [smem:$0x3FAD]  }
0x30: {  	s3 =	sld [smem:$0x3FB0]  }
0x31: {  	[smem:$0x3FB9] =	sst s10  }
0x32: {  	s10 =	sld [smem:$0x3FB7];
	_ =	sdelay $0x3  }
0x33: {  	p0 =	seq.s32 s10, $0x1;
	s10 =	sld [smem:$0x3FB9];
	_ =	sdelay $0x3  }
0x34: {  	[smem:$0x3FB9] =	sst s10  }
0x35: {  	s10 =	sld [smem:$0x3FB8];
	_ =	sdelay $0x3  }
0x36: {  	p1 =	seq.s32 s10, $0x1;
	s10 =	sld [smem:$0x3FB9];
	_ =	sdelay $0x3  }
0x37: {  	[smem:$0x3FB9] =	sst s10  }
0x38: {  	s10 =	sld [smem:$0x3FBA]  }
0x39: {  	_ = 	snop;
	(pc) =	sbr.ind lr, $3  }
0x3a: {  	_ = 	snop  }
0x3b: {  	_ = 	snop  }
0x3c: {  	p2 =	seq.s32 s10, $0x1;
	s10 =	sld [smem:$0x3FB9]  }
0x3d: {  	_ =	shalt  }
0x3e: {  	_ =	shalt  }
0x3f: {  	_ =	shalt  }
0x40: {  	_ =	shalt  }
0x41: {  	_ =	shalt  }
0x42: {  	_ =	shalt  }
0x43: {  	_ =	shalt  }
0x44: {  	_ =	shalt  }
0x45: {  	_ =	shalt  }
0x46: {  	_ =	shalt  }
0x47: {  	_ =	shalt  }
0x48: {  	_ =	shalt  }
0x49: {  	_ =	shalt  }
0x4a: {  	_ =	shalt  }
0x4b: {  	_ =	shalt  }
0x4c: {  	_ =	shalt  }
0x4d: {  	_ =	shalt  }
0x4e: {  	_ =	shalt  }
0x4f: {  	_ =	shalt  }
0x50: {  	_ =	shalt  }
0x51: {  	_ =	shalt  }
0x52: {  	_ =	shalt  }
0x53: {  	_ =	shalt  }
0x54: {  	_ =	shalt  }
0x55: {  	_ =	shalt  }
0x56: {  	_ =	shalt  }
0x57: {  	_ =	shalt  }
0x58: {  	_ =	shalt  }
0x59: {  	_ =	shalt  }
0x5a: {  	_ =	shalt  }
0x5b: {  	_ =	shalt  }
0x5c: {  	_ =	shalt  }
0x5d: {  	_ =	shalt  }
0x5e: {  	_ =	shalt  }
0x5f: {  	_ =	shalt  }
0x60: {  	_ =	shalt  }
0x61: {  	_ =	shalt  }
0x62: {  	_ =	shalt  }
0x63: {  	_ =	shalt  }
0x64: {  	_ =	shalt  }
0x65: {  	_ =	shalt  }
0x66: {  	_ =	shalt  }
0x67: {  	_ =	shalt  }
0x68: {  	_ =	shalt  }
0x69: {  	_ =	shalt  }
0x6a: {  	_ =	shalt  }
0x6b: {  	_ =	shalt  }
0x6c: {  	_ =	shalt  }
0x6d: {  	_ =	shalt  }
0x6e: {  	_ =	shalt  }
0x6f: {  	_ =	shalt  }
0x70: {  	_ =	shalt  }
0x71: {  	_ =	shalt  }
0x72: {  	_ =	shalt  }
0x73: {  	_ =	shalt  }
0x74: {  	_ =	shalt  }
0x75: {  	_ =	shalt  }
0x76: {  	_ =	shalt  }
0x77: {  	_ =	shalt  }
0x78: {  	_ =	shalt  }
0x79: {  	_ =	shalt  }
0x7a: {  	_ =	shalt  }
0x7b: {  	_ =	shalt  }
0x7c: {  	_ =	shalt  }
0x7d: {  	_ =	shalt  }
0x7e: {  	_ =	shalt  }
0x7f: {  	_ =	shalt  }
0x80: {  	_ =	shalt  }
0x81: {  	_ =	shalt  }
0x82: {  	_ =	shalt  }
0x83: {  	_ =	shalt  }
0x84: {  	_ =	shalt  }
0x85: {  	_ =	shalt  }
0x86: {  	_ =	shalt  }
0x87: {  	_ =	shalt  }
.Lfunc_end0:
.L_simem_size_0:
called_computation_lowered:
.L_overlay_start_0:
0x88: {  	s2 =	sld [smem:$0x3FD9]  }
0x89: {  	s3 =	sld [smem:$0x3FFE];
	_ =	sdelay $0x1  }
0x8a: {  	s1 =	srdreg.scid  }
0x8b: {  	s0 =	sand.u32 $0x1, s1  }
0x8c: {  	s14 =	sshll.u32 s0, $0xA;
	s2 =	sadd.s32 s3, s2  }
0x8d: {  	s2 =	sadd.s32 s2, s14  }
0x8e: {  	[smem:$0x3FC5] =	sst s2  }
0x8f: {  	_ = 	snop  }
0x90: {  	s2 =	sld [smem:$0x3FD0];
	_ =	sdelay $0x2  }
0x91: {  	s4 =	simm.s32 $0xA;
	s5 =	simm.s32 $0x10;
	s15 =	sld [smem:$0x3FC7]  }
0x92: {  	[smem:s5], [sflag:s4] =	dma.local [hbm:s2], $0x1  }
0x93: {  	_ =	swait.eq [sflag:s4], $0x1  }
0x94: {  	[sflag:s4] =	ssyncset.done $0x0  }
0x95: {  	s16 =	sld [smem:$0x10];
	[sflag:s4] =	ssyncadd.s32 $0xFFFFFFFF  }
0x96: {  	s17 =	sld [smem:$0x11];
	(tm) =	ssettm $0x1  }
0x97: {  	s18 =	sld [smem:$0x3FFB];
	_ =	sdelay $0x3  }
0x98: {  	_ =	strace s18  }
0x99: {  	s5 =	sld [smem:$0x3FFC];
	_ =	sdelay $0x3  }
0x9a: {  	_ =	strace s5  }
0x9b: {  	s5 =	sld [smem:$0x3FFD];
	_ =	sdelay $0x3  }
0x9c: {  	_ =	strace s5  }
0x9d: {  	_ =	strace $0x8FFFFFFF  }
0x9e: {  	s19 =	sld [smem:$0x3FDB];
	_ =	sdelay $0x1  }
0x9f: {  	s6 =	simm.s32 $_scs_section_size  }
0xa0: {  	s7 =	simm.s32 $_size__tile_overlayer_lowered;
	s8 =	simm.s32 $_tile_overlayer_lowered  }
0xa1: {  	s22 =	simm.s32 $0x1BFF;
	s21 =	sshll.u32 s8, $0x1;
	s5 =	sadd.s32 s6, s19  }
0xa2: {  	s9 =	simm.s32 $0x0;
	s20 =	sshll.u32 s7, $0x1;
	s7 =	sadd.s32 s21, s5  }
0xa3: {  	[timem:s9], [sflag:s22] =	dma.local [hbm:s7], s20  }
0xa4: {  	_ =	swait.ge [sflag:s22], s20  }
0xa5: {  	s6 =	ssub.s32 $0x0, s20;
	[sflag:s22] =	ssyncset.done $0x0  }
0xa6: {  	[sflag:s22] =	ssyncadd.s32 s6;
	_ =	sdelay $0x1  }
0xa7: {  	s23 =	simm.s32 $0x1B8B  }
0xa8: {  	_ =	swait.ge [sflag:s23], $0x1  }
0xa9: {  	[sflag:s23] =	ssyncset.done $0x0  }
0xaa: {  	s25 =	simm.s32 $0x1B8E;
	s24 =	sld [smem:$0x3FFE];
	[sflag:s23] =	ssyncadd.s32 $0xFFFFFFFF  }
0xab: {  	s26 =	simm.s32 $execute0_lowered;
	[smem:$0x3FD2] =	sst s25  }
0xac: {  	s7 =	sshll.u32 s26, $0x1;
	_ =	strace $0x80000046;
	[dreg:$0x1] =	wrdreg $0xFFFFFFFF  }
0xad: {  	s28 =	simm.s32 $_size_execute0_lowered;
	s5 =	sadd.s32 s5, s7;
	[dreg:$0x0] =	wrdreg $0x0  }
0xae: {  	s7 =	sshll.u32 s28, $0x1;
	[dreg:$0x2] =	wrdreg s5  }
0xaf: {  	[dreg:$0x3] =	wrdreg s7  }
0xb0: {  	[dreg:$0x4] =	wrdreg $0xC0  }
0xb1: {  	_ =	task [dreg:s9], $0x5FFFF  }
0xb2: {  	[dreg:$0x1] =	wrdreg $0xFFFFFFFF  }
0xb3: {  	[dreg:$0x0] =	wrdreg $0x60  }
0xb4: {  	[dreg:$0x2] =	wrdreg s24  }
0xb5: {  	[dreg:$0x3] =	wrdreg s15  }
0xb6: {  	[dreg:$0x4] =	wrdreg s16  }
0xb7: {  	[dreg:$0x5] =	wrdreg s17  }
0xb8: {  	[dreg:$0x6] =	wrdreg $0xAA000  }
0xb9: {  	[dreg:$0x7] =	wrdreg $0xAC800  }
0xba: {  	[dreg:$0x8] =	wrdreg $0x9  }
0xbb: {  	_ =	task.clear_ibuf [dreg:s9], $0x9FFFF;
	_ =	strace $0x90000046  }
0xbc: {  	s29 =	simm.s32 $0x9;
	_ =	strace $0x80000048  }
0xbd: {  	_ =	swait.ge [sflag:s29], $0x1  }
0xbe: {  	[sflag:s29] =	ssyncadd.s32 $0xFFFFFFFF  }
0xbf: {  	_ =	strace $0x90000048  }
0xc0: {  	_ =	sfence  }
0xc1: {  	s30 =	sld [smem:$0x0];
	_ =	sdelay $0x2  }
0xc2: {  	s31 =	sshll.u32 s1, $0xD;
	s1 =	sshrl.u32 s1, $0x2  }
0xc3: {  	s3 =	sand.u32 $0x4000, s31;
	s1 =	sadd.s32 s1, s30  }
0xc4: {  	s0 =	sor.u32 s3, s0;
	s1 =	sshll.u32 s1, $0x11  }
0xc5: {  	s0 =	sor.u32 s1, s0  }
0xc6: {  	s0 =	sadd.s32 $0x8F2B, s0  }
0xc7: {  	[sflag:s0] =	ssyncadd.remote.s32 $0x1  }
0xc8: {  	_ =	sfence.sel $0xFFFF  }
0xc9: {  	[dreg:$0x0] =	wrdreg $0xFFFFFFFF;
	(pc) =	sbr.abs _section_cstart, $3  }
0xca: {  	[dreg:$0x1] =	wrdreg $0xFFFFFFFF  }
0xcb: {  	_ =	task.clear_ibuf [dreg:s9], $0x2FFFF;
	_ =	strace $0x9FFFFFFF  }
0xcc: {  	(tm) =	ssettm $0x7FFFFFFF  }
0xcd: {  	_ =	shalt  }
tec
execute0_lowered:
.L_overlay_start_1:
0x0: {  	(tag) =	ssettag $0x1  }
0x1: {  	s5 =	rddreg [dreg:$0x0]  }
0x2: {  	s7 =	rddreg [dreg:$0x1]  }
0x3: {  	s10 =	rddreg [dreg:$0x2]  }
0x4: {  	s11 =	rddreg [dreg:$0x3]  }
0x5: {  	s1 =	rddreg [dreg:$0x4]  }
0x6: {  	s2 =	rddreg [dreg:$0x5];
	s3 =	srdreg.scid  }
0x7: {  	s0 =	rddreg [dreg:$0x6];
	s4 =	simm.s32 $0x0;
	s15 =	simm.s32 $0xA780  }
0x8: {  	s16 =	simm.s32 $0x50;
	s17 =	simm.s32 $0x1;
	s18 =	simm.s32 $0x2  }
0x9: {  	s19 =	simm.s32 $0x0;
	s6 =	sand.u32 $0x1, s3;
	s3 =	stileid.u32  }
0xa: {  	[smem:$0x7FF] =	sst s4;
	s8 =	sshll.u32 s6, $0x4;
	s9 =	smul.u32 $0x280, s3  }
0xb: {  	s13 =	ssub.s32 $0x2, s6;
	s6 =	smul.u32 $0x2800, s6;
	s8 =	sor.u32 s3, s8  }
0xc: {  	_ =	strace $0x80000047;
	s30 =	sshrl.u32 s13, $0x1;
	s12 =	sshll.u32 s8, $0xB  }
0xd: {  	s8 =	smul.u32 $0x4E2, s8;
	s13 =	ssub.s32 s13, s30;
	s14 =	sadd.s32 s9, s6  }
0xe: {  	s12 =	sadd.s32 s12, s5;
	s31 =	sshrl.u32 s14, $0x3;
	s14 =	simm.s32 $0x4000  }
0xf: {  	s5 =	sadd.s32 $0x800, s12;
	s6 =	sadd.s32 $0x10800, s12;
	s7 =	sadd.s32 s7, s8  }
0x10: {  	s8 =	sadd.s32 s9, s1;
	s9 =	sadd.s32 s9, s2;
	s10 =	sadd.s32 s10, s31  }
0x11: {  	v0 =	vimm.f32 $0.0e+00;
	s11 =	sadd.s32 s11, s31;
	s12 =	smax.u32 s13, $0x1;
	s13 =	simm.s32 $0x3  }
.LBB2_1:
0x12: {  	[tilespmem:s4], [sflag:$0x3] =	stream.linear.gather [hbm4b:s5+s4], $0x3E80, $0x38;
	[tilespmem:$0xAF00] =	vst v63  }
0x13: {  	_ =	swait.ge [sflag:s13], $0x3E80  }
0x14: {  	[sflag:s13] =	ssyncset.done $0x0  }
0x15: {  	[sflag:s13] =	ssyncadd.s32 $0xFFFFC180  }
0x16: {  	[tilespmem:s14], [sflag:$0x3] =	stream.linear.gather [hbm4b:s6+s4], $0x3E80, $0x38;
	[tilespmem:$0xAF00] =	vst v63  }
0x17: {  	_ =	swait.ge [sflag:s13], $0x3E80  }
0x18: {  	[sflag:s13] =	ssyncset.done $0x0  }
0x19: {  	s20 =	simm.s32 $0x8000;
	[sflag:s13] =	ssyncadd.s32 $0xFFFFC180  }
0x1a: {  	[tilespmem:s20], [sflag:$0x3] =	stream.linear.gather [hbm4b:s7+s4], $0x2710, $0x38;
	[tilespmem:$0xAF00] =	vst v63  }
0x1b: {  	_ =	swait.ge [sflag:s13], $0x2710  }
0x1c: {  	[sflag:s13] =	ssyncset.done $0x0  }
0x1d: {  	[sflag:s13] =	ssyncadd.s32 $0xFFFFD8F0  }
0x1e: {  	[tilespmem:$0xA780] =	vst v0  }
0x1f: {  	[tilespmem:$0xA790] =	vst v0  }
0x20: {  	[tilespmem:$0xA7A0] =	vst v0  }
0x21: {  	[tilespmem:$0xA7B0] =	vst v0  }
0x22: {  	[tilespmem:$0xA7C0] =	vst v0  }
0x23: {  	[tilespmem:$0xA7D0] =	vst v0  }
0x24: {  	[tilespmem:$0xA7E0] =	vst v0  }
0x25: {  	[tilespmem:$0xA7F0] =	vst v0  }
0x26: {  	[tilespmem:$0xA800] =	vst v0  }
0x27: {  	[tilespmem:$0xA810] =	vst v0  }
0x28: {  	[tilespmem:$0xA820] =	vst v0  }
0x29: {  	[tilespmem:$0xA830] =	vst v0  }
0x2a: {  	[tilespmem:$0xA840] =	vst v0  }
0x2b: {  	[tilespmem:$0xA850] =	vst v0  }
0x2c: {  	[tilespmem:$0xA860] =	vst v0  }
0x2d: {  	[tilespmem:$0xA870] =	vst v0  }
0x2e: {  	[tilespmem:$0xA880] =	vst v0  }
0x2f: {  	[tilespmem:$0xA890] =	vst v0  }
0x30: {  	[tilespmem:$0xA8A0] =	vst v0  }
0x31: {  	[tilespmem:$0xA8B0] =	vst v0  }
0x32: {  	[tilespmem:$0xA8C0] =	vst v0  }
0x33: {  	[tilespmem:$0xA8D0] =	vst v0  }
0x34: {  	[tilespmem:$0xA8E0] =	vst v0  }
0x35: {  	[tilespmem:$0xA8F0] =	vst v0  }
0x36: {  	[tilespmem:$0xA900] =	vst v0  }
0x37: {  	[tilespmem:$0xA910] =	vst v0  }
0x38: {  	[tilespmem:$0xA920] =	vst v0  }
0x39: {  	[tilespmem:$0xA930] =	vst v0  }
0x3a: {  	[tilespmem:$0xA940] =	vst v0  }
0x3b: {  	[tilespmem:$0xA950] =	vst v0  }
0x3c: {  	[tilespmem:$0xA960] =	vst v0  }
0x3d: {  	[tilespmem:$0xA970] =	vst v0  }
0x3e: {  	[tilespmem:$0xA980] =	vst v0  }
0x3f: {  	[tilespmem:$0xA990] =	vst v0  }
0x40: {  	[tilespmem:$0xA9A0] =	vst v0  }
0x41: {  	[tilespmem:$0xA9B0] =	vst v0  }
0x42: {  	[tilespmem:$0xA9C0] =	vst v0  }
0x43: {  	[tilespmem:$0xA9D0] =	vst v0  }
0x44: {  	[tilespmem:$0xA9E0] =	vst v0  }
0x45: {  	[tilespmem:$0xA9F0] =	vst v0  }
0x46: {  	[spmem:s8] =	stream.linear.scatter [tilespmem:s15], [sflag:$0x3], $0x280, $0x38;
	[tilespmem:$0xAF00] =	vst v63  }
0x47: {  	_ =	swait.ge [sflag:s13], $0x280  }
0x48: {  	[sflag:s13] =	ssyncset.done $0x0  }
0x49: {  	[sflag:s13] =	ssyncadd.s32 $0xFFFFFD80  }
0x4a: {  	[spmem:s9] =	stream.linear.scatter [tilespmem:s15], [sflag:$0x3], $0x280, $0x38;
	[tilespmem:$0xAF00] =	vst v63  }
0x4b: {  	_ =	swait.ge [sflag:s13], $0x280  }
0x4c: {  	[sflag:s13] =	ssyncset.done $0x0  }
0x4d: {  	[sflag:s13] =	ssyncadd.s32 $0xFFFFFD80  }
0x4e: {  	s21 =	simm.s32 $0x0;
	[bflag:$0x0] =	sbarrier.arrive $0xFFFF  }
0x4f: {  	[spmem:s1] =	stream.indirect.scatter.add.f32 [tilespmem:s20], [sflag:$0x1], $0x1, s21, s16, $0xb8;
	[tilespmem:$0xAF00] =	vst v63  }
0x50: {  	s31 =	simm.s32 $0x4000  }
0x51: {  	[spmem:s2] =	stream.indirect.scatter.add.f32 [tilespmem:s20], [sflag:$0x2], $0x1, s31, s16, $0xb8;
	[tilespmem:$0xAF00] =	vst v63  }
0x52: {  	s22 =	simm.s32 $0x8050;
	s23 =	simm.s32 $0x80  }
0x53: {  	[spmem:s1] =	stream.indirect.scatter.add.f32 [tilespmem:s22], [sflag:$0x1], $0x1, s23, s16, $0xb8;
	[tilespmem:$0xAF00] =	vst v63  }
0x54: {  	s24 =	simm.s32 $0x4080  }
0x55: {  	[spmem:s2] =	stream.indirect.scatter.add.f32 [tilespmem:s22], [sflag:$0x2], $0x1, s24, s16, $0xb8;
	[tilespmem:$0xAF00] =	vst v63  }
0x56: {  	s25 =	simm.s32 $0x80A0;
	s26 =	simm.s32 $0x100  }
0x57: {  	[spmem:s1] =	stream.indirect.scatter.add.f32 [tilespmem:s25], [sflag:$0x1], $0x1, s26, s16, $0xb8;
	[tilespmem:$0xAF00] =	vst v63  }
0x58: {  	s28 =	simm.s32 $0x4100  }
0x59: {  	[spmem:s2] =	stream.indirect.scatter.add.f32 [tilespmem:s25], [sflag:$0x2], $0x1, s28, s16, $0xb8;
	[tilespmem:$0xAF00] =	vst v63  }
0x5a: {  	s29 =	simm.s32 $0x80F0;
	s30 =	simm.s32 $0x180  }
0x5b: {  	[spmem:s1] =	stream.indirect.scatter.add.f32 [tilespmem:s29], [sflag:$0x1], $0x1, s30, s16, $0xb8;
	[tilespmem:$0xAF00] =	vst v63  }
0x5c: {  	s31 =	simm.s32 $0x4180  }
0x5d: {  	[spmem:s2] =	stream.indirect.scatter.add.f32 [tilespmem:s29], [sflag:$0x2], $0x1, s31, s16, $0xb8;
	[tilespmem:$0xAF00] =	vst v63  }
0x5e: {  	s23 =	simm.s32 $0x200;
	s22 =	simm.s32 $0x8140  }
0x5f: {  	[spmem:s1] =	stream.indirect.scatter.add.f32 [tilespmem:s22], [sflag:$0x1], $0x1, s23, s16, $0xb8;
	[tilespmem:$0xAF00] =	vst v63  }
0x60: {  	s24 =	simm.s32 $0x4200  }
0x61: {  	[spmem:s2] =	stream.indirect.scatter.add.f32 [tilespmem:s22], [sflag:$0x2], $0x1, s24, s16, $0xb8;
	[tilespmem:$0xAF00] =	vst v63  }
0x62: {  	s26 =	simm.s32 $0x280;
	s25 =	simm.s32 $0x8190  }
0x63: {  	[spmem:s1] =	stream.indirect.scatter.add.f32 [tilespmem:s25], [sflag:$0x1], $0x1, s26, s16, $0xb8;
	[tilespmem:$0xAF00] =	vst v63  }
0x64: {  	s28 =	simm.s32 $0x4280  }
0x65: {  	[spmem:s2] =	stream.indirect.scatter.add.f32 [tilespmem:s25], [sflag:$0x2], $0x1, s28, s16, $0xb8;
	[tilespmem:$0xAF00] =	vst v63  }
0x66: {  	s30 =	simm.s32 $0x300;
	s29 =	simm.s32 $0x81E0  }
0x67: {  	[spmem:s1] =	stream.indirect.scatter.add.f32 [tilespmem:s29], [sflag:$0x1], $0x1, s30, s16, $0xb8;
	[tilespmem:$0xAF00] =	vst v63  }
0x68: {  	s31 =	simm.s32 $0x4300  }
0x69: {  	[spmem:s2] =	stream.indirect.scatter.add.f32 [tilespmem:s29], [sflag:$0x2], $0x1, s31, s16, $0xb8;
	[tilespmem:$0xAF00] =	vst v63  }
0x6a: {  	s23 =	simm.s32 $0x380;
	s22 =	simm.s32 $0x8230  }
0x6b: {  	[spmem:s1] =	stream.indirect.scatter.add.f32 [tilespmem:s22], [sflag:$0x1], $0x1, s23, s16, $0xb8;
	[tilespmem:$0xAF00] =	vst v63  }
0x6c: {  	s24 =	simm.s32 $0x4380  }
0x6d: {  	[spmem:s2] =	stream.indirect.scatter.add.f32 [tilespmem:s22], [sflag:$0x2], $0x1, s24, s16, $0xb8;
	[tilespmem:$0xAF00] =	vst v63  }
0x6e: {  	s26 =	simm.s32 $0x400;
	s25 =	simm.s32 $0x8280  }
0x6f: {  	[spmem:s1] =	stream.indirect.scatter.add.f32 [tilespmem:s25], [sflag:$0x1], $0x1, s26, s16, $0xb8;
	[tilespmem:$0xAF00] =	vst v63  }
0x70: {  	s28 =	simm.s32 $0x4400  }
0x71: {  	[spmem:s2] =	stream.indirect.scatter.add.f32 [tilespmem:s25], [sflag:$0x2], $0x1, s28, s16, $0xb8;
	[tilespmem:$0xAF00] =	vst v63  }
0x72: {  	s30 =	simm.s32 $0x480;
	s29 =	simm.s32 $0x82D0  }
0x73: {  	[spmem:s1] =	stream.indirect.scatter.add.f32 [tilespmem:s29], [sflag:$0x1], $0x1, s30, s16, $0xb8;
	[tilespmem:$0xAF00] =	vst v63  }
0x74: {  	s31 =	simm.s32 $0x4480  }
0x75: {  	[spmem:s2] =	stream.indirect.scatter.add.f32 [tilespmem:s29], [sflag:$0x2], $0x1, s31, s16, $0xb8;
	[tilespmem:$0xAF00] =	vst v63  }
0x76: {  	s23 =	simm.s32 $0x500;
	s22 =	simm.s32 $0x8320  }
0x77: {  	[spmem:s1] =	stream.indirect.scatter.add.f32 [tilespmem:s22], [sflag:$0x1], $0x1, s23, s16, $0xb8;
	[tilespmem:$0xAF00] =	vst v63  }
0x78: {  	s24 =	simm.s32 $0x4500  }
0x79: {  	[spmem:s2] =	stream.indirect.scatter.add.f32 [tilespmem:s22], [sflag:$0x2], $0x1, s24, s16, $0xb8;
	[tilespmem:$0xAF00] =	vst v63  }
0x7a: {  	s26 =	simm.s32 $0x580;
	s25 =	simm.s32 $0x8370  }
0x7b: {  	[spmem:s1] =	stream.indirect.scatter.add.f32 [tilespmem:s25], [sflag:$0x1], $0x1, s26, s16, $0xb8;
	[tilespmem:$0xAF00] =	vst v63  }
0x7c: {  	s28 =	simm.s32 $0x4580  }
0x7d: {  	[spmem:s2] =	stream.indirect.scatter.add.f32 [tilespmem:s25], [sflag:$0x2], $0x1, s28, s16, $0xb8;
	[tilespmem:$0xAF00] =	vst v63  }
0x7e: {  	s30 =	simm.s32 $0x600;
	s29 =	simm.s32 $0x83C0  }
0x7f: {  	[spmem:s1] =	stream.indirect.scatter.add.f32 [tilespmem:s29], [sflag:$0x1], $0x1, s30, s16, $0xb8;
	[tilespmem:$0xAF00] =	vst v63  }
0x80: {  	s31 =	simm.s32 $0x4600  }
0x81: {  	[spmem:s2] =	stream.indirect.scatter.add.f32 [tilespmem:s29], [sflag:$0x2], $0x1, s31, s16, $0xb8;
	[tilespmem:$0xAF00] =	vst v63  }
0x82: {  	s23 =	simm.s32 $0x680;
	s22 =	simm.s32 $0x8410  }
0x83: {  	[spmem:s1] =	stream.indirect.scatter.add.f32 [tilespmem:s22], [sflag:$0x1], $0x1, s23, s16, $0xb8;
	[tilespmem:$0xAF00] =	vst v63  }
0x84: {  	s24 =	simm.s32 $0x4680  }
0x85: {  	[spmem:s2] =	stream.indirect.scatter.add.f32 [tilespmem:s22], [sflag:$0x2], $0x1, s24, s16, $0xb8;
	[tilespmem:$0xAF00] =	vst v63  }
0x86: {  	s26 =	simm.s32 $0x700;
	s25 =	simm.s32 $0x8460  }
0x87: {  	[spmem:s1] =	stream.indirect.scatter.add.f32 [tilespmem:s25], [sflag:$0x1], $0x1, s26, s16, $0xb8;
	[tilespmem:$0xAF00] =	vst v63  }
0x88: {  	s28 =	simm.s32 $0x4700  }
0x89: {  	[spmem:s2] =	stream.indirect.scatter.add.f32 [tilespmem:s25], [sflag:$0x2], $0x1, s28, s16, $0xb8;
	[tilespmem:$0xAF00] =	vst v63  }
0x8a: {  	s30 =	simm.s32 $0x780;
	s29 =	simm.s32 $0x84B0  }
0x8b: {  	[spmem:s1] =	stream.indirect.scatter.add.f32 [tilespmem:s29], [sflag:$0x1], $0x1, s30, s16, $0xb8;
	[tilespmem:$0xAF00] =	vst v63  }
0x8c: {  	s31 =	simm.s32 $0x4780  }
0x8d: {  	[spmem:s2] =	stream.indirect.scatter.add.f32 [tilespmem:s29], [sflag:$0x2], $0x1, s31, s16, $0xb8;
	[tilespmem:$0xAF00] =	vst v63  }
0x8e: {  	s23 =	simm.s32 $0x800;
	s22 =	simm.s32 $0x8500  }
0x8f: {  	[spmem:s1] =	stream.indirect.scatter.add.f32 [tilespmem:s22], [sflag:$0x1], $0x1, s23, s16, $0xb8;
	[tilespmem:$0xAF00] =	vst v63  }
0x90: {  	s24 =	simm.s32 $0x4800  }
0x91: {  	[spmem:s2] =	stream.indirect.scatter.add.f32 [tilespmem:s22], [sflag:$0x2], $0x1, s24, s16, $0xb8;
	[tilespmem:$0xAF00] =	vst v63  }
0x92: {  	s26 =	simm.s32 $0x880;
	s25 =	simm.s32 $0x8550  }
0x93: {  	[spmem:s1] =	stream.indirect.scatter.add.f32 [tilespmem:s25], [sflag:$0x1], $0x1, s26, s16, $0xb8;
	[tilespmem:$0xAF00] =	vst v63  }
0x94: {  	s28 =	simm.s32 $0x4880  }
0x95: {  	[spmem:s2] =	stream.indirect.scatter.add.f32 [tilespmem:s25], [sflag:$0x2], $0x1, s28, s16, $0xb8;
	[tilespmem:$0xAF00] =	vst v63  }
0x96: {  	s30 =	simm.s32 $0x900;
	s29 =	simm.s32 $0x85A0  }
0x97: {  	[spmem:s1] =	stream.indirect.scatter.add.f32 [tilespmem:s29], [sflag:$0x1], $0x1, s30, s16, $0xb8;
	[tilespmem:$0xAF00] =	vst v63  }
0x98: {  	s31 =	simm.s32 $0x4900  }
0x99: {  	[spmem:s2] =	stream.indirect.scatter.add.f32 [tilespmem:s29], [sflag:$0x2], $0x1, s31, s16, $0xb8;
	[tilespmem:$0xAF00] =	vst v63  }
0x9a: {  	s23 =	simm.s32 $0x980;
	s22 =	simm.s32 $0x85F0  }
0x9b: {  	[spmem:s1] =	stream.indirect.scatter.add.f32 [tilespmem:s22], [sflag:$0x1], $0x1, s23, s16, $0xb8;
	[tilespmem:$0xAF00] =	vst v63  }
0x9c: {  	s24 =	simm.s32 $0x4980  }
0x9d: {  	[spmem:s2] =	stream.indirect.scatter.add.f32 [tilespmem:s22], [sflag:$0x2], $0x1, s24, s16, $0xb8;
	[tilespmem:$0xAF00] =	vst v63  }
0x9e: {  	s26 =	simm.s32 $0xA00;
	s25 =	simm.s32 $0x8640  }
0x9f: {  	[spmem:s1] =	stream.indirect.scatter.add.f32 [tilespmem:s25], [sflag:$0x1], $0x1, s26, s16, $0xb8;
	[tilespmem:$0xAF00] =	vst v63  }
0xa0: {  	s28 =	simm.s32 $0x4A00  }
0xa1: {  	[spmem:s2] =	stream.indirect.scatter.add.f32 [tilespmem:s25], [sflag:$0x2], $0x1, s28, s16, $0xb8;
	[tilespmem:$0xAF00] =	vst v63  }
0xa2: {  	s30 =	simm.s32 $0xA80;
	s29 =	simm.s32 $0x8690  }
0xa3: {  	[spmem:s1] =	stream.indirect.scatter.add.f32 [tilespmem:s29], [sflag:$0x1], $0x1, s30, s16, $0xb8;
	[tilespmem:$0xAF00] =	vst v63  }
0xa4: {  	s31 =	simm.s32 $0x4A80  }
0xa5: {  	[spmem:s2] =	stream.indirect.scatter.add.f32 [tilespmem:s29], [sflag:$0x2], $0x1, s31, s16, $0xb8;
	[tilespmem:$0xAF00] =	vst v63  }
0xa6: {  	s23 =	simm.s32 $0xB00;
	s22 =	simm.s32 $0x86E0  }
0xa7: {  	[spmem:s1] =	stream.indirect.scatter.add.f32 [tilespmem:s22], [sflag:$0x1], $0x1, s23, s16, $0xb8;
	[tilespmem:$0xAF00] =	vst v63  }
0xa8: {  	s24 =	simm.s32 $0x4B00  }
0xa9: {  	[spmem:s2] =	stream.indirect.scatter.add.f32 [tilespmem:s22], [sflag:$0x2], $0x1, s24, s16, $0xb8;
	[tilespmem:$0xAF00] =	vst v63  }
0xaa: {  	s26 =	simm.s32 $0xB80;
	s25 =	simm.s32 $0x8730  }
0xab: {  	[spmem:s1] =	stream.indirect.scatter.add.f32 [tilespmem:s25], [sflag:$0x1], $0x1, s26, s16, $0xb8;
	[tilespmem:$0xAF00] =	vst v63  }
0xac: {  	s28 =	simm.s32 $0x4B80  }
0xad: {  	[spmem:s2] =	stream.indirect.scatter.add.f32 [tilespmem:s25], [sflag:$0x2], $0x1, s28, s16, $0xb8;
	[tilespmem:$0xAF00] =	vst v63  }
0xae: {  	s30 =	simm.s32 $0xC00;
	s29 =	simm.s32 $0x8780  }
0xaf: {  	[spmem:s1] =	stream.indirect.scatter.add.f32 [tilespmem:s29], [sflag:$0x1], $0x1, s30, s16, $0xb8;
	[tilespmem:$0xAF00] =	vst v63  }
0xb0: {  	s31 =	simm.s32 $0x4C00  }
0xb1: {  	[spmem:s2] =	stream.indirect.scatter.add.f32 [tilespmem:s29], [sflag:$0x2], $0x1, s31, s16, $0xb8;
	[tilespmem:$0xAF00] =	vst v63  }
0xb2: {  	_ =	swait.ge [sflag:s17], $0x50  }
0xb3: {  	[sflag:s17] =	ssyncset.done $0x0  }
0xb4: {  	[sflag:s17] =	ssyncadd.s32 $0xFFFFFFB0  }
0xb5: {  	_ =	swait.ge [sflag:s18], $0x50  }
0xb6: {  	[sflag:s18] =	ssyncset.done $0x0  }
0xb7: {  	[sflag:s18] =	ssyncadd.s32 $0xFFFFFFB0  }
0xb8: {  	_ =	swait.ge [sflag:s17], $0x50  }
0xb9: {  	[sflag:s17] =	ssyncset.done $0x0  }
0xba: {  	[sflag:s17] =	ssyncadd.s32 $0xFFFFFFB0  }
0xbb: {  	_ =	swait.ge [sflag:s18], $0x50  }
0xbc: {  	[sflag:s18] =	ssyncset.done $0x0  }
0xbd: {  	[sflag:s18] =	ssyncadd.s32 $0xFFFFFFB0  }
0xbe: {  	_ =	swait.ge [sflag:s17], $0x50  }
0xbf: {  	[sflag:s17] =	ssyncset.done $0x0  }
0xc0: {  	[sflag:s17] =	ssyncadd.s32 $0xFFFFFFB0  }
0xc1: {  	_ =	swait.ge [sflag:s18], $0x50  }
0xc2: {  	[sflag:s18] =	ssyncset.done $0x0  }
0xc3: {  	[sflag:s18] =	ssyncadd.s32 $0xFFFFFFB0  }
0xc4: {  	_ =	swait.ge [sflag:s17], $0x50  }
0xc5: {  	[sflag:s17] =	ssyncset.done $0x0  }
0xc6: {  	[sflag:s17] =	ssyncadd.s32 $0xFFFFFFB0  }
0xc7: {  	_ =	swait.ge [sflag:s18], $0x50  }
0xc8: {  	[sflag:s18] =	ssyncset.done $0x0  }
0xc9: {  	[sflag:s18] =	ssyncadd.s32 $0xFFFFFFB0  }
0xca: {  	_ =	swait.ge [sflag:s17], $0x50  }
0xcb: {  	[sflag:s17] =	ssyncset.done $0x0  }
0xcc: {  	[sflag:s17] =	ssyncadd.s32 $0xFFFFFFB0  }
0xcd: {  	_ =	swait.ge [sflag:s18], $0x50  }
0xce: {  	[sflag:s18] =	ssyncset.done $0x0  }
0xcf: {  	[sflag:s18] =	ssyncadd.s32 $0xFFFFFFB0  }
0xd0: {  	_ =	swait.ge [sflag:s17], $0x50  }
0xd1: {  	[sflag:s17] =	ssyncset.done $0x0  }
0xd2: {  	[sflag:s17] =	ssyncadd.s32 $0xFFFFFFB0  }
0xd3: {  	_ =	swait.ge [sflag:s18], $0x50  }
0xd4: {  	[sflag:s18] =	ssyncset.done $0x0  }
0xd5: {  	[sflag:s18] =	ssyncadd.s32 $0xFFFFFFB0  }
0xd6: {  	_ =	swait.ge [sflag:s17], $0x50  }
0xd7: {  	[sflag:s17] =	ssyncset.done $0x0  }
0xd8: {  	[sflag:s17] =	ssyncadd.s32 $0xFFFFFFB0  }
0xd9: {  	_ =	swait.ge [sflag:s18], $0x50  }
0xda: {  	[sflag:s18] =	ssyncset.done $0x0  }
0xdb: {  	[sflag:s18] =	ssyncadd.s32 $0xFFFFFFB0  }
0xdc: {  	_ =	swait.ge [sflag:s17], $0x50  }
0xdd: {  	[sflag:s17] =	ssyncset.done $0x0  }
0xde: {  	[sflag:s17] =	ssyncadd.s32 $0xFFFFFFB0  }
0xdf: {  	_ =	swait.ge [sflag:s18], $0x50  }
0xe0: {  	[sflag:s18] =	ssyncset.done $0x0  }
0xe1: {  	[sflag:s18] =	ssyncadd.s32 $0xFFFFFFB0  }
0xe2: {  	_ =	swait.ge [sflag:s17], $0x50  }
0xe3: {  	[sflag:s17] =	ssyncset.done $0x0  }
0xe4: {  	[sflag:s17] =	ssyncadd.s32 $0xFFFFFFB0  }
0xe5: {  	_ =	swait.ge [sflag:s18], $0x50  }
0xe6: {  	[sflag:s18] =	ssyncset.done $0x0  }
0xe7: {  	[sflag:s18] =	ssyncadd.s32 $0xFFFFFFB0  }
0xe8: {  	_ =	swait.ge [sflag:s17], $0x50  }
0xe9: {  	[sflag:s17] =	ssyncset.done $0x0  }
0xea: {  	[sflag:s17] =	ssyncadd.s32 $0xFFFFFFB0  }
0xeb: {  	_ =	swait.ge [sflag:s18], $0x50  }
0xec: {  	[sflag:s18] =	ssyncset.done $0x0  }
0xed: {  	[sflag:s18] =	ssyncadd.s32 $0xFFFFFFB0  }
0xee: {  	_ =	swait.ge [sflag:s17], $0x50  }
0xef: {  	[sflag:s17] =	ssyncset.done $0x0  }
0xf0: {  	[sflag:s17] =	ssyncadd.s32 $0xFFFFFFB0  }
0xf1: {  	_ =	swait.ge [sflag:s18], $0x50  }
0xf2: {  	[sflag:s18] =	ssyncset.done $0x0  }
0xf3: {  	[sflag:s18] =	ssyncadd.s32 $0xFFFFFFB0  }
0xf4: {  	_ =	swait.ge [sflag:s17], $0x50  }
0xf5: {  	[sflag:s17] =	ssyncset.done $0x0  }
0xf6: {  	[sflag:s17] =	ssyncadd.s32 $0xFFFFFFB0  }
0xf7: {  	_ =	swait.ge [sflag:s18], $0x50  }
0xf8: {  	[sflag:s18] =	ssyncset.done $0x0  }
0xf9: {  	[sflag:s18] =	ssyncadd.s32 $0xFFFFFFB0  }
0xfa: {  	_ =	swait.ge [sflag:s17], $0x50  }
0xfb: {  	[sflag:s17] =	ssyncset.done $0x0  }
0xfc: {  	[sflag:s17] =	ssyncadd.s32 $0xFFFFFFB0  }
0xfd: {  	_ =	swait.ge [sflag:s18], $0x50  }
0xfe: {  	[sflag:s18] =	ssyncset.done $0x0  }
0xff: {  	[sflag:s18] =	ssyncadd.s32 $0xFFFFFFB0  }
0x100: {  	_ =	swait.ge [sflag:s17], $0x50  }
0x101: {  	[sflag:s17] =	ssyncset.done $0x0  }
0x102: {  	[sflag:s17] =	ssyncadd.s32 $0xFFFFFFB0  }
0x103: {  	_ =	swait.ge [sflag:s18], $0x50  }
0x104: {  	[sflag:s18] =	ssyncset.done $0x0  }
0x105: {  	[sflag:s18] =	ssyncadd.s32 $0xFFFFFFB0  }
0x106: {  	_ =	swait.ge [sflag:s17], $0x50  }
0x107: {  	[sflag:s17] =	ssyncset.done $0x0  }
0x108: {  	[sflag:s17] =	ssyncadd.s32 $0xFFFFFFB0  }
0x109: {  	_ =	swait.ge [sflag:s18], $0x50  }
0x10a: {  	[sflag:s18] =	ssyncset.done $0x0  }
0x10b: {  	[sflag:s18] =	ssyncadd.s32 $0xFFFFFFB0  }
0x10c: {  	_ =	swait.ge [sflag:s17], $0x50  }
0x10d: {  	[sflag:s17] =	ssyncset.done $0x0  }
0x10e: {  	[sflag:s17] =	ssyncadd.s32 $0xFFFFFFB0  }
0x10f: {  	_ =	swait.ge [sflag:s18], $0x50  }
0x110: {  	[sflag:s18] =	ssyncset.done $0x0  }
0x111: {  	[sflag:s18] =	ssyncadd.s32 $0xFFFFFFB0  }
0x112: {  	_ =	swait.ge [sflag:s17], $0x50  }
0x113: {  	[sflag:s17] =	ssyncset.done $0x0  }
0x114: {  	[sflag:s17] =	ssyncadd.s32 $0xFFFFFFB0  }
0x115: {  	_ =	swait.ge [sflag:s18], $0x50  }
0x116: {  	[sflag:s18] =	ssyncset.done $0x0  }
0x117: {  	[sflag:s18] =	ssyncadd.s32 $0xFFFFFFB0  }
0x118: {  	_ =	swait.ge [sflag:s17], $0x50  }
0x119: {  	[sflag:s17] =	ssyncset.done $0x0  }
0x11a: {  	[sflag:s17] =	ssyncadd.s32 $0xFFFFFFB0  }
0x11b: {  	_ =	swait.ge [sflag:s18], $0x50  }
0x11c: {  	[sflag:s18] =	ssyncset.done $0x0  }
0x11d: {  	[sflag:s18] =	ssyncadd.s32 $0xFFFFFFB0  }
0x11e: {  	_ =	swait.ge [sflag:s17], $0x50  }
0x11f: {  	[sflag:s17] =	ssyncset.done $0x0  }
0x120: {  	[sflag:s17] =	ssyncadd.s32 $0xFFFFFFB0  }
0x121: {  	_ =	swait.ge [sflag:s18], $0x50  }
0x122: {  	[sflag:s18] =	ssyncset.done $0x0  }
0x123: {  	[sflag:s18] =	ssyncadd.s32 $0xFFFFFFB0  }
0x124: {  	_ =	swait.ge [sflag:s17], $0x50  }
0x125: {  	[sflag:s17] =	ssyncset.done $0x0  }
0x126: {  	[sflag:s17] =	ssyncadd.s32 $0xFFFFFFB0  }
0x127: {  	_ =	swait.ge [sflag:s18], $0x50  }
0x128: {  	[sflag:s18] =	ssyncset.done $0x0  }
0x129: {  	[sflag:s18] =	ssyncadd.s32 $0xFFFFFFB0  }
0x12a: {  	_ =	swait.ge [sflag:s17], $0x50  }
0x12b: {  	[sflag:s17] =	ssyncset.done $0x0  }
0x12c: {  	[sflag:s17] =	ssyncadd.s32 $0xFFFFFFB0  }
0x12d: {  	_ =	swait.ge [sflag:s18], $0x50  }
0x12e: {  	[sflag:s18] =	ssyncset.done $0x0  }
0x12f: {  	[sflag:s18] =	ssyncadd.s32 $0xFFFFFFB0  }
0x130: {  	_ =	swait.ge [sflag:s17], $0x50  }
0x131: {  	[sflag:s17] =	ssyncset.done $0x0  }
0x132: {  	[sflag:s17] =	ssyncadd.s32 $0xFFFFFFB0  }
0x133: {  	_ =	swait.ge [sflag:s18], $0x50  }
0x134: {  	[sflag:s18] =	ssyncset.done $0x0  }
0x135: {  	[sflag:s18] =	ssyncadd.s32 $0xFFFFFFB0  }
0x136: {  	_ =	swait.ge [sflag:s17], $0x50  }
0x137: {  	[sflag:s17] =	ssyncset.done $0x0  }
0x138: {  	[sflag:s17] =	ssyncadd.s32 $0xFFFFFFB0  }
0x139: {  	_ =	swait.ge [sflag:s18], $0x50  }
0x13a: {  	[sflag:s18] =	ssyncset.done $0x0  }
0x13b: {  	[sflag:s18] =	ssyncadd.s32 $0xFFFFFFB0  }
0x13c: {  	_ =	swait.ge [sflag:s17], $0x50  }
0x13d: {  	[sflag:s17] =	ssyncset.done $0x0  }
0x13e: {  	[sflag:s17] =	ssyncadd.s32 $0xFFFFFFB0  }
0x13f: {  	_ =	swait.ge [sflag:s18], $0x50  }
0x140: {  	[sflag:s18] =	ssyncset.done $0x0  }
0x141: {  	[sflag:s18] =	ssyncadd.s32 $0xFFFFFFB0  }
0x142: {  	_ =	swait.ge [sflag:s17], $0x50  }
0x143: {  	[sflag:s17] =	ssyncset.done $0x0  }
0x144: {  	[sflag:s17] =	ssyncadd.s32 $0xFFFFFFB0  }
0x145: {  	s21 =	simm.s32 $0x3200;
	_ =	swait.ge [sflag:s18], $0x50  }
0x146: {  	s20 =	simm.s32 $0x87D0;
	s24 =	simm.s32 $0x6400;
	[sflag:s18] =	ssyncset.done $0x0  }
.LBB2_2:
0x147: {  	s23 =	sshra.s32 s21, $0x2  }
0x148: {  	[sflag:s18] =	ssyncadd.s32 $0xFFFFFFB0;
	s21 =	smov.u32 s24;
	s22 =	sadd.s32 $0x3200, s24  }
0x149: {  	[spmem:s1] =	stream.indirect.scatter.add.f32 [tilespmem:s20], [sflag:$0x1], $0x1, s23, s16, $0xb8;
	[tilespmem:$0xAF00] =	vst v63  }
0x14a: {  	p0 =	sne.s32 s24, $0xC800;
	s24 =	sadd.s32 $0x4000, s23  }
0x14b: {  	[spmem:s2] =	stream.indirect.scatter.add.f32 [tilespmem:s20], [sflag:$0x2], $0x1, s24, s16, $0xb8;
	[tilespmem:$0xAF00] =	vst v63  }
0x14c: {  	s25 =	sadd.s32 $0x80, s23;
	s24 =	sadd.s32 $0x50, s20  }
0x14d: {  	[spmem:s1] =	stream.indirect.scatter.add.f32 [tilespmem:s24], [sflag:$0x1], $0x1, s25, s16, $0xb8;
	[tilespmem:$0xAF00] =	vst v63  }
0x14e: {  	s25 =	sadd.s32 $0x4080, s23  }
0x14f: {  	[spmem:s2] =	stream.indirect.scatter.add.f32 [tilespmem:s24], [sflag:$0x2], $0x1, s25, s16, $0xb8;
	[tilespmem:$0xAF00] =	vst v63  }
0x150: {  	s24 =	sadd.s32 $0xA0, s20;
	s25 =	sadd.s32 $0x100, s23  }
0x151: {  	[spmem:s1] =	stream.indirect.scatter.add.f32 [tilespmem:s24], [sflag:$0x1], $0x1, s25, s16, $0xb8;
	[tilespmem:$0xAF00] =	vst v63  }
0x152: {  	s25 =	sadd.s32 $0x4100, s23  }
0x153: {  	[spmem:s2] =	stream.indirect.scatter.add.f32 [tilespmem:s24], [sflag:$0x2], $0x1, s25, s16, $0xb8;
	[tilespmem:$0xAF00] =	vst v63  }
0x154: {  	s24 =	sadd.s32 $0xF0, s20;
	s25 =	sadd.s32 $0x180, s23  }
0x155: {  	[spmem:s1] =	stream.indirect.scatter.add.f32 [tilespmem:s24], [sflag:$0x1], $0x1, s25, s16, $0xb8;
	[tilespmem:$0xAF00] =	vst v63  }
0x156: {  	s25 =	sadd.s32 $0x4180, s23  }
0x157: {  	[spmem:s2] =	stream.indirect.scatter.add.f32 [tilespmem:s24], [sflag:$0x2], $0x1, s25, s16, $0xb8;
	[tilespmem:$0xAF00] =	vst v63  }
0x158: {  	s24 =	sadd.s32 $0x140, s20;
	s25 =	sadd.s32 $0x200, s23  }
0x159: {  	[spmem:s1] =	stream.indirect.scatter.add.f32 [tilespmem:s24], [sflag:$0x1], $0x1, s25, s16, $0xb8;
	[tilespmem:$0xAF00] =	vst v63  }
0x15a: {  	s25 =	sadd.s32 $0x4200, s23  }
0x15b: {  	[spmem:s2] =	stream.indirect.scatter.add.f32 [tilespmem:s24], [sflag:$0x2], $0x1, s25, s16, $0xb8;
	[tilespmem:$0xAF00] =	vst v63  }
0x15c: {  	s24 =	sadd.s32 $0x190, s20;
	s25 =	sadd.s32 $0x280, s23  }
0x15d: {  	[spmem:s1] =	stream.indirect.scatter.add.f32 [tilespmem:s24], [sflag:$0x1], $0x1, s25, s16, $0xb8;
	[tilespmem:$0xAF00] =	vst v63  }
0x15e: {  	s25 =	sadd.s32 $0x4280, s23  }
0x15f: {  	[spmem:s2] =	stream.indirect.scatter.add.f32 [tilespmem:s24], [sflag:$0x2], $0x1, s25, s16, $0xb8;
	[tilespmem:$0xAF00] =	vst v63  }
0x160: {  	s24 =	sadd.s32 $0x1E0, s20;
	s25 =	sadd.s32 $0x300, s23  }
0x161: {  	[spmem:s1] =	stream.indirect.scatter.add.f32 [tilespmem:s24], [sflag:$0x1], $0x1, s25, s16, $0xb8;
	[tilespmem:$0xAF00] =	vst v63  }
0x162: {  	s25 =	sadd.s32 $0x4300, s23  }
0x163: {  	[spmem:s2] =	stream.indirect.scatter.add.f32 [tilespmem:s24], [sflag:$0x2], $0x1, s25, s16, $0xb8;
	[tilespmem:$0xAF00] =	vst v63  }
0x164: {  	s24 =	sadd.s32 $0x230, s20;
	s25 =	sadd.s32 $0x380, s23  }
0x165: {  	[spmem:s1] =	stream.indirect.scatter.add.f32 [tilespmem:s24], [sflag:$0x1], $0x1, s25, s16, $0xb8;
	[tilespmem:$0xAF00] =	vst v63  }
0x166: {  	s25 =	sadd.s32 $0x4380, s23  }
0x167: {  	[spmem:s2] =	stream.indirect.scatter.add.f32 [tilespmem:s24], [sflag:$0x2], $0x1, s25, s16, $0xb8;
	[tilespmem:$0xAF00] =	vst v63  }
0x168: {  	s24 =	sadd.s32 $0x280, s20;
	s25 =	sadd.s32 $0x400, s23  }
0x169: {  	[spmem:s1] =	stream.indirect.scatter.add.f32 [tilespmem:s24], [sflag:$0x1], $0x1, s25, s16, $0xb8;
	[tilespmem:$0xAF00] =	vst v63  }
0x16a: {  	s25 =	sadd.s32 $0x4400, s23  }
0x16b: {  	[spmem:s2] =	stream.indirect.scatter.add.f32 [tilespmem:s24], [sflag:$0x2], $0x1, s25, s16, $0xb8;
	[tilespmem:$0xAF00] =	vst v63  }
0x16c: {  	s24 =	sadd.s32 $0x2D0, s20;
	s25 =	sadd.s32 $0x480, s23  }
0x16d: {  	[spmem:s1] =	stream.indirect.scatter.add.f32 [tilespmem:s24], [sflag:$0x1], $0x1, s25, s16, $0xb8;
	[tilespmem:$0xAF00] =	vst v63  }
0x16e: {  	s25 =	sadd.s32 $0x4480, s23  }
0x16f: {  	[spmem:s2] =	stream.indirect.scatter.add.f32 [tilespmem:s24], [sflag:$0x2], $0x1, s25, s16, $0xb8;
	[tilespmem:$0xAF00] =	vst v63  }
0x170: {  	s24 =	sadd.s32 $0x320, s20;
	s25 =	sadd.s32 $0x500, s23  }
0x171: {  	[spmem:s1] =	stream.indirect.scatter.add.f32 [tilespmem:s24], [sflag:$0x1], $0x1, s25, s16, $0xb8;
	[tilespmem:$0xAF00] =	vst v63  }
0x172: {  	s25 =	sadd.s32 $0x4500, s23  }
0x173: {  	[spmem:s2] =	stream.indirect.scatter.add.f32 [tilespmem:s24], [sflag:$0x2], $0x1, s25, s16, $0xb8;
	[tilespmem:$0xAF00] =	vst v63  }
0x174: {  	s24 =	sadd.s32 $0x370, s20;
	s25 =	sadd.s32 $0x580, s23  }
0x175: {  	[spmem:s1] =	stream.indirect.scatter.add.f32 [tilespmem:s24], [sflag:$0x1], $0x1, s25, s16, $0xb8;
	[tilespmem:$0xAF00] =	vst v63  }
0x176: {  	s25 =	sadd.s32 $0x4580, s23  }
0x177: {  	[spmem:s2] =	stream.indirect.scatter.add.f32 [tilespmem:s24], [sflag:$0x2], $0x1, s25, s16, $0xb8;
	[tilespmem:$0xAF00] =	vst v63  }
0x178: {  	s24 =	sadd.s32 $0x3C0, s20;
	s25 =	sadd.s32 $0x600, s23  }
0x179: {  	[spmem:s1] =	stream.indirect.scatter.add.f32 [tilespmem:s24], [sflag:$0x1], $0x1, s25, s16, $0xb8;
	[tilespmem:$0xAF00] =	vst v63  }
0x17a: {  	s25 =	sadd.s32 $0x4600, s23  }
0x17b: {  	[spmem:s2] =	stream.indirect.scatter.add.f32 [tilespmem:s24], [sflag:$0x2], $0x1, s25, s16, $0xb8;
	[tilespmem:$0xAF00] =	vst v63  }
0x17c: {  	s24 =	sadd.s32 $0x410, s20;
	s25 =	sadd.s32 $0x680, s23  }
0x17d: {  	[spmem:s1] =	stream.indirect.scatter.add.f32 [tilespmem:s24], [sflag:$0x1], $0x1, s25, s16, $0xb8;
	[tilespmem:$0xAF00] =	vst v63  }
0x17e: {  	s25 =	sadd.s32 $0x4680, s23  }
0x17f: {  	[spmem:s2] =	stream.indirect.scatter.add.f32 [tilespmem:s24], [sflag:$0x2], $0x1, s25, s16, $0xb8;
	[tilespmem:$0xAF00] =	vst v63  }
0x180: {  	s24 =	sadd.s32 $0x460, s20;
	s25 =	sadd.s32 $0x700, s23  }
0x181: {  	[spmem:s1] =	stream.indirect.scatter.add.f32 [tilespmem:s24], [sflag:$0x1], $0x1, s25, s16, $0xb8;
	[tilespmem:$0xAF00] =	vst v63  }
0x182: {  	s25 =	sadd.s32 $0x4700, s23  }
0x183: {  	[spmem:s2] =	stream.indirect.scatter.add.f32 [tilespmem:s24], [sflag:$0x2], $0x1, s25, s16, $0xb8;
	[tilespmem:$0xAF00] =	vst v63  }
0x184: {  	s24 =	sadd.s32 $0x4B0, s20;
	s25 =	sadd.s32 $0x780, s23  }
0x185: {  	[spmem:s1] =	stream.indirect.scatter.add.f32 [tilespmem:s24], [sflag:$0x1], $0x1, s25, s16, $0xb8;
	[tilespmem:$0xAF00] =	vst v63  }
0x186: {  	s25 =	sadd.s32 $0x4780, s23  }
0x187: {  	[spmem:s2] =	stream.indirect.scatter.add.f32 [tilespmem:s24], [sflag:$0x2], $0x1, s25, s16, $0xb8;
	[tilespmem:$0xAF00] =	vst v63  }
0x188: {  	s24 =	sadd.s32 $0x500, s20;
	s25 =	sadd.s32 $0x800, s23  }
0x189: {  	[spmem:s1] =	stream.indirect.scatter.add.f32 [tilespmem:s24], [sflag:$0x1], $0x1, s25, s16, $0xb8;
	[tilespmem:$0xAF00] =	vst v63  }
0x18a: {  	s25 =	sadd.s32 $0x4800, s23  }
0x18b: {  	[spmem:s2] =	stream.indirect.scatter.add.f32 [tilespmem:s24], [sflag:$0x2], $0x1, s25, s16, $0xb8;
	[tilespmem:$0xAF00] =	vst v63  }
0x18c: {  	s24 =	sadd.s32 $0x550, s20;
	s25 =	sadd.s32 $0x880, s23  }
0x18d: {  	[spmem:s1] =	stream.indirect.scatter.add.f32 [tilespmem:s24], [sflag:$0x1], $0x1, s25, s16, $0xb8;
	[tilespmem:$0xAF00] =	vst v63  }
0x18e: {  	s25 =	sadd.s32 $0x4880, s23  }
0x18f: {  	[spmem:s2] =	stream.indirect.scatter.add.f32 [tilespmem:s24], [sflag:$0x2], $0x1, s25, s16, $0xb8;
	[tilespmem:$0xAF00] =	vst v63  }
0x190: {  	s24 =	sadd.s32 $0x5A0, s20;
	s25 =	sadd.s32 $0x900, s23  }
0x191: {  	[spmem:s1] =	stream.indirect.scatter.add.f32 [tilespmem:s24], [sflag:$0x1], $0x1, s25, s16, $0xb8;
	[tilespmem:$0xAF00] =	vst v63  }
0x192: {  	s25 =	sadd.s32 $0x4900, s23  }
0x193: {  	[spmem:s2] =	stream.indirect.scatter.add.f32 [tilespmem:s24], [sflag:$0x2], $0x1, s25, s16, $0xb8;
	[tilespmem:$0xAF00] =	vst v63  }
0x194: {  	s24 =	sadd.s32 $0x5F0, s20;
	s25 =	sadd.s32 $0x980, s23  }
0x195: {  	[spmem:s1] =	stream.indirect.scatter.add.f32 [tilespmem:s24], [sflag:$0x1], $0x1, s25, s16, $0xb8;
	[tilespmem:$0xAF00] =	vst v63  }
0x196: {  	s25 =	sadd.s32 $0x4980, s23  }
0x197: {  	[spmem:s2] =	stream.indirect.scatter.add.f32 [tilespmem:s24], [sflag:$0x2], $0x1, s25, s16, $0xb8;
	[tilespmem:$0xAF00] =	vst v63  }
0x198: {  	s24 =	sadd.s32 $0x640, s20;
	s25 =	sadd.s32 $0xA00, s23  }
0x199: {  	[spmem:s1] =	stream.indirect.scatter.add.f32 [tilespmem:s24], [sflag:$0x1], $0x1, s25, s16, $0xb8;
	[tilespmem:$0xAF00] =	vst v63  }
0x19a: {  	s25 =	sadd.s32 $0x4A00, s23  }
0x19b: {  	[spmem:s2] =	stream.indirect.scatter.add.f32 [tilespmem:s24], [sflag:$0x2], $0x1, s25, s16, $0xb8;
	[tilespmem:$0xAF00] =	vst v63  }
0x19c: {  	s24 =	sadd.s32 $0x690, s20;
	s25 =	sadd.s32 $0xA80, s23  }
0x19d: {  	[spmem:s1] =	stream.indirect.scatter.add.f32 [tilespmem:s24], [sflag:$0x1], $0x1, s25, s16, $0xb8;
	[tilespmem:$0xAF00] =	vst v63  }
0x19e: {  	s25 =	sadd.s32 $0x4A80, s23  }
0x19f: {  	[spmem:s2] =	stream.indirect.scatter.add.f32 [tilespmem:s24], [sflag:$0x2], $0x1, s25, s16, $0xb8;
	[tilespmem:$0xAF00] =	vst v63  }
0x1a0: {  	s24 =	sadd.s32 $0x6E0, s20;
	s25 =	sadd.s32 $0xB00, s23  }
0x1a1: {  	[spmem:s1] =	stream.indirect.scatter.add.f32 [tilespmem:s24], [sflag:$0x1], $0x1, s25, s16, $0xb8;
	[tilespmem:$0xAF00] =	vst v63  }
0x1a2: {  	s25 =	sadd.s32 $0x4B00, s23  }
0x1a3: {  	[spmem:s2] =	stream.indirect.scatter.add.f32 [tilespmem:s24], [sflag:$0x2], $0x1, s25, s16, $0xb8;
	[tilespmem:$0xAF00] =	vst v63  }
0x1a4: {  	s24 =	sadd.s32 $0x730, s20;
	s25 =	sadd.s32 $0xB80, s23  }
0x1a5: {  	[spmem:s1] =	stream.indirect.scatter.add.f32 [tilespmem:s24], [sflag:$0x1], $0x1, s25, s16, $0xb8;
	[tilespmem:$0xAF00] =	vst v63  }
0x1a6: {  	s25 =	sadd.s32 $0x4B80, s23  }
0x1a7: {  	[spmem:s2] =	stream.indirect.scatter.add.f32 [tilespmem:s24], [sflag:$0x2], $0x1, s25, s16, $0xb8;
	[tilespmem:$0xAF00] =	vst v63  }
0x1a8: {  	s24 =	sadd.s32 $0x780, s20;
	s25 =	sadd.s32 $0xC00, s23  }
0x1a9: {  	[spmem:s1] =	stream.indirect.scatter.add.f32 [tilespmem:s24], [sflag:$0x1], $0x1, s25, s16, $0xb8;
	[tilespmem:$0xAF00] =	vst v63  }
0x1aa: {  	s23 =	sadd.s32 $0x4C00, s23  }
0x1ab: {  	[spmem:s2] =	stream.indirect.scatter.add.f32 [tilespmem:s24], [sflag:$0x2], $0x1, s23, s16, $0xb8;
	[tilespmem:$0xAF00] =	vst v63  }
0x1ac: {  	_ =	swait.ge [sflag:s17], $0x50  }
0x1ad: {  	[sflag:s17] =	ssyncset.done $0x0  }
0x1ae: {  	[sflag:s17] =	ssyncadd.s32 $0xFFFFFFB0  }
0x1af: {  	_ =	swait.ge [sflag:s18], $0x50  }
0x1b0: {  	[sflag:s18] =	ssyncset.done $0x0  }
0x1b1: {  	[sflag:s18] =	ssyncadd.s32 $0xFFFFFFB0  }
0x1b2: {  	_ =	swait.ge [sflag:s17], $0x50  }
0x1b3: {  	[sflag:s17] =	ssyncset.done $0x0  }
0x1b4: {  	[sflag:s17] =	ssyncadd.s32 $0xFFFFFFB0  }
0x1b5: {  	_ =	swait.ge [sflag:s18], $0x50  }
0x1b6: {  	[sflag:s18] =	ssyncset.done $0x0  }
0x1b7: {  	[sflag:s18] =	ssyncadd.s32 $0xFFFFFFB0  }
0x1b8: {  	_ =	swait.ge [sflag:s17], $0x50  }
0x1b9: {  	[sflag:s17] =	ssyncset.done $0x0  }
0x1ba: {  	[sflag:s17] =	ssyncadd.s32 $0xFFFFFFB0  }
0x1bb: {  	_ =	swait.ge [sflag:s18], $0x50  }
0x1bc: {  	[sflag:s18] =	ssyncset.done $0x0  }
0x1bd: {  	[sflag:s18] =	ssyncadd.s32 $0xFFFFFFB0  }
0x1be: {  	_ =	swait.ge [sflag:s17], $0x50  }
0x1bf: {  	[sflag:s17] =	ssyncset.done $0x0  }
0x1c0: {  	[sflag:s17] =	ssyncadd.s32 $0xFFFFFFB0  }
0x1c1: {  	_ =	swait.ge [sflag:s18], $0x50  }
0x1c2: {  	[sflag:s18] =	ssyncset.done $0x0  }
0x1c3: {  	[sflag:s18] =	ssyncadd.s32 $0xFFFFFFB0  }
0x1c4: {  	_ =	swait.ge [sflag:s17], $0x50  }
0x1c5: {  	[sflag:s17] =	ssyncset.done $0x0  }
0x1c6: {  	[sflag:s17] =	ssyncadd.s32 $0xFFFFFFB0  }
0x1c7: {  	_ =	swait.ge [sflag:s18], $0x50  }
0x1c8: {  	[sflag:s18] =	ssyncset.done $0x0  }
0x1c9: {  	[sflag:s18] =	ssyncadd.s32 $0xFFFFFFB0  }
0x1ca: {  	_ =	swait.ge [sflag:s17], $0x50  }
0x1cb: {  	[sflag:s17] =	ssyncset.done $0x0  }
0x1cc: {  	[sflag:s17] =	ssyncadd.s32 $0xFFFFFFB0  }
0x1cd: {  	_ =	swait.ge [sflag:s18], $0x50  }
0x1ce: {  	[sflag:s18] =	ssyncset.done $0x0  }
0x1cf: {  	[sflag:s18] =	ssyncadd.s32 $0xFFFFFFB0  }
0x1d0: {  	_ =	swait.ge [sflag:s17], $0x50  }
0x1d1: {  	[sflag:s17] =	ssyncset.done $0x0  }
0x1d2: {  	[sflag:s17] =	ssyncadd.s32 $0xFFFFFFB0  }
0x1d3: {  	_ =	swait.ge [sflag:s18], $0x50  }
0x1d4: {  	[sflag:s18] =	ssyncset.done $0x0  }
0x1d5: {  	[sflag:s18] =	ssyncadd.s32 $0xFFFFFFB0  }
0x1d6: {  	_ =	swait.ge [sflag:s17], $0x50  }
0x1d7: {  	[sflag:s17] =	ssyncset.done $0x0  }
0x1d8: {  	[sflag:s17] =	ssyncadd.s32 $0xFFFFFFB0  }
0x1d9: {  	_ =	swait.ge [sflag:s18], $0x50  }
0x1da: {  	[sflag:s18] =	ssyncset.done $0x0  }
0x1db: {  	[sflag:s18] =	ssyncadd.s32 $0xFFFFFFB0  }
0x1dc: {  	_ =	swait.ge [sflag:s17], $0x50  }
0x1dd: {  	[sflag:s17] =	ssyncset.done $0x0  }
0x1de: {  	[sflag:s17] =	ssyncadd.s32 $0xFFFFFFB0  }
0x1df: {  	_ =	swait.ge [sflag:s18], $0x50  }
0x1e0: {  	[sflag:s18] =	ssyncset.done $0x0  }
0x1e1: {  	[sflag:s18] =	ssyncadd.s32 $0xFFFFFFB0  }
0x1e2: {  	_ =	swait.ge [sflag:s17], $0x50  }
0x1e3: {  	[sflag:s17] =	ssyncset.done $0x0  }
0x1e4: {  	[sflag:s17] =	ssyncadd.s32 $0xFFFFFFB0  }
0x1e5: {  	_ =	swait.ge [sflag:s18], $0x50  }
0x1e6: {  	[sflag:s18] =	ssyncset.done $0x0  }
0x1e7: {  	[sflag:s18] =	ssyncadd.s32 $0xFFFFFFB0  }
0x1e8: {  	_ =	swait.ge [sflag:s17], $0x50  }
0x1e9: {  	[sflag:s17] =	ssyncset.done $0x0  }
0x1ea: {  	[sflag:s17] =	ssyncadd.s32 $0xFFFFFFB0  }
0x1eb: {  	_ =	swait.ge [sflag:s18], $0x50  }
0x1ec: {  	[sflag:s18] =	ssyncset.done $0x0  }
0x1ed: {  	[sflag:s18] =	ssyncadd.s32 $0xFFFFFFB0  }
0x1ee: {  	_ =	swait.ge [sflag:s17], $0x50  }
0x1ef: {  	[sflag:s17] =	ssyncset.done $0x0  }
0x1f0: {  	[sflag:s17] =	ssyncadd.s32 $0xFFFFFFB0  }
0x1f1: {  	_ =	swait.ge [sflag:s18], $0x50  }
0x1f2: {  	[sflag:s18] =	ssyncset.done $0x0  }
0x1f3: {  	[sflag:s18] =	ssyncadd.s32 $0xFFFFFFB0  }
0x1f4: {  	_ =	swait.ge [sflag:s17], $0x50  }
0x1f5: {  	[sflag:s17] =	ssyncset.done $0x0  }
0x1f6: {  	[sflag:s17] =	ssyncadd.s32 $0xFFFFFFB0  }
0x1f7: {  	_ =	swait.ge [sflag:s18], $0x50  }
0x1f8: {  	[sflag:s18] =	ssyncset.done $0x0  }
0x1f9: {  	[sflag:s18] =	ssyncadd.s32 $0xFFFFFFB0  }
0x1fa: {  	_ =	swait.ge [sflag:s17], $0x50  }
0x1fb: {  	[sflag:s17] =	ssyncset.done $0x0  }
0x1fc: {  	[sflag:s17] =	ssyncadd.s32 $0xFFFFFFB0  }
0x1fd: {  	_ =	swait.ge [sflag:s18], $0x50  }
0x1fe: {  	[sflag:s18] =	ssyncset.done $0x0  }
0x1ff: {  	[sflag:s18] =	ssyncadd.s32 $0xFFFFFFB0  }
0x200: {  	_ =	swait.ge [sflag:s17], $0x50  }
0x201: {  	[sflag:s17] =	ssyncset.done $0x0  }
0x202: {  	[sflag:s17] =	ssyncadd.s32 $0xFFFFFFB0  }
0x203: {  	_ =	swait.ge [sflag:s18], $0x50  }
0x204: {  	[sflag:s18] =	ssyncset.done $0x0  }
0x205: {  	[sflag:s18] =	ssyncadd.s32 $0xFFFFFFB0  }
0x206: {  	_ =	swait.ge [sflag:s17], $0x50  }
0x207: {  	[sflag:s17] =	ssyncset.done $0x0  }
0x208: {  	[sflag:s17] =	ssyncadd.s32 $0xFFFFFFB0  }
0x209: {  	_ =	swait.ge [sflag:s18], $0x50  }
0x20a: {  	[sflag:s18] =	ssyncset.done $0x0  }
0x20b: {  	[sflag:s18] =	ssyncadd.s32 $0xFFFFFFB0  }
0x20c: {  	_ =	swait.ge [sflag:s17], $0x50  }
0x20d: {  	[sflag:s17] =	ssyncset.done $0x0  }
0x20e: {  	[sflag:s17] =	ssyncadd.s32 $0xFFFFFFB0  }
0x20f: {  	_ =	swait.ge [sflag:s18], $0x50  }
0x210: {  	[sflag:s18] =	ssyncset.done $0x0  }
0x211: {  	[sflag:s18] =	ssyncadd.s32 $0xFFFFFFB0  }
0x212: {  	_ =	swait.ge [sflag:s17], $0x50  }
0x213: {  	[sflag:s17] =	ssyncset.done $0x0  }
0x214: {  	[sflag:s17] =	ssyncadd.s32 $0xFFFFFFB0  }
0x215: {  	_ =	swait.ge [sflag:s18], $0x50  }
0x216: {  	[sflag:s18] =	ssyncset.done $0x0  }
0x217: {  	[sflag:s18] =	ssyncadd.s32 $0xFFFFFFB0  }
0x218: {  	_ =	swait.ge [sflag:s17], $0x50  }
0x219: {  	[sflag:s17] =	ssyncset.done $0x0  }
0x21a: {  	[sflag:s17] =	ssyncadd.s32 $0xFFFFFFB0  }
0x21b: {  	_ =	swait.ge [sflag:s18], $0x50  }
0x21c: {  	[sflag:s18] =	ssyncset.done $0x0  }
0x21d: {  	[sflag:s18] =	ssyncadd.s32 $0xFFFFFFB0  }
0x21e: {  	_ =	swait.ge [sflag:s17], $0x50  }
0x21f: {  	[sflag:s17] =	ssyncset.done $0x0  }
0x220: {  	[sflag:s17] =	ssyncadd.s32 $0xFFFFFFB0  }
0x221: {  	_ =	swait.ge [sflag:s18], $0x50  }
0x222: {  	[sflag:s18] =	ssyncset.done $0x0  }
0x223: {  	[sflag:s18] =	ssyncadd.s32 $0xFFFFFFB0  }
0x224: {  	_ =	swait.ge [sflag:s17], $0x50  }
0x225: {  	[sflag:s17] =	ssyncset.done $0x0  }
0x226: {  	[sflag:s17] =	ssyncadd.s32 $0xFFFFFFB0  }
0x227: {  	_ =	swait.ge [sflag:s18], $0x50  }
0x228: {  	[sflag:s18] =	ssyncset.done $0x0  }
0x229: {  	[sflag:s18] =	ssyncadd.s32 $0xFFFFFFB0  }
0x22a: {  	_ =	swait.ge [sflag:s17], $0x50  }
0x22b: {  	[sflag:s17] =	ssyncset.done $0x0  }
0x22c: {  	[sflag:s17] =	ssyncadd.s32 $0xFFFFFFB0  }
0x22d: {  	_ =	swait.ge [sflag:s18], $0x50  }
0x22e: {  	[sflag:s18] =	ssyncset.done $0x0  }
0x22f: {  	[sflag:s18] =	ssyncadd.s32 $0xFFFFFFB0  }
0x230: {  	_ =	swait.ge [sflag:s17], $0x50  }
0x231: {  	[sflag:s17] =	ssyncset.done $0x0  }
0x232: {  	[sflag:s17] =	ssyncadd.s32 $0xFFFFFFB0  }
0x233: {  	_ =	swait.ge [sflag:s18], $0x50  }
0x234: {  	[sflag:s18] =	ssyncset.done $0x0  }
0x235: {  	[sflag:s18] =	ssyncadd.s32 $0xFFFFFFB0  }
0x236: {  	_ =	swait.ge [sflag:s17], $0x50  }
0x237: {  	[sflag:s17] =	ssyncset.done $0x0  }
0x238: {  	[sflag:s17] =	ssyncadd.s32 $0xFFFFFFB0  }
0x239: {  	_ =	swait.ge [sflag:s18], $0x50  }
0x23a: {  	[sflag:s18] =	ssyncset.done $0x0  }
0x23b: {  	[sflag:s18] =	ssyncadd.s32 $0xFFFFFFB0  }
.Ltmp0:
0x23c: {  	_ =	swait.ge [sflag:s17], $0x50;
	(pc) =	sbr.rel @p0 .LBB2_2-.Ltmp0, $4  }
0x23d: {  	[sflag:s17] =	ssyncset.done $0x0  }
0x23e: {  	[sflag:s17] =	ssyncadd.s32 $0xFFFFFFB0  }
0x23f: {  	_ =	swait.ge [sflag:s18], $0x50  }
0x240: {  	s20 =	sadd.s32 $0x7D0, s20;
	s24 =	smov.u32 s22;
	[sflag:s18] =	ssyncset.done $0x0  }
0x241: {  	s21 =	sshra.s32 s21, $0x2;
	[sflag:s18] =	ssyncadd.s32 $0xFFFFFFB0  }
0x242: {  	[spmem:s1] =	stream.indirect.scatter.add.f32 [tilespmem:s20], [sflag:$0x1], $0x1, s21, s16, $0xb8;
	[tilespmem:$0xAF00] =	vst v63  }
0x243: {  	s22 =	sadd.s32 $0x4000, s21  }
0x244: {  	[spmem:s2] =	stream.indirect.scatter.add.f32 [tilespmem:s20], [sflag:$0x2], $0x1, s22, s16, $0xb8;
	[tilespmem:$0xAF00] =	vst v63  }
0x245: {  	s24 =	sadd.s32 $0x50, s20;
	s23 =	sadd.s32 $0x80, s21  }
0x246: {  	[spmem:s1] =	stream.indirect.scatter.add.f32 [tilespmem:s24], [sflag:$0x1], $0x1, s23, s16, $0xb8;
	[tilespmem:$0xAF00] =	vst v63  }
0x247: {  	s25 =	sadd.s32 $0x4080, s21  }
0x248: {  	[spmem:s2] =	stream.indirect.scatter.add.f32 [tilespmem:s24], [sflag:$0x2], $0x1, s25, s16, $0xb8;
	[tilespmem:$0xAF00] =	vst v63  }
0x249: {  	s26 =	sadd.s32 $0xA0, s20;
	s28 =	sadd.s32 $0x100, s21  }
0x24a: {  	[spmem:s1] =	stream.indirect.scatter.add.f32 [tilespmem:s26], [sflag:$0x1], $0x1, s28, s16, $0xb8;
	[tilespmem:$0xAF00] =	vst v63  }
0x24b: {  	s29 =	sadd.s32 $0x4100, s21  }
0x24c: {  	[spmem:s2] =	stream.indirect.scatter.add.f32 [tilespmem:s26], [sflag:$0x2], $0x1, s29, s16, $0xb8;
	[tilespmem:$0xAF00] =	vst v63  }
0x24d: {  	s30 =	sadd.s32 $0xF0, s20;
	s31 =	sadd.s32 $0x180, s21  }
0x24e: {  	[spmem:s1] =	stream.indirect.scatter.add.f32 [tilespmem:s30], [sflag:$0x1], $0x1, s31, s16, $0xb8;
	[tilespmem:$0xAF00] =	vst v63  }
0x24f: {  	s24 =	sadd.s32 $0x4180, s21  }
0x250: {  	[spmem:s2] =	stream.indirect.scatter.add.f32 [tilespmem:s30], [sflag:$0x2], $0x1, s24, s16, $0xb8;
	[tilespmem:$0xAF00] =	vst v63  }
0x251: {  	s25 =	sadd.s32 $0x140, s20;
	s26 =	sadd.s32 $0x200, s21  }
0x252: {  	[spmem:s1] =	stream.indirect.scatter.add.f32 [tilespmem:s25], [sflag:$0x1], $0x1, s26, s16, $0xb8;
	[tilespmem:$0xAF00] =	vst v63  }
0x253: {  	s28 =	sadd.s32 $0x4200, s21  }
0x254: {  	[spmem:s2] =	stream.indirect.scatter.add.f32 [tilespmem:s25], [sflag:$0x2], $0x1, s28, s16, $0xb8;
	[tilespmem:$0xAF00] =	vst v63  }
0x255: {  	s29 =	sadd.s32 $0x190, s20;
	s30 =	sadd.s32 $0x280, s21  }
0x256: {  	[spmem:s1] =	stream.indirect.scatter.add.f32 [tilespmem:s29], [sflag:$0x1], $0x1, s30, s16, $0xb8;
	[tilespmem:$0xAF00] =	vst v63  }
0x257: {  	s31 =	sadd.s32 $0x4280, s21  }
0x258: {  	[spmem:s2] =	stream.indirect.scatter.add.f32 [tilespmem:s29], [sflag:$0x2], $0x1, s31, s16, $0xb8;
	[tilespmem:$0xAF00] =	vst v63  }
0x259: {  	s24 =	sadd.s32 $0x1E0, s20;
	s25 =	sadd.s32 $0x300, s21  }
0x25a: {  	[spmem:s1] =	stream.indirect.scatter.add.f32 [tilespmem:s24], [sflag:$0x1], $0x1, s25, s16, $0xb8;
	[tilespmem:$0xAF00] =	vst v63  }
0x25b: {  	s26 =	sadd.s32 $0x4300, s21  }
0x25c: {  	[spmem:s2] =	stream.indirect.scatter.add.f32 [tilespmem:s24], [sflag:$0x2], $0x1, s26, s16, $0xb8;
	[tilespmem:$0xAF00] =	vst v63  }
0x25d: {  	s28 =	sadd.s32 $0x230, s20;
	s29 =	sadd.s32 $0x380, s21  }
0x25e: {  	[spmem:s1] =	stream.indirect.scatter.add.f32 [tilespmem:s28], [sflag:$0x1], $0x1, s29, s16, $0xb8;
	[tilespmem:$0xAF00] =	vst v63  }
0x25f: {  	s30 =	sadd.s32 $0x4380, s21  }
0x260: {  	[spmem:s2] =	stream.indirect.scatter.add.f32 [tilespmem:s28], [sflag:$0x2], $0x1, s30, s16, $0xb8;
	[tilespmem:$0xAF00] =	vst v63  }
0x261: {  	s31 =	sadd.s32 $0x280, s20;
	s24 =	sadd.s32 $0x400, s21  }
0x262: {  	[spmem:s1] =	stream.indirect.scatter.add.f32 [tilespmem:s31], [sflag:$0x1], $0x1, s24, s16, $0xb8;
	[tilespmem:$0xAF00] =	vst v63  }
0x263: {  	s25 =	sadd.s32 $0x4400, s21  }
0x264: {  	[spmem:s2] =	stream.indirect.scatter.add.f32 [tilespmem:s31], [sflag:$0x2], $0x1, s25, s16, $0xb8;
	[tilespmem:$0xAF00] =	vst v63  }
0x265: {  	s26 =	sadd.s32 $0x2D0, s20;
	s28 =	sadd.s32 $0x480, s21  }
0x266: {  	[spmem:s1] =	stream.indirect.scatter.add.f32 [tilespmem:s26], [sflag:$0x1], $0x1, s28, s16, $0xb8;
	[tilespmem:$0xAF00] =	vst v63  }
0x267: {  	s29 =	sadd.s32 $0x4480, s21  }
0x268: {  	[spmem:s2] =	stream.indirect.scatter.add.f32 [tilespmem:s26], [sflag:$0x2], $0x1, s29, s16, $0xb8;
	[tilespmem:$0xAF00] =	vst v63  }
0x269: {  	s30 =	sadd.s32 $0x320, s20;
	s31 =	sadd.s32 $0x500, s21  }
0x26a: {  	[spmem:s1] =	stream.indirect.scatter.add.f32 [tilespmem:s30], [sflag:$0x1], $0x1, s31, s16, $0xb8;
	[tilespmem:$0xAF00] =	vst v63  }
0x26b: {  	s24 =	sadd.s32 $0x4500, s21  }
0x26c: {  	[spmem:s2] =	stream.indirect.scatter.add.f32 [tilespmem:s30], [sflag:$0x2], $0x1, s24, s16, $0xb8;
	[tilespmem:$0xAF00] =	vst v63  }
0x26d: {  	s25 =	sadd.s32 $0x370, s20;
	s26 =	sadd.s32 $0x580, s21  }
0x26e: {  	[spmem:s1] =	stream.indirect.scatter.add.f32 [tilespmem:s25], [sflag:$0x1], $0x1, s26, s16, $0xb8;
	[tilespmem:$0xAF00] =	vst v63  }
0x26f: {  	s28 =	sadd.s32 $0x4580, s21  }
0x270: {  	[spmem:s2] =	stream.indirect.scatter.add.f32 [tilespmem:s25], [sflag:$0x2], $0x1, s28, s16, $0xb8;
	[tilespmem:$0xAF00] =	vst v63  }
0x271: {  	s29 =	sadd.s32 $0x3C0, s20;
	s30 =	sadd.s32 $0x600, s21  }
0x272: {  	[spmem:s1] =	stream.indirect.scatter.add.f32 [tilespmem:s29], [sflag:$0x1], $0x1, s30, s16, $0xb8;
	[tilespmem:$0xAF00] =	vst v63  }
0x273: {  	s31 =	sadd.s32 $0x4600, s21  }
0x274: {  	[spmem:s2] =	stream.indirect.scatter.add.f32 [tilespmem:s29], [sflag:$0x2], $0x1, s31, s16, $0xb8;
	[tilespmem:$0xAF00] =	vst v63  }
0x275: {  	s24 =	sadd.s32 $0x410, s20;
	s25 =	sadd.s32 $0x680, s21  }
0x276: {  	[spmem:s1] =	stream.indirect.scatter.add.f32 [tilespmem:s24], [sflag:$0x1], $0x1, s25, s16, $0xb8;
	[tilespmem:$0xAF00] =	vst v63  }
0x277: {  	s26 =	sadd.s32 $0x4680, s21  }
0x278: {  	[spmem:s2] =	stream.indirect.scatter.add.f32 [tilespmem:s24], [sflag:$0x2], $0x1, s26, s16, $0xb8;
	[tilespmem:$0xAF00] =	vst v63  }
0x279: {  	s28 =	sadd.s32 $0x460, s20;
	s29 =	sadd.s32 $0x700, s21  }
0x27a: {  	[spmem:s1] =	stream.indirect.scatter.add.f32 [tilespmem:s28], [sflag:$0x1], $0x1, s29, s16, $0xb8;
	[tilespmem:$0xAF00] =	vst v63  }
0x27b: {  	s30 =	sadd.s32 $0x4700, s21  }
0x27c: {  	[spmem:s2] =	stream.indirect.scatter.add.f32 [tilespmem:s28], [sflag:$0x2], $0x1, s30, s16, $0xb8;
	[tilespmem:$0xAF00] =	vst v63  }
0x27d: {  	s31 =	sadd.s32 $0x4B0, s20;
	s24 =	sadd.s32 $0x780, s21  }
0x27e: {  	[spmem:s1] =	stream.indirect.scatter.add.f32 [tilespmem:s31], [sflag:$0x1], $0x1, s24, s16, $0xb8;
	[tilespmem:$0xAF00] =	vst v63  }
0x27f: {  	s25 =	sadd.s32 $0x4780, s21  }
0x280: {  	[spmem:s2] =	stream.indirect.scatter.add.f32 [tilespmem:s31], [sflag:$0x2], $0x1, s25, s16, $0xb8;
	[tilespmem:$0xAF00] =	vst v63  }
0x281: {  	s26 =	sadd.s32 $0x500, s20;
	s28 =	sadd.s32 $0x800, s21  }
0x282: {  	[spmem:s1] =	stream.indirect.scatter.add.f32 [tilespmem:s26], [sflag:$0x1], $0x1, s28, s16, $0xb8;
	[tilespmem:$0xAF00] =	vst v63  }
0x283: {  	s29 =	sadd.s32 $0x4800, s21  }
0x284: {  	[spmem:s2] =	stream.indirect.scatter.add.f32 [tilespmem:s26], [sflag:$0x2], $0x1, s29, s16, $0xb8;
	[tilespmem:$0xAF00] =	vst v63  }
0x285: {  	s30 =	sadd.s32 $0x550, s20;
	s31 =	sadd.s32 $0x880, s21  }
0x286: {  	[spmem:s1] =	stream.indirect.scatter.add.f32 [tilespmem:s30], [sflag:$0x1], $0x1, s31, s16, $0xb8;
	[tilespmem:$0xAF00] =	vst v63  }
0x287: {  	s24 =	sadd.s32 $0x4880, s21  }
0x288: {  	[spmem:s2] =	stream.indirect.scatter.add.f32 [tilespmem:s30], [sflag:$0x2], $0x1, s24, s16, $0xb8;
	[tilespmem:$0xAF00] =	vst v63  }
0x289: {  	s25 =	sadd.s32 $0x5A0, s20;
	s26 =	sadd.s32 $0x900, s21  }
0x28a: {  	[spmem:s1] =	stream.indirect.scatter.add.f32 [tilespmem:s25], [sflag:$0x1], $0x1, s26, s16, $0xb8;
	[tilespmem:$0xAF00] =	vst v63  }
0x28b: {  	s28 =	sadd.s32 $0x4900, s21  }
0x28c: {  	[spmem:s2] =	stream.indirect.scatter.add.f32 [tilespmem:s25], [sflag:$0x2], $0x1, s28, s16, $0xb8;
	[tilespmem:$0xAF00] =	vst v63  }
0x28d: {  	s29 =	sadd.s32 $0x5F0, s20;
	s30 =	sadd.s32 $0x980, s21  }
0x28e: {  	[spmem:s1] =	stream.indirect.scatter.add.f32 [tilespmem:s29], [sflag:$0x1], $0x1, s30, s16, $0xb8;
	[tilespmem:$0xAF00] =	vst v63  }
0x28f: {  	s31 =	sadd.s32 $0x4980, s21  }
0x290: {  	[spmem:s2] =	stream.indirect.scatter.add.f32 [tilespmem:s29], [sflag:$0x2], $0x1, s31, s16, $0xb8;
	[tilespmem:$0xAF00] =	vst v63  }
0x291: {  	s24 =	sadd.s32 $0x640, s20;
	s25 =	sadd.s32 $0xA00, s21  }
0x292: {  	[spmem:s1] =	stream.indirect.scatter.add.f32 [tilespmem:s24], [sflag:$0x1], $0x1, s25, s16, $0xb8;
	[tilespmem:$0xAF00] =	vst v63  }
0x293: {  	s26 =	sadd.s32 $0x4A00, s21  }
0x294: {  	[spmem:s2] =	stream.indirect.scatter.add.f32 [tilespmem:s24], [sflag:$0x2], $0x1, s26, s16, $0xb8;
	[tilespmem:$0xAF00] =	vst v63  }
0x295: {  	s28 =	sadd.s32 $0x690, s20;
	s29 =	sadd.s32 $0xA80, s21  }
0x296: {  	[spmem:s1] =	stream.indirect.scatter.add.f32 [tilespmem:s28], [sflag:$0x1], $0x1, s29, s16, $0xb8;
	[tilespmem:$0xAF00] =	vst v63  }
0x297: {  	s30 =	sadd.s32 $0x4A80, s21  }
0x298: {  	[spmem:s2] =	stream.indirect.scatter.add.f32 [tilespmem:s28], [sflag:$0x2], $0x1, s30, s16, $0xb8;
	[tilespmem:$0xAF00] =	vst v63  }
0x299: {  	s31 =	sadd.s32 $0x6E0, s20;
	s24 =	sadd.s32 $0xB00, s21  }
0x29a: {  	[spmem:s1] =	stream.indirect.scatter.add.f32 [tilespmem:s31], [sflag:$0x1], $0x1, s24, s16, $0xb8;
	[tilespmem:$0xAF00] =	vst v63  }
0x29b: {  	s25 =	sadd.s32 $0x4B00, s21  }
0x29c: {  	[spmem:s2] =	stream.indirect.scatter.add.f32 [tilespmem:s31], [sflag:$0x2], $0x1, s25, s16, $0xb8;
	[tilespmem:$0xAF00] =	vst v63  }
0x29d: {  	s26 =	sadd.s32 $0x730, s20;
	s28 =	sadd.s32 $0xB80, s21  }
0x29e: {  	[spmem:s1] =	stream.indirect.scatter.add.f32 [tilespmem:s26], [sflag:$0x1], $0x1, s28, s16, $0xb8;
	[tilespmem:$0xAF00] =	vst v63  }
0x29f: {  	s29 =	sadd.s32 $0x4B80, s21  }
0x2a0: {  	[spmem:s2] =	stream.indirect.scatter.add.f32 [tilespmem:s26], [sflag:$0x2], $0x1, s29, s16, $0xb8;
	[tilespmem:$0xAF00] =	vst v63  }
0x2a1: {  	s30 =	sadd.s32 $0x780, s20;
	s31 =	sadd.s32 $0xC00, s21  }
0x2a2: {  	[spmem:s1] =	stream.indirect.scatter.add.f32 [tilespmem:s30], [sflag:$0x1], $0x1, s31, s16, $0xb8;
	[tilespmem:$0xAF00] =	vst v63  }
0x2a3: {  	s21 =	sadd.s32 $0x4C00, s21  }
0x2a4: {  	[spmem:s2] =	stream.indirect.scatter.add.f32 [tilespmem:s30], [sflag:$0x2], $0x1, s21, s16, $0xb8;
	[tilespmem:$0xAF00] =	vst v63  }
0x2a5: {  	_ =	swait.ge [sflag:s17], $0x50  }
0x2a6: {  	[sflag:s17] =	ssyncset.done $0x0  }
0x2a7: {  	[sflag:s17] =	ssyncadd.s32 $0xFFFFFFB0  }
0x2a8: {  	_ =	swait.ge [sflag:s18], $0x50  }
0x2a9: {  	[sflag:s18] =	ssyncset.done $0x0  }
0x2aa: {  	[sflag:s18] =	ssyncadd.s32 $0xFFFFFFB0  }
0x2ab: {  	_ =	swait.ge [sflag:s17], $0x50  }
0x2ac: {  	[sflag:s17] =	ssyncset.done $0x0  }
0x2ad: {  	[sflag:s17] =	ssyncadd.s32 $0xFFFFFFB0  }
0x2ae: {  	_ =	swait.ge [sflag:s18], $0x50  }
0x2af: {  	[sflag:s18] =	ssyncset.done $0x0  }
0x2b0: {  	[sflag:s18] =	ssyncadd.s32 $0xFFFFFFB0  }
0x2b1: {  	_ =	swait.ge [sflag:s17], $0x50  }
0x2b2: {  	[sflag:s17] =	ssyncset.done $0x0  }
0x2b3: {  	[sflag:s17] =	ssyncadd.s32 $0xFFFFFFB0  }
0x2b4: {  	_ =	swait.ge [sflag:s18], $0x50  }
0x2b5: {  	[sflag:s18] =	ssyncset.done $0x0  }
0x2b6: {  	[sflag:s18] =	ssyncadd.s32 $0xFFFFFFB0  }
0x2b7: {  	_ =	swait.ge [sflag:s17], $0x50  }
0x2b8: {  	[sflag:s17] =	ssyncset.done $0x0  }
0x2b9: {  	[sflag:s17] =	ssyncadd.s32 $0xFFFFFFB0  }
0x2ba: {  	_ =	swait.ge [sflag:s18], $0x50  }
0x2bb: {  	[sflag:s18] =	ssyncset.done $0x0  }
0x2bc: {  	[sflag:s18] =	ssyncadd.s32 $0xFFFFFFB0  }
0x2bd: {  	_ =	swait.ge [sflag:s17], $0x50  }
0x2be: {  	[sflag:s17] =	ssyncset.done $0x0  }
0x2bf: {  	[sflag:s17] =	ssyncadd.s32 $0xFFFFFFB0  }
0x2c0: {  	_ =	swait.ge [sflag:s18], $0x50  }
0x2c1: {  	[sflag:s18] =	ssyncset.done $0x0  }
0x2c2: {  	[sflag:s18] =	ssyncadd.s32 $0xFFFFFFB0  }
0x2c3: {  	_ =	swait.ge [sflag:s17], $0x50  }
0x2c4: {  	[sflag:s17] =	ssyncset.done $0x0  }
0x2c5: {  	[sflag:s17] =	ssyncadd.s32 $0xFFFFFFB0  }
0x2c6: {  	_ =	swait.ge [sflag:s18], $0x50  }
0x2c7: {  	[sflag:s18] =	ssyncset.done $0x0  }
0x2c8: {  	[sflag:s18] =	ssyncadd.s32 $0xFFFFFFB0  }
0x2c9: {  	_ =	swait.ge [sflag:s17], $0x50  }
0x2ca: {  	[sflag:s17] =	ssyncset.done $0x0  }
0x2cb: {  	[sflag:s17] =	ssyncadd.s32 $0xFFFFFFB0  }
0x2cc: {  	_ =	swait.ge [sflag:s18], $0x50  }
0x2cd: {  	[sflag:s18] =	ssyncset.done $0x0  }
0x2ce: {  	[sflag:s18] =	ssyncadd.s32 $0xFFFFFFB0  }
0x2cf: {  	_ =	swait.ge [sflag:s17], $0x50  }
0x2d0: {  	[sflag:s17] =	ssyncset.done $0x0  }
0x2d1: {  	[sflag:s17] =	ssyncadd.s32 $0xFFFFFFB0  }
0x2d2: {  	_ =	swait.ge [sflag:s18], $0x50  }
0x2d3: {  	[sflag:s18] =	ssyncset.done $0x0  }
0x2d4: {  	[sflag:s18] =	ssyncadd.s32 $0xFFFFFFB0  }
0x2d5: {  	_ =	swait.ge [sflag:s17], $0x50  }
0x2d6: {  	[sflag:s17] =	ssyncset.done $0x0  }
0x2d7: {  	[sflag:s17] =	ssyncadd.s32 $0xFFFFFFB0  }
0x2d8: {  	_ =	swait.ge [sflag:s18], $0x50  }
0x2d9: {  	[sflag:s18] =	ssyncset.done $0x0  }
0x2da: {  	[sflag:s18] =	ssyncadd.s32 $0xFFFFFFB0  }
0x2db: {  	_ =	swait.ge [sflag:s17], $0x50  }
0x2dc: {  	[sflag:s17] =	ssyncset.done $0x0  }
0x2dd: {  	[sflag:s17] =	ssyncadd.s32 $0xFFFFFFB0  }
0x2de: {  	_ =	swait.ge [sflag:s18], $0x50  }
0x2df: {  	[sflag:s18] =	ssyncset.done $0x0  }
0x2e0: {  	[sflag:s18] =	ssyncadd.s32 $0xFFFFFFB0  }
0x2e1: {  	_ =	swait.ge [sflag:s17], $0x50  }
0x2e2: {  	[sflag:s17] =	ssyncset.done $0x0  }
0x2e3: {  	[sflag:s17] =	ssyncadd.s32 $0xFFFFFFB0  }
0x2e4: {  	_ =	swait.ge [sflag:s18], $0x50  }
0x2e5: {  	[sflag:s18] =	ssyncset.done $0x0  }
0x2e6: {  	[sflag:s18] =	ssyncadd.s32 $0xFFFFFFB0  }
0x2e7: {  	_ =	swait.ge [sflag:s17], $0x50  }
0x2e8: {  	[sflag:s17] =	ssyncset.done $0x0  }
0x2e9: {  	[sflag:s17] =	ssyncadd.s32 $0xFFFFFFB0  }
0x2ea: {  	_ =	swait.ge [sflag:s18], $0x50  }
0x2eb: {  	[sflag:s18] =	ssyncset.done $0x0  }
0x2ec: {  	[sflag:s18] =	ssyncadd.s32 $0xFFFFFFB0  }
0x2ed: {  	_ =	swait.ge [sflag:s17], $0x50  }
0x2ee: {  	[sflag:s17] =	ssyncset.done $0x0  }
0x2ef: {  	[sflag:s17] =	ssyncadd.s32 $0xFFFFFFB0  }
0x2f0: {  	_ =	swait.ge [sflag:s18], $0x50  }
0x2f1: {  	[sflag:s18] =	ssyncset.done $0x0  }
0x2f2: {  	[sflag:s18] =	ssyncadd.s32 $0xFFFFFFB0  }
0x2f3: {  	_ =	swait.ge [sflag:s17], $0x50  }
0x2f4: {  	[sflag:s17] =	ssyncset.done $0x0  }
0x2f5: {  	[sflag:s17] =	ssyncadd.s32 $0xFFFFFFB0  }
0x2f6: {  	_ =	swait.ge [sflag:s18], $0x50  }
0x2f7: {  	[sflag:s18] =	ssyncset.done $0x0  }
0x2f8: {  	[sflag:s18] =	ssyncadd.s32 $0xFFFFFFB0  }
0x2f9: {  	_ =	swait.ge [sflag:s17], $0x50  }
0x2fa: {  	[sflag:s17] =	ssyncset.done $0x0  }
0x2fb: {  	[sflag:s17] =	ssyncadd.s32 $0xFFFFFFB0  }
0x2fc: {  	_ =	swait.ge [sflag:s18], $0x50  }
0x2fd: {  	[sflag:s18] =	ssyncset.done $0x0  }
0x2fe: {  	[sflag:s18] =	ssyncadd.s32 $0xFFFFFFB0  }
0x2ff: {  	_ =	swait.ge [sflag:s17], $0x50  }
0x300: {  	[sflag:s17] =	ssyncset.done $0x0  }
0x301: {  	[sflag:s17] =	ssyncadd.s32 $0xFFFFFFB0  }
0x302: {  	_ =	swait.ge [sflag:s18], $0x50  }
0x303: {  	[sflag:s18] =	ssyncset.done $0x0  }
0x304: {  	[sflag:s18] =	ssyncadd.s32 $0xFFFFFFB0  }
0x305: {  	_ =	swait.ge [sflag:s17], $0x50  }
0x306: {  	[sflag:s17] =	ssyncset.done $0x0  }
0x307: {  	[sflag:s17] =	ssyncadd.s32 $0xFFFFFFB0  }
0x308: {  	_ =	swait.ge [sflag:s18], $0x50  }
0x309: {  	[sflag:s18] =	ssyncset.done $0x0  }
0x30a: {  	[sflag:s18] =	ssyncadd.s32 $0xFFFFFFB0  }
0x30b: {  	_ =	swait.ge [sflag:s17], $0x50  }
0x30c: {  	[sflag:s17] =	ssyncset.done $0x0  }
0x30d: {  	[sflag:s17] =	ssyncadd.s32 $0xFFFFFFB0  }
0x30e: {  	_ =	swait.ge [sflag:s18], $0x50  }
0x30f: {  	[sflag:s18] =	ssyncset.done $0x0  }
0x310: {  	[sflag:s18] =	ssyncadd.s32 $0xFFFFFFB0  }
0x311: {  	_ =	swait.ge [sflag:s17], $0x50  }
0x312: {  	[sflag:s17] =	ssyncset.done $0x0  }
0x313: {  	[sflag:s17] =	ssyncadd.s32 $0xFFFFFFB0  }
0x314: {  	_ =	swait.ge [sflag:s18], $0x50  }
0x315: {  	[sflag:s18] =	ssyncset.done $0x0  }
0x316: {  	[sflag:s18] =	ssyncadd.s32 $0xFFFFFFB0  }
0x317: {  	_ =	swait.ge [sflag:s17], $0x50  }
0x318: {  	[sflag:s17] =	ssyncset.done $0x0  }
0x319: {  	[sflag:s17] =	ssyncadd.s32 $0xFFFFFFB0  }
0x31a: {  	_ =	swait.ge [sflag:s18], $0x50  }
0x31b: {  	[sflag:s18] =	ssyncset.done $0x0  }
0x31c: {  	[sflag:s18] =	ssyncadd.s32 $0xFFFFFFB0  }
0x31d: {  	_ =	swait.ge [sflag:s17], $0x50  }
0x31e: {  	[sflag:s17] =	ssyncset.done $0x0  }
0x31f: {  	[sflag:s17] =	ssyncadd.s32 $0xFFFFFFB0  }
0x320: {  	_ =	swait.ge [sflag:s18], $0x50  }
0x321: {  	[sflag:s18] =	ssyncset.done $0x0  }
0x322: {  	[sflag:s18] =	ssyncadd.s32 $0xFFFFFFB0  }
0x323: {  	_ =	swait.ge [sflag:s17], $0x50  }
0x324: {  	[sflag:s17] =	ssyncset.done $0x0  }
0x325: {  	[sflag:s17] =	ssyncadd.s32 $0xFFFFFFB0  }
0x326: {  	_ =	swait.ge [sflag:s18], $0x50  }
0x327: {  	[sflag:s18] =	ssyncset.done $0x0  }
0x328: {  	[sflag:s18] =	ssyncadd.s32 $0xFFFFFFB0  }
0x329: {  	_ =	swait.ge [sflag:s17], $0x50  }
0x32a: {  	[sflag:s17] =	ssyncset.done $0x0  }
0x32b: {  	[sflag:s17] =	ssyncadd.s32 $0xFFFFFFB0  }
0x32c: {  	_ =	swait.ge [sflag:s18], $0x50  }
0x32d: {  	[sflag:s18] =	ssyncset.done $0x0  }
0x32e: {  	[sflag:s18] =	ssyncadd.s32 $0xFFFFFFB0  }
0x32f: {  	_ =	swait.ge [sflag:s17], $0x50  }
0x330: {  	[sflag:s17] =	ssyncset.done $0x0  }
0x331: {  	[sflag:s17] =	ssyncadd.s32 $0xFFFFFFB0  }
0x332: {  	_ =	swait.ge [sflag:s18], $0x50  }
0x333: {  	[sflag:s18] =	ssyncset.done $0x0  }
0x334: {  	[sflag:s18] =	ssyncadd.s32 $0xFFFFFFB0  }
0x335: {  	_ =	swait.ge [sflag:s17], $0x50  }
0x336: {  	[sflag:s17] =	ssyncset.done $0x0  }
0x337: {  	[sflag:s17] =	ssyncadd.s32 $0xFFFFFFB0  }
0x338: {  	_ =	swait.ge [sflag:s18], $0x50  }
0x339: {  	[sflag:s18] =	ssyncset.done $0x0  }
0x33a: {  	[sflag:s18] =	ssyncadd.s32 $0xFFFFFFB0  }
0x33b: {  	[bflag:$0x0] =	sbarrier.arrive $0xFFFF  }
0x33c: {  	[tilespmem:s15], [sflag:$0x3] =	stream.linear.gather [spmem:s8], $0x280, $0x38;
	[tilespmem:$0xAF00] =	vst v63  }
0x33d: {  	_ =	swait.ge [sflag:s13], $0x280  }
0x33e: {  	[sflag:s13] =	ssyncset.done $0x0  }
0x33f: {  	[sflag:s13] =	ssyncadd.s32 $0xFFFFFD80  }
0x340: {  	[hbm4b:s10+s4] =	stream.linear.scatter [tilespmem:s15], [sflag:$0x3], $0x280, $0x38;
	[tilespmem:$0xAF00] =	vst v63  }
0x341: {  	_ =	swait.ge [sflag:s13], $0x280  }
0x342: {  	[sflag:s13] =	ssyncset.done $0x0  }
0x343: {  	[sflag:s13] =	ssyncadd.s32 $0xFFFFFD80  }
0x344: {  	[tilespmem:s15], [sflag:$0x3] =	stream.linear.gather [spmem:s9], $0x280, $0x38;
	[tilespmem:$0xAF00] =	vst v63  }
0x345: {  	s19 =	sadd.s32 $0x1, s19;
	_ =	swait.ge [sflag:s13], $0x280  }
0x346: {  	p0 =	sne.s32 s19, s12;
	[sflag:s13] =	ssyncset.done $0x0  }
.Ltmp1:
0x347: {  	[sflag:s13] =	ssyncadd.s32 $0xFFFFFD80;
	(pc) =	sbr.rel @p0 .LBB2_1-.Ltmp1, $4  }
0x348: {  	[hbm4b:s11+s4] =	stream.linear.scatter [tilespmem:s15], [sflag:$0x3], $0x280, $0x38;
	[tilespmem:$0xAF00] =	vst v63  }
0x349: {  	_ =	swait.ge [sflag:s13], $0x280  }
0x34a: {  	[sflag:s13] =	ssyncset.done $0x0  }
0x34b: {  	[sflag:s13] =	ssyncadd.s32 $0xFFFFFD80  }
0x34c: {  	_ =	sfence.sel $0x180000  }
0x34d: {  	[bflag:$0x0] =	sbarrier.arrive $0xFFFF  }
0x34e: {  	p0 =	sne.s32 s3, $0x0;
	_ =	strace $0x90000047  }
0x34f: {  	s0 =	sadd.s32 @!p0 $0x100000, s0;
	[bflag:$0x2] =	sbarrier.arrive $0xFFFF  }
0x350: {  	[sflag:s0] =	ssyncadd.tile.s32 @!p0 $0x1;
	_ =	shalt  }
.Lfunc_end2:
_tile_overlayer_lowered:
.L_overlay_start_2:
0x351: {  	(tag) =	ssettag $0x2  }
0x352: {  	s0 =	rddreg [dreg:$0x0];
	s2 =	stileid.u32  }
0x353: {  	s1 =	rddreg [dreg:$0x1];
	p0 =	sne.s32 s2, $0x0  }
0x354: {  	s3 =	rddreg [dreg:$0x2];
	[bflag:$0x3] =	sbarrier.arrive $0xFFFF;
	s2 =	simm.s32 @!p0 $0x1C03  }
0x355: {  	[timem:s3], [sflag:s2] =	dma.local @!p0 [hbm:s0], s1  }
0x356: {  	s0 =	simm.s32 @!p0 $0x3  }
0x357: {  	_ =	swait.ge @!p0 [sflag:s0], s1  }
0x358: {  	s1 =	ssub.s32 @!p0 $0x0, s1;
	[sflag:s0] =	ssyncset.done @!p0 $0x0  }
0x359: {  	[sflag:s0] =	ssyncadd.s32 @!p0 s1  }
0x35a: {  	[bflag:$0x3] =	sbarrier.arrive $0xFFFF  }
0x35b: {  	_ =	shalt  }

</sc_bundles>
